<compile_context>
chip_gen: v7x
topology: tpu7x:2x2x1
jax: 0.10.2.dev20260603
libtpu: 0.0.44.dev20260713+nightly
codegen_flags: <defaults>
</compile_context>

<pallas_src>
import functools

import jax
import jax.numpy as jnp
from jax import lax
from jax.experimental import pallas as pl
from jax.experimental.pallas import tpu as pltpu
from jax.experimental.pallas import tpu_sc as plsc

NC = 2
NS = 16
CH = 128
KB = 20
NGRAPH = 64


@functools.partial(jax.jit, static_argnums=(2, 3))
def _sc_agg(h, edges, n_nodes, nblk):
    dw = h.shape[1]
    mesh = plsc.VectorSubcoreMesh(core_axis_name="c", subcore_axis_name="s",
                                  num_cores=NC, num_subcores=NS)
    rpt = (-(-(n_nodes // 8) // NS)) * 8
    rpt_last = n_nodes - (NS - 1) * rpt

    @functools.partial(
        pl.kernel,
        out_type=[jax.ShapeDtypeStruct((n_nodes, dw), jnp.float32),
                  jax.ShapeDtypeStruct((n_nodes, dw), jnp.float32)],
        mesh=mesh,
        scratch_types=[
            pltpu.VMEM_SHARED((n_nodes + 8, dw), jnp.float32),
            pltpu.VMEM((KB, 2, CH), jnp.int32),
            pltpu.VMEM((KB, 2, CH), jnp.int32),
            pltpu.VMEM((CH, dw), jnp.float32),
            pltpu.VMEM((CH, dw), jnp.float32),
            pltpu.SemaphoreType.DMA,
            pltpu.SemaphoreType.DMA,
            pltpu.SemaphoreType.DMA,
            pltpu.SemaphoreType.DMA,
        ],
    )
    def agg(h_hbm, e_hbm, out0, out1, acc, idx_a, idx_b,
            rows_a, rows_b, sem_a, sem_b, sem_ia, sem_ib):
        c = lax.axis_index("c")
        s = lax.axis_index("s")
        wid = c * NS + s
        pltpu.async_copy(e_hbm.at[wid, 0], idx_a, sem_ia)
        pltpu.async_copy(e_hbm.at[wid, 1], idx_b, sem_ib)

        @pl.when(s < NS - 1)
        def _():
            sl = pl.ds(s * rpt, rpt)
            pltpu.sync_copy(h_hbm.at[sl], acc.at[sl])

        @pl.when(s == NS - 1)
        def _():
            sl = pl.ds((NS - 1) * rpt, rpt_last)
            pltpu.sync_copy(h_hbm.at[sl], acc.at[sl])

        def do_block(bb, idx, semi, first):
            pltpu.make_async_copy(e_hbm.at[wid, bb], idx, semi).wait()

            pltpu.async_copy(h_hbm.at[idx.at[0, 0]], rows_a, sem_a)
            pltpu.async_copy(h_hbm.at[idx.at[1, 0]], rows_b, sem_b)
            if first:
                plsc.subcore_barrier()

            @pl.loop(0, KB, step=2)
            def _(k):
                pltpu.make_async_copy(h_hbm.at[idx.at[k, 0]], rows_a,
                                      sem_a).wait()
                pltpu.sync_copy(rows_a, acc.at[idx.at[k, 1]], add=True)

                @pl.when(k + 2 < KB)
                def _():
                    pltpu.async_copy(h_hbm.at[idx.at[k + 2, 0]], rows_a,
                                     sem_a)

                pltpu.make_async_copy(h_hbm.at[idx.at[k + 1, 0]], rows_b,
                                      sem_b).wait()
                pltpu.sync_copy(rows_b, acc.at[idx.at[k + 1, 1]], add=True)

                @pl.when(k + 3 < KB)
                def _():
                    pltpu.async_copy(h_hbm.at[idx.at[k + 3, 0]], rows_b,
                                     sem_b)

            @pl.when(bb + 2 < nblk)
            def _():
                pltpu.async_copy(e_hbm.at[wid, bb + 2], idx, semi)

        do_block(0, idx_a, sem_ia, True)
        do_block(1, idx_b, sem_ib, False)

        @pl.loop(2, nblk, step=2)
        def _(bb):
            do_block(bb, idx_a, sem_ia, False)
            do_block(bb + 1, idx_b, sem_ib, False)

        plsc.subcore_barrier()

        def wb(out):
            @pl.when(s < NS - 1)
            def _():
                sl = pl.ds(s * rpt, rpt)
                pltpu.sync_copy(acc.at[sl], out.at[sl])

            @pl.when(s == NS - 1)
            def _():
                sl = pl.ds((NS - 1) * rpt, rpt_last)
                pltpu.sync_copy(acc.at[sl], out.at[sl])

        @pl.when(c == 0)
        def _():
            wb(out0)

        @pl.when(c == 1)
        def _():
            wb(out1)

    return agg(h, edges)


def _tc_layer(a0, a1, hprev, w1, b1, w2, b2, g, be, batch2, br,
              readout=None):
    n_nodes, din = hprev.shape
    k = w1.shape[1]
    nb = n_nodes // br
    grid = (nb,)
    row = lambda i: (i, 0)
    fix = lambda i: (0, 0)
    if readout is None:
        extra = ()
        extra_specs = []
        out_specs = [pl.BlockSpec((n_nodes, k), fix),
                     pl.BlockSpec((NGRAPH, k), fix)]
        out_shape = [jax.ShapeDtypeStruct((n_nodes, k), jnp.float32),
                     jax.ShapeDtypeStruct((NGRAPH, k), jnp.float32)]
    else:
        extra = tuple(readout)
        extra_specs = [pl.BlockSpec(p.shape, fix) for p in extra]
        nclass = extra[4].shape[1]
        out_specs = [pl.BlockSpec((NGRAPH, nclass), fix)]
        out_shape = [jax.ShapeDtypeStruct((NGRAPH, nclass), jnp.float32)]

    def body(a0_ref, a1_ref, hp_ref, w1_ref, b1_ref, w2_ref, b2_ref,
             g_ref, be_ref, batch_ref, *rest):
        hpre_ref = rest[-1]
        acc_ref = rest[-2]
        i = pl.program_id(0)
        hin = a0_ref[...] + a1_ref[...] - hp_ref[...]
        t = jnp.dot(hin, w1_ref[...], preferred_element_type=jnp.float32)
        t = jax.nn.gelu(t + b1_ref[...])
        hpre = jnp.dot(t, w2_ref[...], preferred_element_type=jnp.float32)
        hpre = hpre + b2_ref[...]
        hpre_ref[pl.ds(i * br, br), :] = hpre
        ps = jnp.sum(hpre, axis=0)
        pq = jnp.sum(hpre * hpre, axis=0)

        @pl.when(i == 0)
        def _():
            acc_ref[...] = jnp.zeros_like(acc_ref)

        acc_ref[0] += ps
        acc_ref[1] += pq

        @pl.when(i == nb - 1)
        def _():
            mu = acc_ref[0] / n_nodes
            var = acc_ref[1] / n_nodes - mu * mu
            scale = g_ref[0] * lax.rsqrt(var + 1e-5)
            shift = be_ref[0] - mu * scale
            hb = jax.nn.gelu(hpre_ref[...] * scale + shift)
            b = batch_ref[0]
            oh = (b[:, None] ==
                  lax.broadcasted_iota(jnp.int32, (n_nodes, NGRAPH), 1))
            pp = lax.dot_general(oh.astype(jnp.float32), hb,
                                 (((0,), (0,)), ((), ())),
                                 preferred_element_type=jnp.float32)
            if readout is None:
                h_ref, p_ref = rest[0], rest[1]
                h_ref[...] = hb
                p_ref[...] = pp
            else:
                p1_ref, p2_ref, wl1_ref, bl1_ref, wl2_ref, bl2_ref = rest[:6]
                out_ref = rest[6]
                pc = jnp.concatenate(
                    [p1_ref[...], p2_ref[...], pp], axis=1)
                hh = jnp.dot(pc, wl1_ref[...],
                             preferred_element_type=jnp.float32)
                hh = jnp.maximum(hh + bl1_ref[...], 0.0)
                out = jnp.dot(hh, wl2_ref[...],
                              preferred_element_type=jnp.float32)
                out_ref[...] = out + bl2_ref[...]

    return pl.pallas_call(
        body,
        grid=grid,
        in_specs=[
            pl.BlockSpec((br, din), row),
            pl.BlockSpec((br, din), row),
            pl.BlockSpec((br, din), row),
            pl.BlockSpec((din, k), fix),
            pl.BlockSpec((1, k), fix),
            pl.BlockSpec((k, k), fix),
            pl.BlockSpec((1, k), fix),
            pl.BlockSpec((1, k), fix),
            pl.BlockSpec((1, k), fix),
            pl.BlockSpec((1, n_nodes), fix),
        ] + extra_specs,
        out_specs=out_specs,
        out_shape=out_shape,
        scratch_shapes=[pltpu.VMEM((8, k), jnp.float32),
                        pltpu.VMEM((n_nodes, k), jnp.float32)],
    )(a0, a1, hprev, w1, b1, w2, b2, g, be, batch2, *extra)


def kernel(x, edge_index, batch, W11, b11, W12, b12, g1, be1,
           W21, b21, W22, b22, g2, be2,
           W31, b31, W32, b32, g3, be3,
           Wl1, bl1, Wl2, bl2):
    n, d = x.shape
    e = edge_index.shape[1]
    nw = NC * NS
    blk_edges = KB * CH
    nblk = -(-e // (nw * blk_edges))
    if nblk % 2:
        nblk += 1
    epad = nw * nblk * blk_edges
    src = edge_index[0]
    dst = edge_index[1]
    if epad > e:
        pad = epad - e
        pad_src = (jnp.arange(pad, dtype=jnp.int32) * 977) % n
        pad_dst = n + (jnp.arange(pad, dtype=jnp.int32) % 8)
        src = jnp.concatenate([src, pad_src])
        dst = jnp.concatenate([dst, pad_dst])
    edges = jnp.stack([src.reshape(nw, nblk, KB, CH),
                       dst.reshape(nw, nblk, KB, CH)], axis=3)

    br = 2000
    batch2 = batch.reshape(1, n)
    r2 = lambda v: v.reshape(1, -1)

    a0, a1 = _sc_agg(x, edges, n, nblk)
    h1, p1 = _tc_layer(a0, a1, x, W11, r2(b11), W12, r2(b12),
                       r2(g1), r2(be1), batch2, br)

    a0, a1 = _sc_agg(h1, edges, n, nblk)
    h2, p2 = _tc_layer(a0, a1, h1, W21, r2(b21), W22, r2(b22),
                       r2(g2), r2(be2), batch2, br)

    a0, a1 = _sc_agg(h2, edges, n, nblk)
    (out,) = _tc_layer(a0, a1, h2, W31, r2(b31), W32, r2(b32),
                       r2(g3), r2(be3), batch2, br,
                       readout=(p1, p2, Wl1, r2(bl1), Wl2, r2(bl2)))
    return out

# --- scband reference (transcript-rebuilt; emitter-appended) ---
"""Pipeline reference for scband-gin-6897717478006 (READ-ONLY COPY).

The authoritative reference and input builder live on the scoring server;
editing this copy changes nothing except your own understanding.
"""

import jax, jax.numpy as jnp
import numpy as np

N = 10000
E = 320000
D = 128
DH = 128
DL = 512
G = 64
C = 10


def setup_inputs(seed: int = 0) -> dict:
    key = jax.random.key(seed)
    ks = jax.random.split(key, 32)

    def w(k, shape, fan_in):
        return (jax.random.normal(k, shape, dtype=jnp.float32) / np.sqrt(fan_in)).astype(jnp.float32)

    inp = {}
    inp["x"] = jax.random.normal(ks[0], (N, D), dtype=jnp.float32)
    inp["edge_index"] = jax.random.randint(ks[1], (2, E), 0, N, dtype=jnp.int32)
    inp["batch"] = jnp.sort(jax.random.randint(ks[2], (N,), 0, G, dtype=jnp.int32))
    # conv1 MLP: Linear(D, DH) -> GELU -> Linear(DH, DH)
    inp["W11"] = w(ks[3], (D, DH), D); inp["b11"] = jnp.zeros((DH,), jnp.float32)
    inp["W12"] = w(ks[4], (DH, DH), DH); inp["b12"] = jnp.zeros((DH,), jnp.float32)
    inp["g1"] = jnp.ones((DH,), jnp.float32); inp["be1"] = jnp.zeros((DH,), jnp.float32)
    # conv2 MLP: Linear(DH, DH) -> GELU -> Linear(DH, DH)
    inp["W21"] = w(ks[5], (DH, DH), DH); inp["b21"] = jnp.zeros((DH,), jnp.float32)
    inp["W22"] = w(ks[6], (DH, DH), DH); inp["b22"] = jnp.zeros((DH,), jnp.float32)
    inp["g2"] = jnp.ones((DH,), jnp.float32); inp["be2"] = jnp.zeros((DH,), jnp.float32)
    # conv3 MLP: Linear(DH, DL) -> GELU -> Linear(DL, DL)
    inp["W31"] = w(ks[7], (DH, DL), DH); inp["b31"] = jnp.zeros((DL,), jnp.float32)
    inp["W32"] = w(ks[8], (DL, DL), DL); inp["b32"] = jnp.zeros((DL,), jnp.float32)
    inp["g3"] = jnp.ones((DL,), jnp.float32); inp["be3"] = jnp.zeros((DL,), jnp.float32)
    # readout: Linear(DH+DH+DL=768, 1024) -> ReLU -> Linear(1024, C)
    RD = DH + DH + DL
    inp["Wl1"] = w(ks[9], (RD, 1024), RD); inp["bl1"] = jnp.zeros((1024,), jnp.float32)
    inp["Wl2"] = w(ks[10], (1024, C), 1024); inp["bl2"] = jnp.zeros((C,), jnp.float32)
    return inp


def _gin_conv(x, edge_index, W1, b1, W2, b2):
    # GINConv with eps=0: MLP((1+eps)*x + sum_{j in N(i)} x_j)
    src = edge_index[0]
    dst = edge_index[1]
    agg = jnp.zeros_like(x).at[dst].add(x[src])
    h = x + agg
    h = h @ W1 + b1
    h = jax.nn.gelu(h)
    h = h @ W2 + b2
    return h


def _bn(h, gamma, beta, eps=1e-5):
    mu = jnp.mean(h, axis=0)
    var = jnp.var(h, axis=0)
    return gamma * (h - mu) / jnp.sqrt(var + eps) + beta


def reference(x, edge_index, batch, W11, b11, W12, b12, g1, be1,
              W21, b21, W22, b22, g2, be2,
              W31, b31, W32, b32, g3, be3,
              Wl1, bl1, Wl2, bl2):
    h1 = _gin_conv(x, edge_index, W11, b11, W12, b12)
    h1 = _bn(h1, g1, be1)
    h1 = jax.nn.gelu(h1)
    # dropout is identity at inference
    h2 = _gin_conv(h1, edge_index, W21, b21, W22, b22)
    h2 = _bn(h2, g2, be2)
    h2 = jax.nn.gelu(h2)
    h3 = _gin_conv(h2, edge_index, W31, b31, W32, b32)
    h3 = _bn(h3, g3, be3)
    h3 = jax.nn.gelu(h3)
    p1 = jax.ops.segment_sum(h1, batch, num_segments=G)
    p2 = jax.ops.segment_sum(h2, batch, num_segments=G)
    p3 = jax.ops.segment_sum(h3, batch, num_segments=G)
    h = jnp.concatenate([p1, p2, p3], axis=1)
    h = jax.nn.relu(h @ Wl1 + bl1)
    h = h @ Wl2 + bl2
    return h

if __name__ == "__main__":
    import jax
    _d = setup_inputs()
    print(jax.jit(kernel)(*tuple(_d.values())))

</pallas_src>

<mosaic_0001>
#map = affine_map<(d0, d1) -> (0, 0)>
#map1 = affine_map<(d0, d1) -> (0, 0, 0, 0, 0)>
module attributes {stable_mosaic.version = 14 : i64} {
  func.func @agg(%arg0: i32, %arg1: i32, %arg2: memref<10000x128xf32, #tpu.memory_space<hbm>>, %arg3: memref<32x4x20x2x128xi32, #tpu.memory_space<hbm>>, %arg4: memref<10000x128xf32, #tpu.memory_space<hbm>>, %arg5: memref<10000x128xf32, #tpu.memory_space<hbm>>, %arg6: memref<10008x128xf32, #tpu.memory_space<vmem_shared>>, %arg7: memref<20x2x128xi32, #tpu.memory_space<vmem>>, %arg8: memref<20x2x128xi32, #tpu.memory_space<vmem>>, %arg9: memref<128x128xf32, #tpu.memory_space<vmem>>, %arg10: memref<128x128xf32, #tpu.memory_space<vmem>>, %arg11: memref<!tpu.dma_semaphore, #tpu.memory_space<semaphore_mem>>, %arg12: memref<!tpu.dma_semaphore, #tpu.memory_space<semaphore_mem>>, %arg13: memref<!tpu.dma_semaphore, #tpu.memory_space<semaphore_mem>>, %arg14: memref<!tpu.dma_semaphore, #tpu.memory_space<semaphore_mem>>) attributes {dimension_semantics = [#tpu.dimension_semantics<core_parallel>, #tpu.dimension_semantics<subcore_parallel>], iteration_bounds = array<i64: 2, 16>, scalar_prefetch = 0 : i64, scratch_operands = 9 : i64, tpu.core_type = #tpu.core_type<sc_vector_subcore>, window_params = [{transform_indices = #map}, {transform_indices = #map1}, {transform_indices = #map}, {transform_indices = #map}]} {
    %mul3A = arith.constant 16 : i32
    %mul3A_0 = arith.muli %arg0, %mul3A : i32
    %add3A = arith.addi %mul3A_0, %arg1 : i32
    %dma_start3A = arith.constant 0 : i32
    %dma_start3A_1 = arith.constant 0 : i32
    %dma_start3A_2 = arith.constant 0 : i32
    %dma_start3A_3 = arith.constant 0 : i32
    %dma_start3A_4 = tpu.memref_slice %arg3[%add3A, %dma_start3A, %dma_start3A_1, %dma_start3A_2, %dma_start3A_3] : memref<32x4x20x2x128xi32, #tpu.memory_space<hbm>> -> memref<1x1x20x2x128xi32, #tpu.memory_space<hbm>>
    %dma_start3A_5 = tpu.memref_squeeze %dma_start3A_4 : memref<1x1x20x2x128xi32, #tpu.memory_space<hbm>> -> memref<20x2x128xi32, #tpu.memory_space<hbm>>
    %dma_start3A_6 = arith.constant 0 : i32
    %dma_start3A_7 = arith.constant 0 : i32
    %dma_start3A_8 = arith.constant 0 : i32
    %dma_start3A_9 = tpu.memref_slice %arg3[%add3A, %dma_start3A, %dma_start3A_6, %dma_start3A_7, %dma_start3A_8] : memref<32x4x20x2x128xi32, #tpu.memory_space<hbm>> -> memref<1x1x20x2x128xi32, #tpu.memory_space<hbm>>
    %dma_start3A_10 = tpu.memref_squeeze %dma_start3A_9 : memref<1x1x20x2x128xi32, #tpu.memory_space<hbm>> -> memref<20x2x128xi32, #tpu.memory_space<hbm>>
    tpu.enqueue_dma source(%dma_start3A_10 : memref<20x2x128xi32, #tpu.memory_space<hbm>>) target(%arg7 : memref<20x2x128xi32, #tpu.memory_space<vmem>>) target_semaphore(%arg13 : memref<!tpu.dma_semaphore, #tpu.memory_space<semaphore_mem>>)
    %dma_start3A_11 = arith.constant 1 : i32
    %dma_start3A_12 = arith.constant 0 : i32
    %dma_start3A_13 = arith.constant 0 : i32
    %dma_start3A_14 = arith.constant 0 : i32
    %dma_start3A_15 = tpu.memref_slice %arg3[%add3A, %dma_start3A_11, %dma_start3A_12, %dma_start3A_13, %dma_start3A_14] : memref<32x4x20x2x128xi32, #tpu.memory_space<hbm>> -> memref<1x1x20x2x128xi32, #tpu.memory_space<hbm>>
    %dma_start3A_16 = tpu.memref_squeeze %dma_start3A_15 : memref<1x1x20x2x128xi32, #tpu.memory_space<hbm>> -> memref<20x2x128xi32, #tpu.memory_space<hbm>>
    %dma_start3A_17 = arith.constant 0 : i32
    %dma_start3A_18 = arith.constant 0 : i32
    %dma_start3A_19 = arith.constant 0 : i32
    %dma_start3A_20 = tpu.memref_slice %arg3[%add3A, %dma_start3A_11, %dma_start3A_17, %dma_start3A_18, %dma_start3A_19] : memref<32x4x20x2x128xi32, #tpu.memory_space<hbm>> -> memref<1x1x20x2x128xi32, #tpu.memory_space<hbm>>
    %dma_start3A_21 = tpu.memref_squeeze %dma_start3A_20 : memref<1x1x20x2x128xi32, #tpu.memory_space<hbm>> -> memref<20x2x128xi32, #tpu.memory_space<hbm>>
    tpu.enqueue_dma source(%dma_start3A_21 : memref<20x2x128xi32, #tpu.memory_space<hbm>>) target(%arg8 : memref<20x2x128xi32, #tpu.memory_space<vmem>>) target_semaphore(%arg14 : memref<!tpu.dma_semaphore, #tpu.memory_space<semaphore_mem>>)
    %lt3A = arith.constant 15 : i32
    %lt3A_22 = arith.cmpi slt, %arg1, %lt3A : i32
    %convert_element_type3A = arith.extui %lt3A_22 : i1 to i32
    %cond3A = arith.constant 0 : i32
    %cond3A_23 = arith.cmpi ne, %convert_element_type3A, %cond3A : i32
    scf.if %cond3A_23 {
      %mul3A_207 = arith.constant 632 : i32
      %mul3A_208 = arith.muli %arg1, %mul3A_207 : i32
      "tpu.region"() ({
        %run_scoped3A = tpu.sem_alloc : memref<!tpu.dma_semaphore, #tpu.memory_space<semaphore_mem>>
        %dma_start3A_209 = arith.constant 0 : i32
        %dma_start3A_210 = tpu.memref_slice %arg6[%mul3A_208, %dma_start3A_209] : memref<10008x128xf32, #tpu.memory_space<vmem_shared>> -> memref<632x128xf32, #tpu.memory_space<vmem_shared>>
        %dma_start3A_211 = arith.constant 0 : i32
        %dma_start3A_212 = tpu.memref_slice %arg2[%mul3A_208, %dma_start3A_211] : memref<10000x128xf32, #tpu.memory_space<hbm>> -> memref<632x128xf32, #tpu.memory_space<hbm>>
        tpu.enqueue_dma source(%dma_start3A_212 : memref<632x128xf32, #tpu.memory_space<hbm>>) target(%dma_start3A_210 : memref<632x128xf32, #tpu.memory_space<vmem_shared>>) target_semaphore(%run_scoped3A : memref<!tpu.dma_semaphore, #tpu.memory_space<semaphore_mem>>)
        %dma_wait3A_213 = arith.constant 0 : i32
        %dma_wait3A_214 = tpu.memref_slice %arg6[%mul3A_208, %dma_wait3A_213] : memref<10008x128xf32, #tpu.memory_space<vmem_shared>> -> memref<632x128xf32, #tpu.memory_space<vmem_shared>>
        %dma_wait3A_215 = arith.constant 0 : i32
        %dma_wait3A_216 = tpu.memref_slice %arg2[%mul3A_208, %dma_wait3A_215] : memref<10000x128xf32, #tpu.memory_space<hbm>> -> memref<632x128xf32, #tpu.memory_space<hbm>>
        tpu.wait_dma2 semaphore(%run_scoped3A : memref<!tpu.dma_semaphore, #tpu.memory_space<semaphore_mem>>) src(%dma_wait3A_216 : memref<632x128xf32, #tpu.memory_space<hbm>>) dst(%dma_wait3A_214 : memref<632x128xf32, #tpu.memory_space<vmem_shared>>)
        tpu.yield
      }) : () -> ()
    } else {
    }
    %eq3A = arith.constant 15 : i32
    %eq3A_24 = arith.cmpi eq, %arg1, %eq3A : i32
    %convert_element_type3A_25 = arith.extui %eq3A_24 : i1 to i32
    %cond3A_26 = arith.constant 0 : i32
    %cond3A_27 = arith.cmpi ne, %convert_element_type3A_25, %cond3A_26 : i32
    scf.if %cond3A_27 {
      "tpu.region"() ({
        %run_scoped3A = tpu.sem_alloc : memref<!tpu.dma_semaphore, #tpu.memory_space<semaphore_mem>>
        %dma_start3A_207 = arith.constant 9480 : i32
        %dma_start3A_208 = arith.constant 0 : i32
        %dma_start3A_209 = tpu.memref_slice %arg6[%dma_start3A_207, %dma_start3A_208] : memref<10008x128xf32, #tpu.memory_space<vmem_shared>> -> memref<520x128xf32, #tpu.memory_space<vmem_shared>>
        %dma_start3A_210 = arith.constant 9480 : i32
        %dma_start3A_211 = arith.constant 0 : i32
        %dma_start3A_212 = tpu.memref_slice %arg2[%dma_start3A_210, %dma_start3A_211] : memref<10000x128xf32, #tpu.memory_space<hbm>> -> memref<520x128xf32, #tpu.memory_space<hbm>>
        tpu.enqueue_dma source(%dma_start3A_212 : memref<520x128xf32, #tpu.memory_space<hbm>>) target(%dma_start3A_209 : memref<520x128xf32, #tpu.memory_space<vmem_shared>>) target_semaphore(%run_scoped3A : memref<!tpu.dma_semaphore, #tpu.memory_space<semaphore_mem>>)
        %dma_wait3A_213 = arith.constant 9480 : i32
        %dma_wait3A_214 = arith.constant 0 : i32
        %dma_wait3A_215 = tpu.memref_slice %arg6[%dma_wait3A_213, %dma_wait3A_214] : memref<10008x128xf32, #tpu.memory_space<vmem_shared>> -> memref<520x128xf32, #tpu.memory_space<vmem_shared>>
        %dma_wait3A_216 = arith.constant 9480 : i32
        %dma_wait3A_217 = arith.constant 0 : i32
        %dma_wait3A_218 = tpu.memref_slice %arg2[%dma_wait3A_216, %dma_wait3A_217] : memref<10000x128xf32, #tpu.memory_space<hbm>> -> memref<520x128xf32, #tpu.memory_space<hbm>>
        tpu.wait_dma2 semaphore(%run_scoped3A : memref<!tpu.dma_semaphore, #tpu.memory_space<semaphore_mem>>) src(%dma_wait3A_218 : memref<520x128xf32, #tpu.memory_space<hbm>>) dst(%dma_wait3A_215 : memref<520x128xf32, #tpu.memory_space<vmem_shared>>)
        tpu.yield
      }) : () -> ()
    } else {
    }
    %dma_wait3A = arith.constant 0 : i32
    %dma_wait3A_28 = arith.constant 0 : i32
    %dma_wait3A_29 = arith.constant 0 : i32
    %dma_wait3A_30 = arith.constant 0 : i32
    %dma_wait3A_31 = tpu.memref_slice %arg3[%add3A, %dma_wait3A, %dma_wait3A_28, %dma_wait3A_29, %dma_wait3A_30] : memref<32x4x20x2x128xi32, #tpu.memory_space<hbm>> -> memref<1x1x20x2x128xi32, #tpu.memory_space<hbm>>
    %dma_wait3A_32 = tpu.memref_squeeze %dma_wait3A_31 : memref<1x1x20x2x128xi32, #tpu.memory_space<hbm>> -> memref<20x2x128xi32, #tpu.memory_space<hbm>>
    %dma_wait3A_33 = arith.constant 0 : i32
    %dma_wait3A_34 = arith.constant 0 : i32
    %dma_wait3A_35 = arith.constant 0 : i32
    %dma_wait3A_36 = tpu.memref_slice %arg3[%add3A, %dma_wait3A, %dma_wait3A_33, %dma_wait3A_34, %dma_wait3A_35] : memref<32x4x20x2x128xi32, #tpu.memory_space<hbm>> -> memref<1x1x20x2x128xi32, #tpu.memory_space<hbm>>
    %dma_wait3A_37 = tpu.memref_squeeze %dma_wait3A_36 : memref<1x1x20x2x128xi32, #tpu.memory_space<hbm>> -> memref<20x2x128xi32, #tpu.memory_space<hbm>>
    tpu.wait_dma2 semaphore(%arg13 : memref<!tpu.dma_semaphore, #tpu.memory_space<semaphore_mem>>) src(%dma_wait3A_37 : memref<20x2x128xi32, #tpu.memory_space<hbm>>) dst(%arg7 : memref<20x2x128xi32, #tpu.memory_space<vmem>>)
    %dma_start3A_38 = arith.constant 0 : i32
    %dma_start3A_39 = arith.constant 0 : i32
    %dma_start3A_40 = arith.constant 0 : i32
    %dma_start3A_41 = tpu.memref_slice %arg7[%dma_start3A_38, %dma_start3A_39, %dma_start3A_40] : memref<20x2x128xi32, #tpu.memory_space<vmem>> -> memref<1x1x128xi32, #tpu.memory_space<vmem>>
    %dma_start3A_42 = tpu.memref_squeeze %dma_start3A_41 : memref<1x1x128xi32, #tpu.memory_space<vmem>> -> memref<128xi32, #tpu.memory_space<vmem>>
    %dma_start3A_43 = arith.constant 0 : i32
    %dma_start3A_44 = arith.constant 0 : i32
    %dma_start3A_45 = tpu.memref_slice %arg2[%dma_start3A_43, %dma_start3A_44] : memref<10000x128xf32, #tpu.memory_space<hbm>> -> memref<10000x128xf32, #tpu.memory_space<hbm>>
    tpu.enqueue_indirect_dma source(%dma_start3A_45 : memref<10000x128xf32, #tpu.memory_space<hbm>>) target(%arg9 : memref<128x128xf32, #tpu.memory_space<vmem>>) offsets(%dma_start3A_42 : memref<128xi32, #tpu.memory_space<vmem>>) semaphore(%arg11 : memref<!tpu.dma_semaphore, #tpu.memory_space<semaphore_mem>>)
    %dma_start3A_46 = arith.constant 1 : i32
    %dma_start3A_47 = arith.constant 0 : i32
    %dma_start3A_48 = arith.constant 0 : i32
    %dma_start3A_49 = tpu.memref_slice %arg7[%dma_start3A_46, %dma_start3A_47, %dma_start3A_48] : memref<20x2x128xi32, #tpu.memory_space<vmem>> -> memref<1x1x128xi32, #tpu.memory_space<vmem>>
    %dma_start3A_50 = tpu.memref_squeeze %dma_start3A_49 : memref<1x1x128xi32, #tpu.memory_space<vmem>> -> memref<128xi32, #tpu.memory_space<vmem>>
    %dma_start3A_51 = arith.constant 0 : i32
    %dma_start3A_52 = arith.constant 0 : i32
    %dma_start3A_53 = tpu.memref_slice %arg2[%dma_start3A_51, %dma_start3A_52] : memref<10000x128xf32, #tpu.memory_space<hbm>> -> memref<10000x128xf32, #tpu.memory_space<hbm>>
    tpu.enqueue_indirect_dma source(%dma_start3A_53 : memref<10000x128xf32, #tpu.memory_space<hbm>>) target(%arg10 : memref<128x128xf32, #tpu.memory_space<vmem>>) offsets(%dma_start3A_50 : memref<128xi32, #tpu.memory_space<vmem>>) semaphore(%arg12 : memref<!tpu.dma_semaphore, #tpu.memory_space<semaphore_mem>>)
    %barrier3A = arith.constant 0 : index
    tpu.barrier barrier_id(%barrier3A)
    %scan3A = arith.constant 0 : i32
    %scan3A_54 = arith.constant 10 : i32
    %scan3A_55 = arith.addi %scan3A, %scan3A_54 : i32
    %scan3A_56 = arith.constant 1 : i32
    scf.for %scan3A_207 = %scan3A to %scan3A_55 step %scan3A_56  : i32 {
      %mul3A_208 = arith.constant 2 : i32
      %mul3A_209 = arith.muli %scan3A_207, %mul3A_208 : i32
      %add3A_210 = arith.constant 0 : i32
      %add3A_211 = arith.addi %add3A_210, %mul3A_209 : i32
      %dma_wait3A_212 = arith.constant 0 : i32
      %dma_wait3A_213 = arith.constant 0 : i32
      %dma_wait3A_214 = tpu.memref_slice %arg7[%add3A_211, %dma_wait3A_212, %dma_wait3A_213] : memref<20x2x128xi32, #tpu.memory_space<vmem>> -> memref<1x1x128xi32, #tpu.memory_space<vmem>>
      %dma_wait3A_215 = tpu.memref_squeeze %dma_wait3A_214 : memref<1x1x128xi32, #tpu.memory_space<vmem>> -> memref<128xi32, #tpu.memory_space<vmem>>
      %dma_wait3A_216 = arith.constant 0 : i32
      %dma_wait3A_217 = arith.constant 0 : i32
      %dma_wait3A_218 = tpu.memref_slice %arg2[%dma_wait3A_216, %dma_wait3A_217] : memref<10000x128xf32, #tpu.memory_space<hbm>> -> memref<10000x128xf32, #tpu.memory_space<hbm>>
      tpu.wait_indirect_dma semaphore(%arg11 : memref<!tpu.dma_semaphore, #tpu.memory_space<semaphore_mem>>) src(%dma_wait3A_218 : memref<10000x128xf32, #tpu.memory_space<hbm>>) dst(%arg9 : memref<128x128xf32, #tpu.memory_space<vmem>>)
      %run_scoped3A = arith.constant 1 : i32
      "tpu.region"() ({
        %run_scoped3A_245 = tpu.sem_alloc : memref<!tpu.dma_semaphore, #tpu.memory_space<semaphore_mem>>
        %dma_start3A_246 = arith.constant 0 : i32
        %dma_start3A_247 = tpu.memref_slice %arg7[%add3A_211, %run_scoped3A, %dma_start3A_246] : memref<20x2x128xi32, #tpu.memory_space<vmem>> -> memref<1x1x128xi32, #tpu.memory_space<vmem>>
        %dma_start3A_248 = tpu.memref_squeeze %dma_start3A_247 : memref<1x1x128xi32, #tpu.memory_space<vmem>> -> memref<128xi32, #tpu.memory_space<vmem>>
        %dma_start3A_249 = arith.constant 0 : i32
        %dma_start3A_250 = arith.constant 0 : i32
        %dma_start3A_251 = tpu.memref_slice %arg6[%dma_start3A_249, %dma_start3A_250] : memref<10008x128xf32, #tpu.memory_space<vmem_shared>> -> memref<10008x128xf32, #tpu.memory_space<vmem_shared>>
        tpu.enqueue_indirect_dma source(%arg9 : memref<128x128xf32, #tpu.memory_space<vmem>>) target(%dma_start3A_251 : memref<10008x128xf32, #tpu.memory_space<vmem_shared>>) offsets(%dma_start3A_248 : memref<128xi32, #tpu.memory_space<vmem>>) semaphore(%run_scoped3A_245 : memref<!tpu.dma_semaphore, #tpu.memory_space<semaphore_mem>>) {add = true}
        %dma_wait3A_252 = arith.constant 0 : i32
        %dma_wait3A_253 = tpu.memref_slice %arg7[%add3A_211, %run_scoped3A, %dma_wait3A_252] : memref<20x2x128xi32, #tpu.memory_space<vmem>> -> memref<1x1x128xi32, #tpu.memory_space<vmem>>
        %dma_wait3A_254 = tpu.memref_squeeze %dma_wait3A_253 : memref<1x1x128xi32, #tpu.memory_space<vmem>> -> memref<128xi32, #tpu.memory_space<vmem>>
        %dma_wait3A_255 = arith.constant 0 : i32
        %dma_wait3A_256 = arith.constant 0 : i32
        %dma_wait3A_257 = tpu.memref_slice %arg6[%dma_wait3A_255, %dma_wait3A_256] : memref<10008x128xf32, #tpu.memory_space<vmem_shared>> -> memref<10008x128xf32, #tpu.memory_space<vmem_shared>>
        tpu.wait_indirect_dma semaphore(%run_scoped3A_245 : memref<!tpu.dma_semaphore, #tpu.memory_space<semaphore_mem>>) src(%arg9 : memref<128x128xf32, #tpu.memory_space<vmem>>) dst(%dma_wait3A_257 : memref<10008x128xf32, #tpu.memory_space<vmem_shared>>)
        tpu.yield
      }) : () -> ()
      %add3A_219 = arith.constant 2 : i32
      %add3A_220 = arith.addi %add3A_211, %add3A_219 : i32
      %lt3A_221 = arith.constant 20 : i32
      %lt3A_222 = arith.cmpi slt, %add3A_220, %lt3A_221 : i32
      %convert_element_type3A_223 = arith.extui %lt3A_222 : i1 to i32
      %cond3A_224 = arith.constant 0 : i32
      %cond3A_225 = arith.cmpi ne, %convert_element_type3A_223, %cond3A_224 : i32
      scf.if %cond3A_225 {
        %add3A_245 = arith.constant 2 : i32
        %add3A_246 = arith.addi %add3A_211, %add3A_245 : i32
        %dma_start3A_247 = arith.constant 0 : i32
        %dma_start3A_248 = arith.constant 0 : i32
        %dma_start3A_249 = tpu.memref_slice %arg7[%add3A_246, %dma_start3A_247, %dma_start3A_248] : memref<20x2x128xi32, #tpu.memory_space<vmem>> -> memref<1x1x128xi32, #tpu.memory_space<vmem>>
        %dma_start3A_250 = tpu.memref_squeeze %dma_start3A_249 : memref<1x1x128xi32, #tpu.memory_space<vmem>> -> memref<128xi32, #tpu.memory_space<vmem>>
        %dma_start3A_251 = arith.constant 0 : i32
        %dma_start3A_252 = arith.constant 0 : i32
        %dma_start3A_253 = tpu.memref_slice %arg2[%dma_start3A_251, %dma_start3A_252] : memref<10000x128xf32, #tpu.memory_space<hbm>> -> memref<10000x128xf32, #tpu.memory_space<hbm>>
        tpu.enqueue_indirect_dma source(%dma_start3A_253 : memref<10000x128xf32, #tpu.memory_space<hbm>>) target(%arg9 : memref<128x128xf32, #tpu.memory_space<vmem>>) offsets(%dma_start3A_250 : memref<128xi32, #tpu.memory_space<vmem>>) semaphore(%arg11 : memref<!tpu.dma_semaphore, #tpu.memory_space<semaphore_mem>>)
      } else {
      }
      %add3A_226 = arith.constant 1 : i32
      %add3A_227 = arith.addi %add3A_211, %add3A_226 : i32
      %dma_wait3A_228 = arith.constant 0 : i32
      %dma_wait3A_229 = arith.constant 0 : i32
      %dma_wait3A_230 = tpu.memref_slice %arg7[%add3A_227, %dma_wait3A_228, %dma_wait3A_229] : memref<20x2x128xi32, #tpu.memory_space<vmem>> -> memref<1x1x128xi32, #tpu.memory_space<vmem>>
      %dma_wait3A_231 = tpu.memref_squeeze %dma_wait3A_230 : memref<1x1x128xi32, #tpu.memory_space<vmem>> -> memref<128xi32, #tpu.memory_space<vmem>>
      %dma_wait3A_232 = arith.constant 0 : i32
      %dma_wait3A_233 = arith.constant 0 : i32
      %dma_wait3A_234 = tpu.memref_slice %arg2[%dma_wait3A_232, %dma_wait3A_233] : memref<10000x128xf32, #tpu.memory_space<hbm>> -> memref<10000x128xf32, #tpu.memory_space<hbm>>
      tpu.wait_indirect_dma semaphore(%arg12 : memref<!tpu.dma_semaphore, #tpu.memory_space<semaphore_mem>>) src(%dma_wait3A_234 : memref<10000x128xf32, #tpu.memory_space<hbm>>) dst(%arg10 : memref<128x128xf32, #tpu.memory_space<vmem>>)
      %add3A_235 = arith.constant 1 : i32
      %add3A_236 = arith.addi %add3A_211, %add3A_235 : i32
      %run_scoped3A_237 = arith.constant 1 : i32
      "tpu.region"() ({
        %run_scoped3A_245 = tpu.sem_alloc : memref<!tpu.dma_semaphore, #tpu.memory_space<semaphore_mem>>
        %dma_start3A_246 = arith.constant 0 : i32
        %dma_start3A_247 = tpu.memref_slice %arg7[%add3A_236, %run_scoped3A_237, %dma_start3A_246] : memref<20x2x128xi32, #tpu.memory_space<vmem>> -> memref<1x1x128xi32, #tpu.memory_space<vmem>>
        %dma_start3A_248 = tpu.memref_squeeze %dma_start3A_247 : memref<1x1x128xi32, #tpu.memory_space<vmem>> -> memref<128xi32, #tpu.memory_space<vmem>>
        %dma_start3A_249 = arith.constant 0 : i32
        %dma_start3A_250 = arith.constant 0 : i32
        %dma_start3A_251 = tpu.memref_slice %arg6[%dma_start3A_249, %dma_start3A_250] : memref<10008x128xf32, #tpu.memory_space<vmem_shared>> -> memref<10008x128xf32, #tpu.memory_space<vmem_shared>>
        tpu.enqueue_indirect_dma source(%arg10 : memref<128x128xf32, #tpu.memory_space<vmem>>) target(%dma_start3A_251 : memref<10008x128xf32, #tpu.memory_space<vmem_shared>>) offsets(%dma_start3A_248 : memref<128xi32, #tpu.memory_space<vmem>>) semaphore(%run_scoped3A_245 : memref<!tpu.dma_semaphore, #tpu.memory_space<semaphore_mem>>) {add = true}
        %dma_wait3A_252 = arith.constant 0 : i32
        %dma_wait3A_253 = tpu.memref_slice %arg7[%add3A_236, %run_scoped3A_237, %dma_wait3A_252] : memref<20x2x128xi32, #tpu.memory_space<vmem>> -> memref<1x1x128xi32, #tpu.memory_space<vmem>>
        %dma_wait3A_254 = tpu.memref_squeeze %dma_wait3A_253 : memref<1x1x128xi32, #tpu.memory_space<vmem>> -> memref<128xi32, #tpu.memory_space<vmem>>
        %dma_wait3A_255 = arith.constant 0 : i32
        %dma_wait3A_256 = arith.constant 0 : i32
        %dma_wait3A_257 = tpu.memref_slice %arg6[%dma_wait3A_255, %dma_wait3A_256] : memref<10008x128xf32, #tpu.memory_space<vmem_shared>> -> memref<10008x128xf32, #tpu.memory_space<vmem_shared>>
        tpu.wait_indirect_dma semaphore(%run_scoped3A_245 : memref<!tpu.dma_semaphore, #tpu.memory_space<semaphore_mem>>) src(%arg10 : memref<128x128xf32, #tpu.memory_space<vmem>>) dst(%dma_wait3A_257 : memref<10008x128xf32, #tpu.memory_space<vmem_shared>>)
        tpu.yield
      }) : () -> ()
      %add3A_238 = arith.constant 3 : i32
      %add3A_239 = arith.addi %add3A_211, %add3A_238 : i32
      %lt3A_240 = arith.constant 20 : i32
      %lt3A_241 = arith.cmpi slt, %add3A_239, %lt3A_240 : i32
      %convert_element_type3A_242 = arith.extui %lt3A_241 : i1 to i32
      %cond3A_243 = arith.constant 0 : i32
      %cond3A_244 = arith.cmpi ne, %convert_element_type3A_242, %cond3A_243 : i32
      scf.if %cond3A_244 {
        %add3A_245 = arith.constant 3 : i32
        %add3A_246 = arith.addi %add3A_211, %add3A_245 : i32
        %dma_start3A_247 = arith.constant 0 : i32
        %dma_start3A_248 = arith.constant 0 : i32
        %dma_start3A_249 = tpu.memref_slice %arg7[%add3A_246, %dma_start3A_247, %dma_start3A_248] : memref<20x2x128xi32, #tpu.memory_space<vmem>> -> memref<1x1x128xi32, #tpu.memory_space<vmem>>
        %dma_start3A_250 = tpu.memref_squeeze %dma_start3A_249 : memref<1x1x128xi32, #tpu.memory_space<vmem>> -> memref<128xi32, #tpu.memory_space<vmem>>
        %dma_start3A_251 = arith.constant 0 : i32
        %dma_start3A_252 = arith.constant 0 : i32
        %dma_start3A_253 = tpu.memref_slice %arg2[%dma_start3A_251, %dma_start3A_252] : memref<10000x128xf32, #tpu.memory_space<hbm>> -> memref<10000x128xf32, #tpu.memory_space<hbm>>
        tpu.enqueue_indirect_dma source(%dma_start3A_253 : memref<10000x128xf32, #tpu.memory_space<hbm>>) target(%arg10 : memref<128x128xf32, #tpu.memory_space<vmem>>) offsets(%dma_start3A_250 : memref<128xi32, #tpu.memory_space<vmem>>) semaphore(%arg12 : memref<!tpu.dma_semaphore, #tpu.memory_space<semaphore_mem>>)
      } else {
      }
    }
    %scan3A_57 = arith.constant 10 : i32
    %dma_start3A_58 = arith.constant 2 : i32
    %dma_start3A_59 = arith.constant 0 : i32
    %dma_start3A_60 = arith.constant 0 : i32
    %dma_start3A_61 = arith.constant 0 : i32
    %dma_start3A_62 = tpu.memref_slice %arg3[%add3A, %dma_start3A_58, %dma_start3A_59, %dma_start3A_60, %dma_start3A_61] : memref<32x4x20x2x128xi32, #tpu.memory_space<hbm>> -> memref<1x1x20x2x128xi32, #tpu.memory_space<hbm>>
    %dma_start3A_63 = tpu.memref_squeeze %dma_start3A_62 : memref<1x1x20x2x128xi32, #tpu.memory_space<hbm>> -> memref<20x2x128xi32, #tpu.memory_space<hbm>>
    %dma_start3A_64 = arith.constant 0 : i32
    %dma_start3A_65 = arith.constant 0 : i32
    %dma_start3A_66 = arith.constant 0 : i32
    %dma_start3A_67 = tpu.memref_slice %arg3[%add3A, %dma_start3A_58, %dma_start3A_64, %dma_start3A_65, %dma_start3A_66] : memref<32x4x20x2x128xi32, #tpu.memory_space<hbm>> -> memref<1x1x20x2x128xi32, #tpu.memory_space<hbm>>
    %dma_start3A_68 = tpu.memref_squeeze %dma_start3A_67 : memref<1x1x20x2x128xi32, #tpu.memory_space<hbm>> -> memref<20x2x128xi32, #tpu.memory_space<hbm>>
    tpu.enqueue_dma source(%dma_start3A_68 : memref<20x2x128xi32, #tpu.memory_space<hbm>>) target(%arg7 : memref<20x2x128xi32, #tpu.memory_space<vmem>>) target_semaphore(%arg13 : memref<!tpu.dma_semaphore, #tpu.memory_space<semaphore_mem>>)
    %dma_wait3A_69 = arith.constant 1 : i32
    %dma_wait3A_70 = arith.constant 0 : i32
    %dma_wait3A_71 = arith.constant 0 : i32
    %dma_wait3A_72 = arith.constant 0 : i32
    %dma_wait3A_73 = tpu.memref_slice %arg3[%add3A, %dma_wait3A_69, %dma_wait3A_70, %dma_wait3A_71, %dma_wait3A_72] : memref<32x4x20x2x128xi32, #tpu.memory_space<hbm>> -> memref<1x1x20x2x128xi32, #tpu.memory_space<hbm>>
    %dma_wait3A_74 = tpu.memref_squeeze %dma_wait3A_73 : memref<1x1x20x2x128xi32, #tpu.memory_space<hbm>> -> memref<20x2x128xi32, #tpu.memory_space<hbm>>
    %dma_wait3A_75 = arith.constant 0 : i32
    %dma_wait3A_76 = arith.constant 0 : i32
    %dma_wait3A_77 = arith.constant 0 : i32
    %dma_wait3A_78 = tpu.memref_slice %arg3[%add3A, %dma_wait3A_69, %dma_wait3A_75, %dma_wait3A_76, %dma_wait3A_77] : memref<32x4x20x2x128xi32, #tpu.memory_space<hbm>> -> memref<1x1x20x2x128xi32, #tpu.memory_space<hbm>>
    %dma_wait3A_79 = tpu.memref_squeeze %dma_wait3A_78 : memref<1x1x20x2x128xi32, #tpu.memory_space<hbm>> -> memref<20x2x128xi32, #tpu.memory_space<hbm>>
    tpu.wait_dma2 semaphore(%arg14 : memref<!tpu.dma_semaphore, #tpu.memory_space<semaphore_mem>>) src(%dma_wait3A_79 : memref<20x2x128xi32, #tpu.memory_space<hbm>>) dst(%arg8 : memref<20x2x128xi32, #tpu.memory_space<vmem>>)
    %dma_start3A_80 = arith.constant 0 : i32
    %dma_start3A_81 = arith.constant 0 : i32
    %dma_start3A_82 = arith.constant 0 : i32
    %dma_start3A_83 = tpu.memref_slice %arg8[%dma_start3A_80, %dma_start3A_81, %dma_start3A_82] : memref<20x2x128xi32, #tpu.memory_space<vmem>> -> memref<1x1x128xi32, #tpu.memory_space<vmem>>
    %dma_start3A_84 = tpu.memref_squeeze %dma_start3A_83 : memref<1x1x128xi32, #tpu.memory_space<vmem>> -> memref<128xi32, #tpu.memory_space<vmem>>
    %dma_start3A_85 = arith.constant 0 : i32
    %dma_start3A_86 = arith.constant 0 : i32
    %dma_start3A_87 = tpu.memref_slice %arg2[%dma_start3A_85, %dma_start3A_86] : memref<10000x128xf32, #tpu.memory_space<hbm>> -> memref<10000x128xf32, #tpu.memory_space<hbm>>
    tpu.enqueue_indirect_dma source(%dma_start3A_87 : memref<10000x128xf32, #tpu.memory_space<hbm>>) target(%arg9 : memref<128x128xf32, #tpu.memory_space<vmem>>) offsets(%dma_start3A_84 : memref<128xi32, #tpu.memory_space<vmem>>) semaphore(%arg11 : memref<!tpu.dma_semaphore, #tpu.memory_space<semaphore_mem>>)
    %dma_start3A_88 = arith.constant 1 : i32
    %dma_start3A_89 = arith.constant 0 : i32
    %dma_start3A_90 = arith.constant 0 : i32
    %dma_start3A_91 = tpu.memref_slice %arg8[%dma_start3A_88, %dma_start3A_89, %dma_start3A_90] : memref<20x2x128xi32, #tpu.memory_space<vmem>> -> memref<1x1x128xi32, #tpu.memory_space<vmem>>
    %dma_start3A_92 = tpu.memref_squeeze %dma_start3A_91 : memref<1x1x128xi32, #tpu.memory_space<vmem>> -> memref<128xi32, #tpu.memory_space<vmem>>
    %dma_start3A_93 = arith.constant 0 : i32
    %dma_start3A_94 = arith.constant 0 : i32
    %dma_start3A_95 = tpu.memref_slice %arg2[%dma_start3A_93, %dma_start3A_94] : memref<10000x128xf32, #tpu.memory_space<hbm>> -> memref<10000x128xf32, #tpu.memory_space<hbm>>
    tpu.enqueue_indirect_dma source(%dma_start3A_95 : memref<10000x128xf32, #tpu.memory_space<hbm>>) target(%arg10 : memref<128x128xf32, #tpu.memory_space<vmem>>) offsets(%dma_start3A_92 : memref<128xi32, #tpu.memory_space<vmem>>) semaphore(%arg12 : memref<!tpu.dma_semaphore, #tpu.memory_space<semaphore_mem>>)
    %scan3A_96 = arith.constant 0 : i32
    %scan3A_97 = arith.constant 10 : i32
    %scan3A_98 = arith.addi %scan3A_96, %scan3A_97 : i32
    %scan3A_99 = arith.constant 1 : i32
    scf.for %scan3A_207 = %scan3A_96 to %scan3A_98 step %scan3A_99  : i32 {
      %mul3A_208 = arith.constant 2 : i32
      %mul3A_209 = arith.muli %scan3A_207, %mul3A_208 : i32
      %add3A_210 = arith.constant 0 : i32
      %add3A_211 = arith.addi %add3A_210, %mul3A_209 : i32
      %dma_wait3A_212 = arith.constant 0 : i32
      %dma_wait3A_213 = arith.constant 0 : i32
      %dma_wait3A_214 = tpu.memref_slice %arg8[%add3A_211, %dma_wait3A_212, %dma_wait3A_213] : memref<20x2x128xi32, #tpu.memory_space<vmem>> -> memref<1x1x128xi32, #tpu.memory_space<vmem>>
      %dma_wait3A_215 = tpu.memref_squeeze %dma_wait3A_214 : memref<1x1x128xi32, #tpu.memory_space<vmem>> -> memref<128xi32, #tpu.memory_space<vmem>>
      %dma_wait3A_216 = arith.constant 0 : i32
      %dma_wait3A_217 = arith.constant 0 : i32
      %dma_wait3A_218 = tpu.memref_slice %arg2[%dma_wait3A_216, %dma_wait3A_217] : memref<10000x128xf32, #tpu.memory_space<hbm>> -> memref<10000x128xf32, #tpu.memory_space<hbm>>
      tpu.wait_indirect_dma semaphore(%arg11 : memref<!tpu.dma_semaphore, #tpu.memory_space<semaphore_mem>>) src(%dma_wait3A_218 : memref<10000x128xf32, #tpu.memory_space<hbm>>) dst(%arg9 : memref<128x128xf32, #tpu.memory_space<vmem>>)
      %run_scoped3A = arith.constant 1 : i32
      "tpu.region"() ({
        %run_scoped3A_245 = tpu.sem_alloc : memref<!tpu.dma_semaphore, #tpu.memory_space<semaphore_mem>>
        %dma_start3A_246 = arith.constant 0 : i32
        %dma_start3A_247 = tpu.memref_slice %arg8[%add3A_211, %run_scoped3A, %dma_start3A_246] : memref<20x2x128xi32, #tpu.memory_space<vmem>> -> memref<1x1x128xi32, #tpu.memory_space<vmem>>
        %dma_start3A_248 = tpu.memref_squeeze %dma_start3A_247 : memref<1x1x128xi32, #tpu.memory_space<vmem>> -> memref<128xi32, #tpu.memory_space<vmem>>
        %dma_start3A_249 = arith.constant 0 : i32
        %dma_start3A_250 = arith.constant 0 : i32
        %dma_start3A_251 = tpu.memref_slice %arg6[%dma_start3A_249, %dma_start3A_250] : memref<10008x128xf32, #tpu.memory_space<vmem_shared>> -> memref<10008x128xf32, #tpu.memory_space<vmem_shared>>
        tpu.enqueue_indirect_dma source(%arg9 : memref<128x128xf32, #tpu.memory_space<vmem>>) target(%dma_start3A_251 : memref<10008x128xf32, #tpu.memory_space<vmem_shared>>) offsets(%dma_start3A_248 : memref<128xi32, #tpu.memory_space<vmem>>) semaphore(%run_scoped3A_245 : memref<!tpu.dma_semaphore, #tpu.memory_space<semaphore_mem>>) {add = true}
        %dma_wait3A_252 = arith.constant 0 : i32
        %dma_wait3A_253 = tpu.memref_slice %arg8[%add3A_211, %run_scoped3A, %dma_wait3A_252] : memref<20x2x128xi32, #tpu.memory_space<vmem>> -> memref<1x1x128xi32, #tpu.memory_space<vmem>>
        %dma_wait3A_254 = tpu.memref_squeeze %dma_wait3A_253 : memref<1x1x128xi32, #tpu.memory_space<vmem>> -> memref<128xi32, #tpu.memory_space<vmem>>
        %dma_wait3A_255 = arith.constant 0 : i32
        %dma_wait3A_256 = arith.constant 0 : i32
        %dma_wait3A_257 = tpu.memref_slice %arg6[%dma_wait3A_255, %dma_wait3A_256] : memref<10008x128xf32, #tpu.memory_space<vmem_shared>> -> memref<10008x128xf32, #tpu.memory_space<vmem_shared>>
        tpu.wait_indirect_dma semaphore(%run_scoped3A_245 : memref<!tpu.dma_semaphore, #tpu.memory_space<semaphore_mem>>) src(%arg9 : memref<128x128xf32, #tpu.memory_space<vmem>>) dst(%dma_wait3A_257 : memref<10008x128xf32, #tpu.memory_space<vmem_shared>>)
        tpu.yield
      }) : () -> ()
      %add3A_219 = arith.constant 2 : i32
      %add3A_220 = arith.addi %add3A_211, %add3A_219 : i32
      %lt3A_221 = arith.constant 20 : i32
      %lt3A_222 = arith.cmpi slt, %add3A_220, %lt3A_221 : i32
      %convert_element_type3A_223 = arith.extui %lt3A_222 : i1 to i32
      %cond3A_224 = arith.constant 0 : i32
      %cond3A_225 = arith.cmpi ne, %convert_element_type3A_223, %cond3A_224 : i32
      scf.if %cond3A_225 {
        %add3A_245 = arith.constant 2 : i32
        %add3A_246 = arith.addi %add3A_211, %add3A_245 : i32
        %dma_start3A_247 = arith.constant 0 : i32
        %dma_start3A_248 = arith.constant 0 : i32
        %dma_start3A_249 = tpu.memref_slice %arg8[%add3A_246, %dma_start3A_247, %dma_start3A_248] : memref<20x2x128xi32, #tpu.memory_space<vmem>> -> memref<1x1x128xi32, #tpu.memory_space<vmem>>
        %dma_start3A_250 = tpu.memref_squeeze %dma_start3A_249 : memref<1x1x128xi32, #tpu.memory_space<vmem>> -> memref<128xi32, #tpu.memory_space<vmem>>
        %dma_start3A_251 = arith.constant 0 : i32
        %dma_start3A_252 = arith.constant 0 : i32
        %dma_start3A_253 = tpu.memref_slice %arg2[%dma_start3A_251, %dma_start3A_252] : memref<10000x128xf32, #tpu.memory_space<hbm>> -> memref<10000x128xf32, #tpu.memory_space<hbm>>
        tpu.enqueue_indirect_dma source(%dma_start3A_253 : memref<10000x128xf32, #tpu.memory_space<hbm>>) target(%arg9 : memref<128x128xf32, #tpu.memory_space<vmem>>) offsets(%dma_start3A_250 : memref<128xi32, #tpu.memory_space<vmem>>) semaphore(%arg11 : memref<!tpu.dma_semaphore, #tpu.memory_space<semaphore_mem>>)
      } else {
      }
      %add3A_226 = arith.constant 1 : i32
      %add3A_227 = arith.addi %add3A_211, %add3A_226 : i32
      %dma_wait3A_228 = arith.constant 0 : i32
      %dma_wait3A_229 = arith.constant 0 : i32
      %dma_wait3A_230 = tpu.memref_slice %arg8[%add3A_227, %dma_wait3A_228, %dma_wait3A_229] : memref<20x2x128xi32, #tpu.memory_space<vmem>> -> memref<1x1x128xi32, #tpu.memory_space<vmem>>
      %dma_wait3A_231 = tpu.memref_squeeze %dma_wait3A_230 : memref<1x1x128xi32, #tpu.memory_space<vmem>> -> memref<128xi32, #tpu.memory_space<vmem>>
      %dma_wait3A_232 = arith.constant 0 : i32
      %dma_wait3A_233 = arith.constant 0 : i32
      %dma_wait3A_234 = tpu.memref_slice %arg2[%dma_wait3A_232, %dma_wait3A_233] : memref<10000x128xf32, #tpu.memory_space<hbm>> -> memref<10000x128xf32, #tpu.memory_space<hbm>>
      tpu.wait_indirect_dma semaphore(%arg12 : memref<!tpu.dma_semaphore, #tpu.memory_space<semaphore_mem>>) src(%dma_wait3A_234 : memref<10000x128xf32, #tpu.memory_space<hbm>>) dst(%arg10 : memref<128x128xf32, #tpu.memory_space<vmem>>)
      %add3A_235 = arith.constant 1 : i32
      %add3A_236 = arith.addi %add3A_211, %add3A_235 : i32
      %run_scoped3A_237 = arith.constant 1 : i32
      "tpu.region"() ({
        %run_scoped3A_245 = tpu.sem_alloc : memref<!tpu.dma_semaphore, #tpu.memory_space<semaphore_mem>>
        %dma_start3A_246 = arith.constant 0 : i32
        %dma_start3A_247 = tpu.memref_slice %arg8[%add3A_236, %run_scoped3A_237, %dma_start3A_246] : memref<20x2x128xi32, #tpu.memory_space<vmem>> -> memref<1x1x128xi32, #tpu.memory_space<vmem>>
        %dma_start3A_248 = tpu.memref_squeeze %dma_start3A_247 : memref<1x1x128xi32, #tpu.memory_space<vmem>> -> memref<128xi32, #tpu.memory_space<vmem>>
        %dma_start3A_249 = arith.constant 0 : i32
        %dma_start3A_250 = arith.constant 0 : i32
        %dma_start3A_251 = tpu.memref_slice %arg6[%dma_start3A_249, %dma_start3A_250] : memref<10008x128xf32, #tpu.memory_space<vmem_shared>> -> memref<10008x128xf32, #tpu.memory_space<vmem_shared>>
        tpu.enqueue_indirect_dma source(%arg10 : memref<128x128xf32, #tpu.memory_space<vmem>>) target(%dma_start3A_251 : memref<10008x128xf32, #tpu.memory_space<vmem_shared>>) offsets(%dma_start3A_248 : memref<128xi32, #tpu.memory_space<vmem>>) semaphore(%run_scoped3A_245 : memref<!tpu.dma_semaphore, #tpu.memory_space<semaphore_mem>>) {add = true}
        %dma_wait3A_252 = arith.constant 0 : i32
        %dma_wait3A_253 = tpu.memref_slice %arg8[%add3A_236, %run_scoped3A_237, %dma_wait3A_252] : memref<20x2x128xi32, #tpu.memory_space<vmem>> -> memref<1x1x128xi32, #tpu.memory_space<vmem>>
        %dma_wait3A_254 = tpu.memref_squeeze %dma_wait3A_253 : memref<1x1x128xi32, #tpu.memory_space<vmem>> -> memref<128xi32, #tpu.memory_space<vmem>>
        %dma_wait3A_255 = arith.constant 0 : i32
        %dma_wait3A_256 = arith.constant 0 : i32
        %dma_wait3A_257 = tpu.memref_slice %arg6[%dma_wait3A_255, %dma_wait3A_256] : memref<10008x128xf32, #tpu.memory_space<vmem_shared>> -> memref<10008x128xf32, #tpu.memory_space<vmem_shared>>
        tpu.wait_indirect_dma semaphore(%run_scoped3A_245 : memref<!tpu.dma_semaphore, #tpu.memory_space<semaphore_mem>>) src(%arg10 : memref<128x128xf32, #tpu.memory_space<vmem>>) dst(%dma_wait3A_257 : memref<10008x128xf32, #tpu.memory_space<vmem_shared>>)
        tpu.yield
      }) : () -> ()
      %add3A_238 = arith.constant 3 : i32
      %add3A_239 = arith.addi %add3A_211, %add3A_238 : i32
      %lt3A_240 = arith.constant 20 : i32
      %lt3A_241 = arith.cmpi slt, %add3A_239, %lt3A_240 : i32
      %convert_element_type3A_242 = arith.extui %lt3A_241 : i1 to i32
      %cond3A_243 = arith.constant 0 : i32
      %cond3A_244 = arith.cmpi ne, %convert_element_type3A_242, %cond3A_243 : i32
      scf.if %cond3A_244 {
        %add3A_245 = arith.constant 3 : i32
        %add3A_246 = arith.addi %add3A_211, %add3A_245 : i32
        %dma_start3A_247 = arith.constant 0 : i32
        %dma_start3A_248 = arith.constant 0 : i32
        %dma_start3A_249 = tpu.memref_slice %arg8[%add3A_246, %dma_start3A_247, %dma_start3A_248] : memref<20x2x128xi32, #tpu.memory_space<vmem>> -> memref<1x1x128xi32, #tpu.memory_space<vmem>>
        %dma_start3A_250 = tpu.memref_squeeze %dma_start3A_249 : memref<1x1x128xi32, #tpu.memory_space<vmem>> -> memref<128xi32, #tpu.memory_space<vmem>>
        %dma_start3A_251 = arith.constant 0 : i32
        %dma_start3A_252 = arith.constant 0 : i32
        %dma_start3A_253 = tpu.memref_slice %arg2[%dma_start3A_251, %dma_start3A_252] : memref<10000x128xf32, #tpu.memory_space<hbm>> -> memref<10000x128xf32, #tpu.memory_space<hbm>>
        tpu.enqueue_indirect_dma source(%dma_start3A_253 : memref<10000x128xf32, #tpu.memory_space<hbm>>) target(%arg10 : memref<128x128xf32, #tpu.memory_space<vmem>>) offsets(%dma_start3A_250 : memref<128xi32, #tpu.memory_space<vmem>>) semaphore(%arg12 : memref<!tpu.dma_semaphore, #tpu.memory_space<semaphore_mem>>)
      } else {
      }
    }
    %scan3A_100 = arith.constant 10 : i32
    %dma_start3A_101 = arith.constant 3 : i32
    %dma_start3A_102 = arith.constant 0 : i32
    %dma_start3A_103 = arith.constant 0 : i32
    %dma_start3A_104 = arith.constant 0 : i32
    %dma_start3A_105 = tpu.memref_slice %arg3[%add3A, %dma_start3A_101, %dma_start3A_102, %dma_start3A_103, %dma_start3A_104] : memref<32x4x20x2x128xi32, #tpu.memory_space<hbm>> -> memref<1x1x20x2x128xi32, #tpu.memory_space<hbm>>
    %dma_start3A_106 = tpu.memref_squeeze %dma_start3A_105 : memref<1x1x20x2x128xi32, #tpu.memory_space<hbm>> -> memref<20x2x128xi32, #tpu.memory_space<hbm>>
    %dma_start3A_107 = arith.constant 0 : i32
    %dma_start3A_108 = arith.constant 0 : i32
    %dma_start3A_109 = arith.constant 0 : i32
    %dma_start3A_110 = tpu.memref_slice %arg3[%add3A, %dma_start3A_101, %dma_start3A_107, %dma_start3A_108, %dma_start3A_109] : memref<32x4x20x2x128xi32, #tpu.memory_space<hbm>> -> memref<1x1x20x2x128xi32, #tpu.memory_space<hbm>>
    %dma_start3A_111 = tpu.memref_squeeze %dma_start3A_110 : memref<1x1x20x2x128xi32, #tpu.memory_space<hbm>> -> memref<20x2x128xi32, #tpu.memory_space<hbm>>
    tpu.enqueue_dma source(%dma_start3A_111 : memref<20x2x128xi32, #tpu.memory_space<hbm>>) target(%arg8 : memref<20x2x128xi32, #tpu.memory_space<vmem>>) target_semaphore(%arg14 : memref<!tpu.dma_semaphore, #tpu.memory_space<semaphore_mem>>)
    %scan3A_112 = arith.constant 0 : i32
    %mul3A_113 = arith.constant 2 : i32
    %mul3A_114 = arith.muli %scan3A_112, %mul3A_113 : i32
    %add3A_115 = arith.constant 2 : i32
    %add3A_116 = arith.addi %add3A_115, %mul3A_114 : i32
    %dma_wait3A_117 = arith.constant 0 : i32
    %dma_wait3A_118 = arith.constant 0 : i32
    %dma_wait3A_119 = arith.constant 0 : i32
    %dma_wait3A_120 = tpu.memref_slice %arg3[%add3A, %add3A_116, %dma_wait3A_117, %dma_wait3A_118, %dma_wait3A_119] : memref<32x4x20x2x128xi32, #tpu.memory_space<hbm>> -> memref<1x1x20x2x128xi32, #tpu.memory_space<hbm>>
    %dma_wait3A_121 = tpu.memref_squeeze %dma_wait3A_120 : memref<1x1x20x2x128xi32, #tpu.memory_space<hbm>> -> memref<20x2x128xi32, #tpu.memory_space<hbm>>
    %dma_wait3A_122 = arith.constant 0 : i32
    %dma_wait3A_123 = arith.constant 0 : i32
    %dma_wait3A_124 = arith.constant 0 : i32
    %dma_wait3A_125 = tpu.memref_slice %arg3[%add3A, %add3A_116, %dma_wait3A_122, %dma_wait3A_123, %dma_wait3A_124] : memref<32x4x20x2x128xi32, #tpu.memory_space<hbm>> -> memref<1x1x20x2x128xi32, #tpu.memory_space<hbm>>
    %dma_wait3A_126 = tpu.memref_squeeze %dma_wait3A_125 : memref<1x1x20x2x128xi32, #tpu.memory_space<hbm>> -> memref<20x2x128xi32, #tpu.memory_space<hbm>>
    tpu.wait_dma2 semaphore(%arg13 : memref<!tpu.dma_semaphore, #tpu.memory_space<semaphore_mem>>) src(%dma_wait3A_126 : memref<20x2x128xi32, #tpu.memory_space<hbm>>) dst(%arg7 : memref<20x2x128xi32, #tpu.memory_space<vmem>>)
    %dma_start3A_127 = arith.constant 0 : i32
    %dma_start3A_128 = arith.constant 0 : i32
    %dma_start3A_129 = arith.constant 0 : i32
    %dma_start3A_130 = tpu.memref_slice %arg7[%dma_start3A_127, %dma_start3A_128, %dma_start3A_129] : memref<20x2x128xi32, #tpu.memory_space<vmem>> -> memref<1x1x128xi32, #tpu.memory_space<vmem>>
    %dma_start3A_131 = tpu.memref_squeeze %dma_start3A_130 : memref<1x1x128xi32, #tpu.memory_space<vmem>> -> memref<128xi32, #tpu.memory_space<vmem>>
    %dma_start3A_132 = arith.constant 0 : i32
    %dma_start3A_133 = arith.constant 0 : i32
    %dma_start3A_134 = tpu.memref_slice %arg2[%dma_start3A_132, %dma_start3A_133] : memref<10000x128xf32, #tpu.memory_space<hbm>> -> memref<10000x128xf32, #tpu.memory_space<hbm>>
    tpu.enqueue_indirect_dma source(%dma_start3A_134 : memref<10000x128xf32, #tpu.memory_space<hbm>>) target(%arg9 : memref<128x128xf32, #tpu.memory_space<vmem>>) offsets(%dma_start3A_131 : memref<128xi32, #tpu.memory_space<vmem>>) semaphore(%arg11 : memref<!tpu.dma_semaphore, #tpu.memory_space<semaphore_mem>>)
    %dma_start3A_135 = arith.constant 1 : i32
    %dma_start3A_136 = arith.constant 0 : i32
    %dma_start3A_137 = arith.constant 0 : i32
    %dma_start3A_138 = tpu.memref_slice %arg7[%dma_start3A_135, %dma_start3A_136, %dma_start3A_137] : memref<20x2x128xi32, #tpu.memory_space<vmem>> -> memref<1x1x128xi32, #tpu.memory_space<vmem>>
    %dma_start3A_139 = tpu.memref_squeeze %dma_start3A_138 : memref<1x1x128xi32, #tpu.memory_space<vmem>> -> memref<128xi32, #tpu.memory_space<vmem>>
    %dma_start3A_140 = arith.constant 0 : i32
    %dma_start3A_141 = arith.constant 0 : i32
    %dma_start3A_142 = tpu.memref_slice %arg2[%dma_start3A_140, %dma_start3A_141] : memref<10000x128xf32, #tpu.memory_space<hbm>> -> memref<10000x128xf32, #tpu.memory_space<hbm>>
    tpu.enqueue_indirect_dma source(%dma_start3A_142 : memref<10000x128xf32, #tpu.memory_space<hbm>>) target(%arg10 : memref<128x128xf32, #tpu.memory_space<vmem>>) offsets(%dma_start3A_139 : memref<128xi32, #tpu.memory_space<vmem>>) semaphore(%arg12 : memref<!tpu.dma_semaphore, #tpu.memory_space<semaphore_mem>>)
    %scan3A_143 = arith.constant 0 : i32
    %scan3A_144 = arith.constant 10 : i32
    %scan3A_145 = arith.addi %scan3A_143, %scan3A_144 : i32
    %scan3A_146 = arith.constant 1 : i32
    scf.for %scan3A_207 = %scan3A_143 to %scan3A_145 step %scan3A_146  : i32 {
      %mul3A_208 = arith.constant 2 : i32
      %mul3A_209 = arith.muli %scan3A_207, %mul3A_208 : i32
      %add3A_210 = arith.constant 0 : i32
      %add3A_211 = arith.addi %add3A_210, %mul3A_209 : i32
      %dma_wait3A_212 = arith.constant 0 : i32
      %dma_wait3A_213 = arith.constant 0 : i32
      %dma_wait3A_214 = tpu.memref_slice %arg7[%add3A_211, %dma_wait3A_212, %dma_wait3A_213] : memref<20x2x128xi32, #tpu.memory_space<vmem>> -> memref<1x1x128xi32, #tpu.memory_space<vmem>>
      %dma_wait3A_215 = tpu.memref_squeeze %dma_wait3A_214 : memref<1x1x128xi32, #tpu.memory_space<vmem>> -> memref<128xi32, #tpu.memory_space<vmem>>
      %dma_wait3A_216 = arith.constant 0 : i32
      %dma_wait3A_217 = arith.constant 0 : i32
      %dma_wait3A_218 = tpu.memref_slice %arg2[%dma_wait3A_216, %dma_wait3A_217] : memref<10000x128xf32, #tpu.memory_space<hbm>> -> memref<10000x128xf32, #tpu.memory_space<hbm>>
      tpu.wait_indirect_dma semaphore(%arg11 : memref<!tpu.dma_semaphore, #tpu.memory_space<semaphore_mem>>) src(%dma_wait3A_218 : memref<10000x128xf32, #tpu.memory_space<hbm>>) dst(%arg9 : memref<128x128xf32, #tpu.memory_space<vmem>>)
      %run_scoped3A = arith.constant 1 : i32
      "tpu.region"() ({
        %run_scoped3A_245 = tpu.sem_alloc : memref<!tpu.dma_semaphore, #tpu.memory_space<semaphore_mem>>
        %dma_start3A_246 = arith.constant 0 : i32
        %dma_start3A_247 = tpu.memref_slice %arg7[%add3A_211, %run_scoped3A, %dma_start3A_246] : memref<20x2x128xi32, #tpu.memory_space<vmem>> -> memref<1x1x128xi32, #tpu.memory_space<vmem>>
        %dma_start3A_248 = tpu.memref_squeeze %dma_start3A_247 : memref<1x1x128xi32, #tpu.memory_space<vmem>> -> memref<128xi32, #tpu.memory_space<vmem>>
        %dma_start3A_249 = arith.constant 0 : i32
        %dma_start3A_250 = arith.constant 0 : i32
        %dma_start3A_251 = tpu.memref_slice %arg6[%dma_start3A_249, %dma_start3A_250] : memref<10008x128xf32, #tpu.memory_space<vmem_shared>> -> memref<10008x128xf32, #tpu.memory_space<vmem_shared>>
        tpu.enqueue_indirect_dma source(%arg9 : memref<128x128xf32, #tpu.memory_space<vmem>>) target(%dma_start3A_251 : memref<10008x128xf32, #tpu.memory_space<vmem_shared>>) offsets(%dma_start3A_248 : memref<128xi32, #tpu.memory_space<vmem>>) semaphore(%run_scoped3A_245 : memref<!tpu.dma_semaphore, #tpu.memory_space<semaphore_mem>>) {add = true}
        %dma_wait3A_252 = arith.constant 0 : i32
        %dma_wait3A_253 = tpu.memref_slice %arg7[%add3A_211, %run_scoped3A, %dma_wait3A_252] : memref<20x2x128xi32, #tpu.memory_space<vmem>> -> memref<1x1x128xi32, #tpu.memory_space<vmem>>
        %dma_wait3A_254 = tpu.memref_squeeze %dma_wait3A_253 : memref<1x1x128xi32, #tpu.memory_space<vmem>> -> memref<128xi32, #tpu.memory_space<vmem>>
        %dma_wait3A_255 = arith.constant 0 : i32
        %dma_wait3A_256 = arith.constant 0 : i32
        %dma_wait3A_257 = tpu.memref_slice %arg6[%dma_wait3A_255, %dma_wait3A_256] : memref<10008x128xf32, #tpu.memory_space<vmem_shared>> -> memref<10008x128xf32, #tpu.memory_space<vmem_shared>>
        tpu.wait_indirect_dma semaphore(%run_scoped3A_245 : memref<!tpu.dma_semaphore, #tpu.memory_space<semaphore_mem>>) src(%arg9 : memref<128x128xf32, #tpu.memory_space<vmem>>) dst(%dma_wait3A_257 : memref<10008x128xf32, #tpu.memory_space<vmem_shared>>)
        tpu.yield
      }) : () -> ()
      %add3A_219 = arith.constant 2 : i32
      %add3A_220 = arith.addi %add3A_211, %add3A_219 : i32
      %lt3A_221 = arith.constant 20 : i32
      %lt3A_222 = arith.cmpi slt, %add3A_220, %lt3A_221 : i32
      %convert_element_type3A_223 = arith.extui %lt3A_222 : i1 to i32
      %cond3A_224 = arith.constant 0 : i32
      %cond3A_225 = arith.cmpi ne, %convert_element_type3A_223, %cond3A_224 : i32
      scf.if %cond3A_225 {
        %add3A_245 = arith.constant 2 : i32
        %add3A_246 = arith.addi %add3A_211, %add3A_245 : i32
        %dma_start3A_247 = arith.constant 0 : i32
        %dma_start3A_248 = arith.constant 0 : i32
        %dma_start3A_249 = tpu.memref_slice %arg7[%add3A_246, %dma_start3A_247, %dma_start3A_248] : memref<20x2x128xi32, #tpu.memory_space<vmem>> -> memref<1x1x128xi32, #tpu.memory_space<vmem>>
        %dma_start3A_250 = tpu.memref_squeeze %dma_start3A_249 : memref<1x1x128xi32, #tpu.memory_space<vmem>> -> memref<128xi32, #tpu.memory_space<vmem>>
        %dma_start3A_251 = arith.constant 0 : i32
        %dma_start3A_252 = arith.constant 0 : i32
        %dma_start3A_253 = tpu.memref_slice %arg2[%dma_start3A_251, %dma_start3A_252] : memref<10000x128xf32, #tpu.memory_space<hbm>> -> memref<10000x128xf32, #tpu.memory_space<hbm>>
        tpu.enqueue_indirect_dma source(%dma_start3A_253 : memref<10000x128xf32, #tpu.memory_space<hbm>>) target(%arg9 : memref<128x128xf32, #tpu.memory_space<vmem>>) offsets(%dma_start3A_250 : memref<128xi32, #tpu.memory_space<vmem>>) semaphore(%arg11 : memref<!tpu.dma_semaphore, #tpu.memory_space<semaphore_mem>>)
      } else {
      }
      %add3A_226 = arith.constant 1 : i32
      %add3A_227 = arith.addi %add3A_211, %add3A_226 : i32
      %dma_wait3A_228 = arith.constant 0 : i32
      %dma_wait3A_229 = arith.constant 0 : i32
      %dma_wait3A_230 = tpu.memref_slice %arg7[%add3A_227, %dma_wait3A_228, %dma_wait3A_229] : memref<20x2x128xi32, #tpu.memory_space<vmem>> -> memref<1x1x128xi32, #tpu.memory_space<vmem>>
      %dma_wait3A_231 = tpu.memref_squeeze %dma_wait3A_230 : memref<1x1x128xi32, #tpu.memory_space<vmem>> -> memref<128xi32, #tpu.memory_space<vmem>>
      %dma_wait3A_232 = arith.constant 0 : i32
      %dma_wait3A_233 = arith.constant 0 : i32
      %dma_wait3A_234 = tpu.memref_slice %arg2[%dma_wait3A_232, %dma_wait3A_233] : memref<10000x128xf32, #tpu.memory_space<hbm>> -> memref<10000x128xf32, #tpu.memory_space<hbm>>
      tpu.wait_indirect_dma semaphore(%arg12 : memref<!tpu.dma_semaphore, #tpu.memory_space<semaphore_mem>>) src(%dma_wait3A_234 : memref<10000x128xf32, #tpu.memory_space<hbm>>) dst(%arg10 : memref<128x128xf32, #tpu.memory_space<vmem>>)
      %add3A_235 = arith.constant 1 : i32
      %add3A_236 = arith.addi %add3A_211, %add3A_235 : i32
      %run_scoped3A_237 = arith.constant 1 : i32
      "tpu.region"() ({
        %run_scoped3A_245 = tpu.sem_alloc : memref<!tpu.dma_semaphore, #tpu.memory_space<semaphore_mem>>
        %dma_start3A_246 = arith.constant 0 : i32
        %dma_start3A_247 = tpu.memref_slice %arg7[%add3A_236, %run_scoped3A_237, %dma_start3A_246] : memref<20x2x128xi32, #tpu.memory_space<vmem>> -> memref<1x1x128xi32, #tpu.memory_space<vmem>>
        %dma_start3A_248 = tpu.memref_squeeze %dma_start3A_247 : memref<1x1x128xi32, #tpu.memory_space<vmem>> -> memref<128xi32, #tpu.memory_space<vmem>>
        %dma_start3A_249 = arith.constant 0 : i32
        %dma_start3A_250 = arith.constant 0 : i32
        %dma_start3A_251 = tpu.memref_slice %arg6[%dma_start3A_249, %dma_start3A_250] : memref<10008x128xf32, #tpu.memory_space<vmem_shared>> -> memref<10008x128xf32, #tpu.memory_space<vmem_shared>>
        tpu.enqueue_indirect_dma source(%arg10 : memref<128x128xf32, #tpu.memory_space<vmem>>) target(%dma_start3A_251 : memref<10008x128xf32, #tpu.memory_space<vmem_shared>>) offsets(%dma_start3A_248 : memref<128xi32, #tpu.memory_space<vmem>>) semaphore(%run_scoped3A_245 : memref<!tpu.dma_semaphore, #tpu.memory_space<semaphore_mem>>) {add = true}
        %dma_wait3A_252 = arith.constant 0 : i32
        %dma_wait3A_253 = tpu.memref_slice %arg7[%add3A_236, %run_scoped3A_237, %dma_wait3A_252] : memref<20x2x128xi32, #tpu.memory_space<vmem>> -> memref<1x1x128xi32, #tpu.memory_space<vmem>>
        %dma_wait3A_254 = tpu.memref_squeeze %dma_wait3A_253 : memref<1x1x128xi32, #tpu.memory_space<vmem>> -> memref<128xi32, #tpu.memory_space<vmem>>
        %dma_wait3A_255 = arith.constant 0 : i32
        %dma_wait3A_256 = arith.constant 0 : i32
        %dma_wait3A_257 = tpu.memref_slice %arg6[%dma_wait3A_255, %dma_wait3A_256] : memref<10008x128xf32, #tpu.memory_space<vmem_shared>> -> memref<10008x128xf32, #tpu.memory_space<vmem_shared>>
        tpu.wait_indirect_dma semaphore(%run_scoped3A_245 : memref<!tpu.dma_semaphore, #tpu.memory_space<semaphore_mem>>) src(%arg10 : memref<128x128xf32, #tpu.memory_space<vmem>>) dst(%dma_wait3A_257 : memref<10008x128xf32, #tpu.memory_space<vmem_shared>>)
        tpu.yield
      }) : () -> ()
      %add3A_238 = arith.constant 3 : i32
      %add3A_239 = arith.addi %add3A_211, %add3A_238 : i32
      %lt3A_240 = arith.constant 20 : i32
      %lt3A_241 = arith.cmpi slt, %add3A_239, %lt3A_240 : i32
      %convert_element_type3A_242 = arith.extui %lt3A_241 : i1 to i32
      %cond3A_243 = arith.constant 0 : i32
      %cond3A_244 = arith.cmpi ne, %convert_element_type3A_242, %cond3A_243 : i32
      scf.if %cond3A_244 {
        %add3A_245 = arith.constant 3 : i32
        %add3A_246 = arith.addi %add3A_211, %add3A_245 : i32
        %dma_start3A_247 = arith.constant 0 : i32
        %dma_start3A_248 = arith.constant 0 : i32
        %dma_start3A_249 = tpu.memref_slice %arg7[%add3A_246, %dma_start3A_247, %dma_start3A_248] : memref<20x2x128xi32, #tpu.memory_space<vmem>> -> memref<1x1x128xi32, #tpu.memory_space<vmem>>
        %dma_start3A_250 = tpu.memref_squeeze %dma_start3A_249 : memref<1x1x128xi32, #tpu.memory_space<vmem>> -> memref<128xi32, #tpu.memory_space<vmem>>
        %dma_start3A_251 = arith.constant 0 : i32
        %dma_start3A_252 = arith.constant 0 : i32
        %dma_start3A_253 = tpu.memref_slice %arg2[%dma_start3A_251, %dma_start3A_252] : memref<10000x128xf32, #tpu.memory_space<hbm>> -> memref<10000x128xf32, #tpu.memory_space<hbm>>
        tpu.enqueue_indirect_dma source(%dma_start3A_253 : memref<10000x128xf32, #tpu.memory_space<hbm>>) target(%arg10 : memref<128x128xf32, #tpu.memory_space<vmem>>) offsets(%dma_start3A_250 : memref<128xi32, #tpu.memory_space<vmem>>) semaphore(%arg12 : memref<!tpu.dma_semaphore, #tpu.memory_space<semaphore_mem>>)
      } else {
      }
    }
    %scan3A_147 = arith.constant 10 : i32
    %add3A_148 = arith.constant 2 : i32
    %add3A_149 = arith.addi %add3A_116, %add3A_148 : i32
    %lt3A_150 = arith.constant 4 : i32
    %lt3A_151 = arith.cmpi slt, %add3A_149, %lt3A_150 : i32
    %convert_element_type3A_152 = arith.extui %lt3A_151 : i1 to i32
    %cond3A_153 = arith.constant 0 : i32
    %cond3A_154 = arith.cmpi ne, %convert_element_type3A_152, %cond3A_153 : i32
    scf.if %cond3A_154 {
      %add3A_207 = arith.constant 2 : i32
      %add3A_208 = arith.addi %add3A_116, %add3A_207 : i32
      %dma_start3A_209 = arith.constant 0 : i32
      %dma_start3A_210 = arith.constant 0 : i32
      %dma_start3A_211 = arith.constant 0 : i32
      %dma_start3A_212 = tpu.memref_slice %arg3[%add3A, %add3A_208, %dma_start3A_209, %dma_start3A_210, %dma_start3A_211] : memref<32x4x20x2x128xi32, #tpu.memory_space<hbm>> -> memref<1x1x20x2x128xi32, #tpu.memory_space<hbm>>
      %dma_start3A_213 = tpu.memref_squeeze %dma_start3A_212 : memref<1x1x20x2x128xi32, #tpu.memory_space<hbm>> -> memref<20x2x128xi32, #tpu.memory_space<hbm>>
      %dma_start3A_214 = arith.constant 0 : i32
      %dma_start3A_215 = arith.constant 0 : i32
      %dma_start3A_216 = arith.constant 0 : i32
      %dma_start3A_217 = tpu.memref_slice %arg3[%add3A, %add3A_208, %dma_start3A_214, %dma_start3A_215, %dma_start3A_216] : memref<32x4x20x2x128xi32, #tpu.memory_space<hbm>> -> memref<1x1x20x2x128xi32, #tpu.memory_space<hbm>>
      %dma_start3A_218 = tpu.memref_squeeze %dma_start3A_217 : memref<1x1x20x2x128xi32, #tpu.memory_space<hbm>> -> memref<20x2x128xi32, #tpu.memory_space<hbm>>
      tpu.enqueue_dma source(%dma_start3A_218 : memref<20x2x128xi32, #tpu.memory_space<hbm>>) target(%arg7 : memref<20x2x128xi32, #tpu.memory_space<vmem>>) target_semaphore(%arg13 : memref<!tpu.dma_semaphore, #tpu.memory_space<semaphore_mem>>)
    } else {
    }
    %add3A_155 = arith.constant 1 : i32
    %add3A_156 = arith.addi %add3A_116, %add3A_155 : i32
    %dma_wait3A_157 = arith.constant 0 : i32
    %dma_wait3A_158 = arith.constant 0 : i32
    %dma_wait3A_159 = arith.constant 0 : i32
    %dma_wait3A_160 = tpu.memref_slice %arg3[%add3A, %add3A_156, %dma_wait3A_157, %dma_wait3A_158, %dma_wait3A_159] : memref<32x4x20x2x128xi32, #tpu.memory_space<hbm>> -> memref<1x1x20x2x128xi32, #tpu.memory_space<hbm>>
    %dma_wait3A_161 = tpu.memref_squeeze %dma_wait3A_160 : memref<1x1x20x2x128xi32, #tpu.memory_space<hbm>> -> memref<20x2x128xi32, #tpu.memory_space<hbm>>
    %dma_wait3A_162 = arith.constant 0 : i32
    %dma_wait3A_163 = arith.constant 0 : i32
    %dma_wait3A_164 = arith.constant 0 : i32
    %dma_wait3A_165 = tpu.memref_slice %arg3[%add3A, %add3A_156, %dma_wait3A_162, %dma_wait3A_163, %dma_wait3A_164] : memref<32x4x20x2x128xi32, #tpu.memory_space<hbm>> -> memref<1x1x20x2x128xi32, #tpu.memory_space<hbm>>
    %dma_wait3A_166 = tpu.memref_squeeze %dma_wait3A_165 : memref<1x1x20x2x128xi32, #tpu.memory_space<hbm>> -> memref<20x2x128xi32, #tpu.memory_space<hbm>>
    tpu.wait_dma2 semaphore(%arg14 : memref<!tpu.dma_semaphore, #tpu.memory_space<semaphore_mem>>) src(%dma_wait3A_166 : memref<20x2x128xi32, #tpu.memory_space<hbm>>) dst(%arg8 : memref<20x2x128xi32, #tpu.memory_space<vmem>>)
    %dma_start3A_167 = arith.constant 0 : i32
    %dma_start3A_168 = arith.constant 0 : i32
    %dma_start3A_169 = arith.constant 0 : i32
    %dma_start3A_170 = tpu.memref_slice %arg8[%dma_start3A_167, %dma_start3A_168, %dma_start3A_169] : memref<20x2x128xi32, #tpu.memory_space<vmem>> -> memref<1x1x128xi32, #tpu.memory_space<vmem>>
    %dma_start3A_171 = tpu.memref_squeeze %dma_start3A_170 : memref<1x1x128xi32, #tpu.memory_space<vmem>> -> memref<128xi32, #tpu.memory_space<vmem>>
    %dma_start3A_172 = arith.constant 0 : i32
    %dma_start3A_173 = arith.constant 0 : i32
    %dma_start3A_174 = tpu.memref_slice %arg2[%dma_start3A_172, %dma_start3A_173] : memref<10000x128xf32, #tpu.memory_space<hbm>> -> memref<10000x128xf32, #tpu.memory_space<hbm>>
    tpu.enqueue_indirect_dma source(%dma_start3A_174 : memref<10000x128xf32, #tpu.memory_space<hbm>>) target(%arg9 : memref<128x128xf32, #tpu.memory_space<vmem>>) offsets(%dma_start3A_171 : memref<128xi32, #tpu.memory_space<vmem>>) semaphore(%arg11 : memref<!tpu.dma_semaphore, #tpu.memory_space<semaphore_mem>>)
    %dma_start3A_175 = arith.constant 1 : i32
    %dma_start3A_176 = arith.constant 0 : i32
    %dma_start3A_177 = arith.constant 0 : i32
    %dma_start3A_178 = tpu.memref_slice %arg8[%dma_start3A_175, %dma_start3A_176, %dma_start3A_177] : memref<20x2x128xi32, #tpu.memory_space<vmem>> -> memref<1x1x128xi32, #tpu.memory_space<vmem>>
    %dma_start3A_179 = tpu.memref_squeeze %dma_start3A_178 : memref<1x1x128xi32, #tpu.memory_space<vmem>> -> memref<128xi32, #tpu.memory_space<vmem>>
    %dma_start3A_180 = arith.constant 0 : i32
    %dma_start3A_181 = arith.constant 0 : i32
    %dma_start3A_182 = tpu.memref_slice %arg2[%dma_start3A_180, %dma_start3A_181] : memref<10000x128xf32, #tpu.memory_space<hbm>> -> memref<10000x128xf32, #tpu.memory_space<hbm>>
    tpu.enqueue_indirect_dma source(%dma_start3A_182 : memref<10000x128xf32, #tpu.memory_space<hbm>>) target(%arg10 : memref<128x128xf32, #tpu.memory_space<vmem>>) offsets(%dma_start3A_179 : memref<128xi32, #tpu.memory_space<vmem>>) semaphore(%arg12 : memref<!tpu.dma_semaphore, #tpu.memory_space<semaphore_mem>>)
    %scan3A_183 = arith.constant 0 : i32
    %scan3A_184 = arith.constant 10 : i32
    %scan3A_185 = arith.addi %scan3A_183, %scan3A_184 : i32
    %scan3A_186 = arith.constant 1 : i32
    scf.for %scan3A_207 = %scan3A_183 to %scan3A_185 step %scan3A_186  : i32 {
      %mul3A_208 = arith.constant 2 : i32
      %mul3A_209 = arith.muli %scan3A_207, %mul3A_208 : i32
      %add3A_210 = arith.constant 0 : i32
      %add3A_211 = arith.addi %add3A_210, %mul3A_209 : i32
      %dma_wait3A_212 = arith.constant 0 : i32
      %dma_wait3A_213 = arith.constant 0 : i32
      %dma_wait3A_214 = tpu.memref_slice %arg8[%add3A_211, %dma_wait3A_212, %dma_wait3A_213] : memref<20x2x128xi32, #tpu.memory_space<vmem>> -> memref<1x1x128xi32, #tpu.memory_space<vmem>>
      %dma_wait3A_215 = tpu.memref_squeeze %dma_wait3A_214 : memref<1x1x128xi32, #tpu.memory_space<vmem>> -> memref<128xi32, #tpu.memory_space<vmem>>
      %dma_wait3A_216 = arith.constant 0 : i32
      %dma_wait3A_217 = arith.constant 0 : i32
      %dma_wait3A_218 = tpu.memref_slice %arg2[%dma_wait3A_216, %dma_wait3A_217] : memref<10000x128xf32, #tpu.memory_space<hbm>> -> memref<10000x128xf32, #tpu.memory_space<hbm>>
      tpu.wait_indirect_dma semaphore(%arg11 : memref<!tpu.dma_semaphore, #tpu.memory_space<semaphore_mem>>) src(%dma_wait3A_218 : memref<10000x128xf32, #tpu.memory_space<hbm>>) dst(%arg9 : memref<128x128xf32, #tpu.memory_space<vmem>>)
      %run_scoped3A = arith.constant 1 : i32
      "tpu.region"() ({
        %run_scoped3A_245 = tpu.sem_alloc : memref<!tpu.dma_semaphore, #tpu.memory_space<semaphore_mem>>
        %dma_start3A_246 = arith.constant 0 : i32
        %dma_start3A_247 = tpu.memref_slice %arg8[%add3A_211, %run_scoped3A, %dma_start3A_246] : memref<20x2x128xi32, #tpu.memory_space<vmem>> -> memref<1x1x128xi32, #tpu.memory_space<vmem>>
        %dma_start3A_248 = tpu.memref_squeeze %dma_start3A_247 : memref<1x1x128xi32, #tpu.memory_space<vmem>> -> memref<128xi32, #tpu.memory_space<vmem>>
        %dma_start3A_249 = arith.constant 0 : i32
        %dma_start3A_250 = arith.constant 0 : i32
        %dma_start3A_251 = tpu.memref_slice %arg6[%dma_start3A_249, %dma_start3A_250] : memref<10008x128xf32, #tpu.memory_space<vmem_shared>> -> memref<10008x128xf32, #tpu.memory_space<vmem_shared>>
        tpu.enqueue_indirect_dma source(%arg9 : memref<128x128xf32, #tpu.memory_space<vmem>>) target(%dma_start3A_251 : memref<10008x128xf32, #tpu.memory_space<vmem_shared>>) offsets(%dma_start3A_248 : memref<128xi32, #tpu.memory_space<vmem>>) semaphore(%run_scoped3A_245 : memref<!tpu.dma_semaphore, #tpu.memory_space<semaphore_mem>>) {add = true}
        %dma_wait3A_252 = arith.constant 0 : i32
        %dma_wait3A_253 = tpu.memref_slice %arg8[%add3A_211, %run_scoped3A, %dma_wait3A_252] : memref<20x2x128xi32, #tpu.memory_space<vmem>> -> memref<1x1x128xi32, #tpu.memory_space<vmem>>
        %dma_wait3A_254 = tpu.memref_squeeze %dma_wait3A_253 : memref<1x1x128xi32, #tpu.memory_space<vmem>> -> memref<128xi32, #tpu.memory_space<vmem>>
        %dma_wait3A_255 = arith.constant 0 : i32
        %dma_wait3A_256 = arith.constant 0 : i32
        %dma_wait3A_257 = tpu.memref_slice %arg6[%dma_wait3A_255, %dma_wait3A_256] : memref<10008x128xf32, #tpu.memory_space<vmem_shared>> -> memref<10008x128xf32, #tpu.memory_space<vmem_shared>>
        tpu.wait_indirect_dma semaphore(%run_scoped3A_245 : memref<!tpu.dma_semaphore, #tpu.memory_space<semaphore_mem>>) src(%arg9 : memref<128x128xf32, #tpu.memory_space<vmem>>) dst(%dma_wait3A_257 : memref<10008x128xf32, #tpu.memory_space<vmem_shared>>)
        tpu.yield
      }) : () -> ()
      %add3A_219 = arith.constant 2 : i32
      %add3A_220 = arith.addi %add3A_211, %add3A_219 : i32
      %lt3A_221 = arith.constant 20 : i32
      %lt3A_222 = arith.cmpi slt, %add3A_220, %lt3A_221 : i32
      %convert_element_type3A_223 = arith.extui %lt3A_222 : i1 to i32
      %cond3A_224 = arith.constant 0 : i32
      %cond3A_225 = arith.cmpi ne, %convert_element_type3A_223, %cond3A_224 : i32
      scf.if %cond3A_225 {
        %add3A_245 = arith.constant 2 : i32
        %add3A_246 = arith.addi %add3A_211, %add3A_245 : i32
        %dma_start3A_247 = arith.constant 0 : i32
        %dma_start3A_248 = arith.constant 0 : i32
        %dma_start3A_249 = tpu.memref_slice %arg8[%add3A_246, %dma_start3A_247, %dma_start3A_248] : memref<20x2x128xi32, #tpu.memory_space<vmem>> -> memref<1x1x128xi32, #tpu.memory_space<vmem>>
        %dma_start3A_250 = tpu.memref_squeeze %dma_start3A_249 : memref<1x1x128xi32, #tpu.memory_space<vmem>> -> memref<128xi32, #tpu.memory_space<vmem>>
        %dma_start3A_251 = arith.constant 0 : i32
        %dma_start3A_252 = arith.constant 0 : i32
        %dma_start3A_253 = tpu.memref_slice %arg2[%dma_start3A_251, %dma_start3A_252] : memref<10000x128xf32, #tpu.memory_space<hbm>> -> memref<10000x128xf32, #tpu.memory_space<hbm>>
        tpu.enqueue_indirect_dma source(%dma_start3A_253 : memref<10000x128xf32, #tpu.memory_space<hbm>>) target(%arg9 : memref<128x128xf32, #tpu.memory_space<vmem>>) offsets(%dma_start3A_250 : memref<128xi32, #tpu.memory_space<vmem>>) semaphore(%arg11 : memref<!tpu.dma_semaphore, #tpu.memory_space<semaphore_mem>>)
      } else {
      }
      %add3A_226 = arith.constant 1 : i32
      %add3A_227 = arith.addi %add3A_211, %add3A_226 : i32
      %dma_wait3A_228 = arith.constant 0 : i32
      %dma_wait3A_229 = arith.constant 0 : i32
      %dma_wait3A_230 = tpu.memref_slice %arg8[%add3A_227, %dma_wait3A_228, %dma_wait3A_229] : memref<20x2x128xi32, #tpu.memory_space<vmem>> -> memref<1x1x128xi32, #tpu.memory_space<vmem>>
      %dma_wait3A_231 = tpu.memref_squeeze %dma_wait3A_230 : memref<1x1x128xi32, #tpu.memory_space<vmem>> -> memref<128xi32, #tpu.memory_space<vmem>>
      %dma_wait3A_232 = arith.constant 0 : i32
      %dma_wait3A_233 = arith.constant 0 : i32
      %dma_wait3A_234 = tpu.memref_slice %arg2[%dma_wait3A_232, %dma_wait3A_233] : memref<10000x128xf32, #tpu.memory_space<hbm>> -> memref<10000x128xf32, #tpu.memory_space<hbm>>
      tpu.wait_indirect_dma semaphore(%arg12 : memref<!tpu.dma_semaphore, #tpu.memory_space<semaphore_mem>>) src(%dma_wait3A_234 : memref<10000x128xf32, #tpu.memory_space<hbm>>) dst(%arg10 : memref<128x128xf32, #tpu.memory_space<vmem>>)
      %add3A_235 = arith.constant 1 : i32
      %add3A_236 = arith.addi %add3A_211, %add3A_235 : i32
      %run_scoped3A_237 = arith.constant 1 : i32
      "tpu.region"() ({
        %run_scoped3A_245 = tpu.sem_alloc : memref<!tpu.dma_semaphore, #tpu.memory_space<semaphore_mem>>
        %dma_start3A_246 = arith.constant 0 : i32
        %dma_start3A_247 = tpu.memref_slice %arg8[%add3A_236, %run_scoped3A_237, %dma_start3A_246] : memref<20x2x128xi32, #tpu.memory_space<vmem>> -> memref<1x1x128xi32, #tpu.memory_space<vmem>>
        %dma_start3A_248 = tpu.memref_squeeze %dma_start3A_247 : memref<1x1x128xi32, #tpu.memory_space<vmem>> -> memref<128xi32, #tpu.memory_space<vmem>>
        %dma_start3A_249 = arith.constant 0 : i32
        %dma_start3A_250 = arith.constant 0 : i32
        %dma_start3A_251 = tpu.memref_slice %arg6[%dma_start3A_249, %dma_start3A_250] : memref<10008x128xf32, #tpu.memory_space<vmem_shared>> -> memref<10008x128xf32, #tpu.memory_space<vmem_shared>>
        tpu.enqueue_indirect_dma source(%arg10 : memref<128x128xf32, #tpu.memory_space<vmem>>) target(%dma_start3A_251 : memref<10008x128xf32, #tpu.memory_space<vmem_shared>>) offsets(%dma_start3A_248 : memref<128xi32, #tpu.memory_space<vmem>>) semaphore(%run_scoped3A_245 : memref<!tpu.dma_semaphore, #tpu.memory_space<semaphore_mem>>) {add = true}
        %dma_wait3A_252 = arith.constant 0 : i32
        %dma_wait3A_253 = tpu.memref_slice %arg8[%add3A_236, %run_scoped3A_237, %dma_wait3A_252] : memref<20x2x128xi32, #tpu.memory_space<vmem>> -> memref<1x1x128xi32, #tpu.memory_space<vmem>>
        %dma_wait3A_254 = tpu.memref_squeeze %dma_wait3A_253 : memref<1x1x128xi32, #tpu.memory_space<vmem>> -> memref<128xi32, #tpu.memory_space<vmem>>
        %dma_wait3A_255 = arith.constant 0 : i32
        %dma_wait3A_256 = arith.constant 0 : i32
        %dma_wait3A_257 = tpu.memref_slice %arg6[%dma_wait3A_255, %dma_wait3A_256] : memref<10008x128xf32, #tpu.memory_space<vmem_shared>> -> memref<10008x128xf32, #tpu.memory_space<vmem_shared>>
        tpu.wait_indirect_dma semaphore(%run_scoped3A_245 : memref<!tpu.dma_semaphore, #tpu.memory_space<semaphore_mem>>) src(%arg10 : memref<128x128xf32, #tpu.memory_space<vmem>>) dst(%dma_wait3A_257 : memref<10008x128xf32, #tpu.memory_space<vmem_shared>>)
        tpu.yield
      }) : () -> ()
      %add3A_238 = arith.constant 3 : i32
      %add3A_239 = arith.addi %add3A_211, %add3A_238 : i32
      %lt3A_240 = arith.constant 20 : i32
      %lt3A_241 = arith.cmpi slt, %add3A_239, %lt3A_240 : i32
      %convert_element_type3A_242 = arith.extui %lt3A_241 : i1 to i32
      %cond3A_243 = arith.constant 0 : i32
      %cond3A_244 = arith.cmpi ne, %convert_element_type3A_242, %cond3A_243 : i32
      scf.if %cond3A_244 {
        %add3A_245 = arith.constant 3 : i32
        %add3A_246 = arith.addi %add3A_211, %add3A_245 : i32
        %dma_start3A_247 = arith.constant 0 : i32
        %dma_start3A_248 = arith.constant 0 : i32
        %dma_start3A_249 = tpu.memref_slice %arg8[%add3A_246, %dma_start3A_247, %dma_start3A_248] : memref<20x2x128xi32, #tpu.memory_space<vmem>> -> memref<1x1x128xi32, #tpu.memory_space<vmem>>
        %dma_start3A_250 = tpu.memref_squeeze %dma_start3A_249 : memref<1x1x128xi32, #tpu.memory_space<vmem>> -> memref<128xi32, #tpu.memory_space<vmem>>
        %dma_start3A_251 = arith.constant 0 : i32
        %dma_start3A_252 = arith.constant 0 : i32
        %dma_start3A_253 = tpu.memref_slice %arg2[%dma_start3A_251, %dma_start3A_252] : memref<10000x128xf32, #tpu.memory_space<hbm>> -> memref<10000x128xf32, #tpu.memory_space<hbm>>
        tpu.enqueue_indirect_dma source(%dma_start3A_253 : memref<10000x128xf32, #tpu.memory_space<hbm>>) target(%arg10 : memref<128x128xf32, #tpu.memory_space<vmem>>) offsets(%dma_start3A_250 : memref<128xi32, #tpu.memory_space<vmem>>) semaphore(%arg12 : memref<!tpu.dma_semaphore, #tpu.memory_space<semaphore_mem>>)
      } else {
      }
    }
    %scan3A_187 = arith.constant 10 : i32
    %add3A_188 = arith.constant 2 : i32
    %add3A_189 = arith.addi %add3A_156, %add3A_188 : i32
    %lt3A_190 = arith.constant 4 : i32
    %lt3A_191 = arith.cmpi slt, %add3A_189, %lt3A_190 : i32
    %convert_element_type3A_192 = arith.extui %lt3A_191 : i1 to i32
    %cond3A_193 = arith.constant 0 : i32
    %cond3A_194 = arith.cmpi ne, %convert_element_type3A_192, %cond3A_193 : i32
    scf.if %cond3A_194 {
      %add3A_207 = arith.constant 2 : i32
      %add3A_208 = arith.addi %add3A_156, %add3A_207 : i32
      %dma_start3A_209 = arith.constant 0 : i32
      %dma_start3A_210 = arith.constant 0 : i32
      %dma_start3A_211 = arith.constant 0 : i32
      %dma_start3A_212 = tpu.memref_slice %arg3[%add3A, %add3A_208, %dma_start3A_209, %dma_start3A_210, %dma_start3A_211] : memref<32x4x20x2x128xi32, #tpu.memory_space<hbm>> -> memref<1x1x20x2x128xi32, #tpu.memory_space<hbm>>
      %dma_start3A_213 = tpu.memref_squeeze %dma_start3A_212 : memref<1x1x20x2x128xi32, #tpu.memory_space<hbm>> -> memref<20x2x128xi32, #tpu.memory_space<hbm>>
      %dma_start3A_214 = arith.constant 0 : i32
      %dma_start3A_215 = arith.constant 0 : i32
      %dma_start3A_216 = arith.constant 0 : i32
      %dma_start3A_217 = tpu.memref_slice %arg3[%add3A, %add3A_208, %dma_start3A_214, %dma_start3A_215, %dma_start3A_216] : memref<32x4x20x2x128xi32, #tpu.memory_space<hbm>> -> memref<1x1x20x2x128xi32, #tpu.memory_space<hbm>>
      %dma_start3A_218 = tpu.memref_squeeze %dma_start3A_217 : memref<1x1x20x2x128xi32, #tpu.memory_space<hbm>> -> memref<20x2x128xi32, #tpu.memory_space<hbm>>
      tpu.enqueue_dma source(%dma_start3A_218 : memref<20x2x128xi32, #tpu.memory_space<hbm>>) target(%arg8 : memref<20x2x128xi32, #tpu.memory_space<vmem>>) target_semaphore(%arg14 : memref<!tpu.dma_semaphore, #tpu.memory_space<semaphore_mem>>)
    } else {
    }
    %scan3A_195 = arith.constant 1 : i32
    %barrier3A_196 = arith.constant 0 : index
    tpu.barrier barrier_id(%barrier3A_196)
    %eq3A_197 = arith.constant 0 : i32
    %eq3A_198 = arith.cmpi eq, %arg0, %eq3A_197 : i32
    %convert_element_type3A_199 = arith.extui %eq3A_198 : i1 to i32
    %cond3A_200 = arith.constant 0 : i32
    %cond3A_201 = arith.cmpi ne, %convert_element_type3A_199, %cond3A_200 : i32
    scf.if %cond3A_201 {
      %lt3A_207 = arith.constant 15 : i32
      %lt3A_208 = arith.cmpi slt, %arg1, %lt3A_207 : i32
      %convert_element_type3A_209 = arith.extui %lt3A_208 : i1 to i32
      %cond3A_210 = arith.constant 0 : i32
      %cond3A_211 = arith.cmpi ne, %convert_element_type3A_209, %cond3A_210 : i32
      scf.if %cond3A_211 {
        %mul3A_217 = arith.constant 632 : i32
        %mul3A_218 = arith.muli %arg1, %mul3A_217 : i32
        "tpu.region"() ({
          %run_scoped3A = tpu.sem_alloc : memref<!tpu.dma_semaphore, #tpu.memory_space<semaphore_mem>>
          %dma_start3A_219 = arith.constant 0 : i32
          %dma_start3A_220 = tpu.memref_slice %arg4[%mul3A_218, %dma_start3A_219] : memref<10000x128xf32, #tpu.memory_space<hbm>> -> memref<632x128xf32, #tpu.memory_space<hbm>>
          %dma_start3A_221 = arith.constant 0 : i32
          %dma_start3A_222 = tpu.memref_slice %arg6[%mul3A_218, %dma_start3A_221] : memref<10008x128xf32, #tpu.memory_space<vmem_shared>> -> memref<632x128xf32, #tpu.memory_space<vmem_shared>>
          tpu.enqueue_dma source(%dma_start3A_222 : memref<632x128xf32, #tpu.memory_space<vmem_shared>>) target(%dma_start3A_220 : memref<632x128xf32, #tpu.memory_space<hbm>>) target_semaphore(%run_scoped3A : memref<!tpu.dma_semaphore, #tpu.memory_space<semaphore_mem>>)
          %dma_wait3A_223 = arith.constant 0 : i32
          %dma_wait3A_224 = tpu.memref_slice %arg4[%mul3A_218, %dma_wait3A_223] : memref<10000x128xf32, #tpu.memory_space<hbm>> -> memref<632x128xf32, #tpu.memory_space<hbm>>
          %dma_wait3A_225 = arith.constant 0 : i32
          %dma_wait3A_226 = tpu.memref_slice %arg6[%mul3A_218, %dma_wait3A_225] : memref<10008x128xf32, #tpu.memory_space<vmem_shared>> -> memref<632x128xf32, #tpu.memory_space<vmem_shared>>
          tpu.wait_dma2 semaphore(%run_scoped3A : memref<!tpu.dma_semaphore, #tpu.memory_space<semaphore_mem>>) src(%dma_wait3A_226 : memref<632x128xf32, #tpu.memory_space<vmem_shared>>) dst(%dma_wait3A_224 : memref<632x128xf32, #tpu.memory_space<hbm>>)
          tpu.yield
        }) : () -> ()
      } else {
      }
      %eq3A_212 = arith.constant 15 : i32
      %eq3A_213 = arith.cmpi eq, %arg1, %eq3A_212 : i32
      %convert_element_type3A_214 = arith.extui %eq3A_213 : i1 to i32
      %cond3A_215 = arith.constant 0 : i32
      %cond3A_216 = arith.cmpi ne, %convert_element_type3A_214, %cond3A_215 : i32
      scf.if %cond3A_216 {
        "tpu.region"() ({
          %run_scoped3A = tpu.sem_alloc : memref<!tpu.dma_semaphore, #tpu.memory_space<semaphore_mem>>
          %dma_start3A_217 = arith.constant 9480 : i32
          %dma_start3A_218 = arith.constant 0 : i32
          %dma_start3A_219 = tpu.memref_slice %arg4[%dma_start3A_217, %dma_start3A_218] : memref<10000x128xf32, #tpu.memory_space<hbm>> -> memref<520x128xf32, #tpu.memory_space<hbm>>
          %dma_start3A_220 = arith.constant 9480 : i32
          %dma_start3A_221 = arith.constant 0 : i32
          %dma_start3A_222 = tpu.memref_slice %arg6[%dma_start3A_220, %dma_start3A_221] : memref<10008x128xf32, #tpu.memory_space<vmem_shared>> -> memref<520x128xf32, #tpu.memory_space<vmem_shared>>
          tpu.enqueue_dma source(%dma_start3A_222 : memref<520x128xf32, #tpu.memory_space<vmem_shared>>) target(%dma_start3A_219 : memref<520x128xf32, #tpu.memory_space<hbm>>) target_semaphore(%run_scoped3A : memref<!tpu.dma_semaphore, #tpu.memory_space<semaphore_mem>>)
          %dma_wait3A_223 = arith.constant 9480 : i32
          %dma_wait3A_224 = arith.constant 0 : i32
          %dma_wait3A_225 = tpu.memref_slice %arg4[%dma_wait3A_223, %dma_wait3A_224] : memref<10000x128xf32, #tpu.memory_space<hbm>> -> memref<520x128xf32, #tpu.memory_space<hbm>>
          %dma_wait3A_226 = arith.constant 9480 : i32
          %dma_wait3A_227 = arith.constant 0 : i32
          %dma_wait3A_228 = tpu.memref_slice %arg6[%dma_wait3A_226, %dma_wait3A_227] : memref<10008x128xf32, #tpu.memory_space<vmem_shared>> -> memref<520x128xf32, #tpu.memory_space<vmem_shared>>
          tpu.wait_dma2 semaphore(%run_scoped3A : memref<!tpu.dma_semaphore, #tpu.memory_space<semaphore_mem>>) src(%dma_wait3A_228 : memref<520x128xf32, #tpu.memory_space<vmem_shared>>) dst(%dma_wait3A_225 : memref<520x128xf32, #tpu.memory_space<hbm>>)
          tpu.yield
        }) : () -> ()
      } else {
      }
    } else {
    }
    %eq3A_202 = arith.constant 1 : i32
    %eq3A_203 = arith.cmpi eq, %arg0, %eq3A_202 : i32
    %convert_element_type3A_204 = arith.extui %eq3A_203 : i1 to i32
    %cond3A_205 = arith.constant 0 : i32
    %cond3A_206 = arith.cmpi ne, %convert_element_type3A_204, %cond3A_205 : i32
    scf.if %cond3A_206 {
      %lt3A_207 = arith.constant 15 : i32
      %lt3A_208 = arith.cmpi slt, %arg1, %lt3A_207 : i32
      %convert_element_type3A_209 = arith.extui %lt3A_208 : i1 to i32
      %cond3A_210 = arith.constant 0 : i32
      %cond3A_211 = arith.cmpi ne, %convert_element_type3A_209, %cond3A_210 : i32
      scf.if %cond3A_211 {
        %mul3A_217 = arith.constant 632 : i32
        %mul3A_218 = arith.muli %arg1, %mul3A_217 : i32
        "tpu.region"() ({
          %run_scoped3A = tpu.sem_alloc : memref<!tpu.dma_semaphore, #tpu.memory_space<semaphore_mem>>
          %dma_start3A_219 = arith.constant 0 : i32
          %dma_start3A_220 = tpu.memref_slice %arg5[%mul3A_218, %dma_start3A_219] : memref<10000x128xf32, #tpu.memory_space<hbm>> -> memref<632x128xf32, #tpu.memory_space<hbm>>
          %dma_start3A_221 = arith.constant 0 : i32
          %dma_start3A_222 = tpu.memref_slice %arg6[%mul3A_218, %dma_start3A_221] : memref<10008x128xf32, #tpu.memory_space<vmem_shared>> -> memref<632x128xf32, #tpu.memory_space<vmem_shared>>
          tpu.enqueue_dma source(%dma_start3A_222 : memref<632x128xf32, #tpu.memory_space<vmem_shared>>) target(%dma_start3A_220 : memref<632x128xf32, #tpu.memory_space<hbm>>) target_semaphore(%run_scoped3A : memref<!tpu.dma_semaphore, #tpu.memory_space<semaphore_mem>>)
          %dma_wait3A_223 = arith.constant 0 : i32
          %dma_wait3A_224 = tpu.memref_slice %arg5[%mul3A_218, %dma_wait3A_223] : memref<10000x128xf32, #tpu.memory_space<hbm>> -> memref<632x128xf32, #tpu.memory_space<hbm>>
          %dma_wait3A_225 = arith.constant 0 : i32
          %dma_wait3A_226 = tpu.memref_slice %arg6[%mul3A_218, %dma_wait3A_225] : memref<10008x128xf32, #tpu.memory_space<vmem_shared>> -> memref<632x128xf32, #tpu.memory_space<vmem_shared>>
          tpu.wait_dma2 semaphore(%run_scoped3A : memref<!tpu.dma_semaphore, #tpu.memory_space<semaphore_mem>>) src(%dma_wait3A_226 : memref<632x128xf32, #tpu.memory_space<vmem_shared>>) dst(%dma_wait3A_224 : memref<632x128xf32, #tpu.memory_space<hbm>>)
          tpu.yield
        }) : () -> ()
      } else {
      }
      %eq3A_212 = arith.constant 15 : i32
      %eq3A_213 = arith.cmpi eq, %arg1, %eq3A_212 : i32
      %convert_element_type3A_214 = arith.extui %eq3A_213 : i1 to i32
      %cond3A_215 = arith.constant 0 : i32
      %cond3A_216 = arith.cmpi ne, %convert_element_type3A_214, %cond3A_215 : i32
      scf.if %cond3A_216 {
        "tpu.region"() ({
          %run_scoped3A = tpu.sem_alloc : memref<!tpu.dma_semaphore, #tpu.memory_space<semaphore_mem>>
          %dma_start3A_217 = arith.constant 9480 : i32
          %dma_start3A_218 = arith.constant 0 : i32
          %dma_start3A_219 = tpu.memref_slice %arg5[%dma_start3A_217, %dma_start3A_218] : memref<10000x128xf32, #tpu.memory_space<hbm>> -> memref<520x128xf32, #tpu.memory_space<hbm>>
          %dma_start3A_220 = arith.constant 9480 : i32
          %dma_start3A_221 = arith.constant 0 : i32
          %dma_start3A_222 = tpu.memref_slice %arg6[%dma_start3A_220, %dma_start3A_221] : memref<10008x128xf32, #tpu.memory_space<vmem_shared>> -> memref<520x128xf32, #tpu.memory_space<vmem_shared>>
          tpu.enqueue_dma source(%dma_start3A_222 : memref<520x128xf32, #tpu.memory_space<vmem_shared>>) target(%dma_start3A_219 : memref<520x128xf32, #tpu.memory_space<hbm>>) target_semaphore(%run_scoped3A : memref<!tpu.dma_semaphore, #tpu.memory_space<semaphore_mem>>)
          %dma_wait3A_223 = arith.constant 9480 : i32
          %dma_wait3A_224 = arith.constant 0 : i32
          %dma_wait3A_225 = tpu.memref_slice %arg5[%dma_wait3A_223, %dma_wait3A_224] : memref<10000x128xf32, #tpu.memory_space<hbm>> -> memref<520x128xf32, #tpu.memory_space<hbm>>
          %dma_wait3A_226 = arith.constant 9480 : i32
          %dma_wait3A_227 = arith.constant 0 : i32
          %dma_wait3A_228 = tpu.memref_slice %arg6[%dma_wait3A_226, %dma_wait3A_227] : memref<10008x128xf32, #tpu.memory_space<vmem_shared>> -> memref<520x128xf32, #tpu.memory_space<vmem_shared>>
          tpu.wait_dma2 semaphore(%run_scoped3A : memref<!tpu.dma_semaphore, #tpu.memory_space<semaphore_mem>>) src(%dma_wait3A_228 : memref<520x128xf32, #tpu.memory_space<vmem_shared>>) dst(%dma_wait3A_225 : memref<520x128xf32, #tpu.memory_space<hbm>>)
          tpu.yield
        }) : () -> ()
      } else {
      }
    } else {
    }
    return
  }
}

</mosaic_0001>

<sc_bundles>
// kernel: _sc_agg.3.cloned.1.call-start
scs
__scs_entry_jumppad:
0x0: {  	(pc) =	sbr.rel $0x88, $3  }
0x1: {  	(tag) =	ssettag $0x0;
	lr =	simm.s32 $0x1  }
0x2: {  	[smem:$0x3F9F] =	sst lr;
	_ =	strace $0xD0000000  }
0x3: {  	_ = 	snop  }
0x4: {  	_ = 	snop  }
0x5: {  	_ = 	snop  }
0x6: {  	_ = 	snop  }
0x7: {  	_ = 	snop  }
__scs_overlays_trampoline_lowered:
0x8: {  	[smem:$0x3FAE] =	sst s0  }
0x9: {  	[smem:$0x3FAF] =	sst s1  }
0xa: {  	[smem:$0x3FB0] =	sst s2  }
0xb: {  	[smem:$0x3FB1] =	sst s3  }
0xc: {  	[smem:$0x3FB2] =	sst s4  }
0xd: {  	[smem:$0x3FB3] =	sst s5  }
0xe: {  	[smem:$0x3FB4] =	sst s6  }
0xf: {  	[smem:$0x3FB5] =	sst s7  }
0x10: {  	[smem:$0x3FB6] =	sst s8  }
0x11: {  	[smem:$0x3FB7] =	sst s9;
	s0 =	simm.s32 @!p0 $0x0  }
0x12: {  	s1 =	sld [smem:$0x3F9D];
	s0 =	simm.s32 @p0 $0x1  }
0x13: {  	[smem:$0x3FB8] =	sst s0;
	s0 =	simm.s32 @!p1 $0x0  }
0x14: {  	s2 =	sld [smem:$0x3F9C];
	s0 =	simm.s32 @p1 $0x1  }
0x15: {  	[smem:$0x3FB9] =	sst s0;
	s0 =	simm.s32 @!p2 $0x0  }
0x16: {  	s3 =	sld [smem:$0x3FDB];
	s0 =	simm.s32 @p2 $0x1  }
0x17: {  	s4 =	simm.s32 $0x1BF5;
	[smem:$0x3FBB] =	sst s0  }
0x18: {  	s0 =	sld [smem:$0x3F9E];
	_ =	swait.ge [sflag:s4], $0x0  }
0x19: {  	s7 =	sld [smem:$0x3F9F]  }
0x1a: {  	s8 =	sadd.s32 $0xFFFFE003, lr  }
0x1b: {  	s9 =	sadd.s32 $0xFFFFFEF7, lr;
	s5 =	simm.s32 $0xFFFFFFFF;
	p2 =	slt.u32 s8, $0xFFFFF086  }
0x1c: {  	p1 =	slt.u32 s9, $0xF7A;
	s5 =	simm.s32 @!p2 $0x0  }
0x1d: {  	s5 =	simm.s32 @p1 $0x1;
	p0 =	seq.s32 s7, s2  }
0x1e: {  	s7 =	smul.u32 @!p0 $0xF7A, s2;
	p2 =	seq.s32 @!p0 s5, $0x0  }
0x1f: {  	s9 =	smul.u32 $0xF7A, s1;
	s8 =	simm.s32 @!p0 $0x1BF5;
	p2 =	por !p2, p0  }
0x20: {  	[sflag:s8] =	ssyncset.s32 @!p0 $0xFFFFF086;
	s6 =	sadd.s32 @!p0 s3, s7;
	s7 =	simm.s32 @!p0 $0x108  }
0x21: {  	s3 =	sadd.s32 s3, s9;
	s6 =	sadd.s32 @!p0 $0x88, s6;
	s7 =	simm.s32 @p2 $0x1082  }
0x22: {  	[simem:s7], [sflag:s8] =	dma.local @!p0 [hbm:s6], $0xF7A  }
0x23: {  	s9 =	sor.u32 $0xD0000000, s2;
	s6 =	simm.s32 $0x108;
	_ =	swait.ge @!p0 [sflag:s8], $0x0  }
0x24: {  	s3 =	sadd.s32 $0x88, s3;
	s6 =	simm.s32 @!p1 $0x1082;
	[sflag:s4] =	ssyncset.s32 $0xFFFFF086  }
0x25: {  	[simem:s6], [sflag:s4] =	dma.local [hbm:s3], $0xF7A  }
0x26: {  	[smem:$0x3F9F] =	sst s1;
	(tag) =	ssettag s2;
	_ =	strace s9  }
0x27: {  	s1 =	sld [smem:$0x3FAF]  }
0x28: {  	s2 =	sld [smem:$0x3FB0]  }
0x29: {  	s4 =	sld [smem:$0x3FB2]  }
0x2a: {  	p0 =	seq.s32 s5, $0x0;
	s5 =	sld [smem:$0x3FB3]  }
0x2b: {  	s6 =	sld [smem:$0x3FB4]  }
0x2c: {  	s7 =	sld [smem:$0x3FB5]  }
0x2d: {  	s3 =	simm.s32 $0x108;
	s8 =	sld [smem:$0x3FB6]  }
0x2e: {  	s3 =	simm.s32 @!p0 $0x1082;
	s9 =	sld [smem:$0x3FB7]  }
0x2f: {  	lr =	sadd.s32 s0, s3;
	s0 =	sld [smem:$0x3FAE]  }
0x30: {  	s3 =	sld [smem:$0x3FB1]  }
0x31: {  	[smem:$0x3FBA] =	sst s10  }
0x32: {  	s10 =	sld [smem:$0x3FB8];
	_ =	sdelay $0x3  }
0x33: {  	p0 =	seq.s32 s10, $0x1;
	s10 =	sld [smem:$0x3FBA];
	_ =	sdelay $0x3  }
0x34: {  	[smem:$0x3FBA] =	sst s10  }
0x35: {  	s10 =	sld [smem:$0x3FB9];
	_ =	sdelay $0x3  }
0x36: {  	p1 =	seq.s32 s10, $0x1;
	s10 =	sld [smem:$0x3FBA];
	_ =	sdelay $0x3  }
0x37: {  	[smem:$0x3FBA] =	sst s10  }
0x38: {  	s10 =	sld [smem:$0x3FBB]  }
0x39: {  	_ = 	snop;
	(pc) =	sbr.ind lr, $3  }
0x3a: {  	_ = 	snop  }
0x3b: {  	_ = 	snop  }
0x3c: {  	p2 =	seq.s32 s10, $0x1;
	s10 =	sld [smem:$0x3FBA]  }
0x3d: {  	_ =	shalt  }
0x3e: {  	_ =	shalt  }
0x3f: {  	_ =	shalt  }
0x40: {  	_ =	shalt  }
0x41: {  	_ =	shalt  }
0x42: {  	_ =	shalt  }
0x43: {  	_ =	shalt  }
0x44: {  	_ =	shalt  }
0x45: {  	_ =	shalt  }
0x46: {  	_ =	shalt  }
0x47: {  	_ =	shalt  }
0x48: {  	_ =	shalt  }
0x49: {  	_ =	shalt  }
0x4a: {  	_ =	shalt  }
0x4b: {  	_ =	shalt  }
0x4c: {  	_ =	shalt  }
0x4d: {  	_ =	shalt  }
0x4e: {  	_ =	shalt  }
0x4f: {  	_ =	shalt  }
0x50: {  	_ =	shalt  }
0x51: {  	_ =	shalt  }
0x52: {  	_ =	shalt  }
0x53: {  	_ =	shalt  }
0x54: {  	_ =	shalt  }
0x55: {  	_ =	shalt  }
0x56: {  	_ =	shalt  }
0x57: {  	_ =	shalt  }
0x58: {  	_ =	shalt  }
0x59: {  	_ =	shalt  }
0x5a: {  	_ =	shalt  }
0x5b: {  	_ =	shalt  }
0x5c: {  	_ =	shalt  }
0x5d: {  	_ =	shalt  }
0x5e: {  	_ =	shalt  }
0x5f: {  	_ =	shalt  }
0x60: {  	_ =	shalt  }
0x61: {  	_ =	shalt  }
0x62: {  	_ =	shalt  }
0x63: {  	_ =	shalt  }
0x64: {  	_ =	shalt  }
0x65: {  	_ =	shalt  }
0x66: {  	_ =	shalt  }
0x67: {  	_ =	shalt  }
0x68: {  	_ =	shalt  }
0x69: {  	_ =	shalt  }
0x6a: {  	_ =	shalt  }
0x6b: {  	_ =	shalt  }
0x6c: {  	_ =	shalt  }
0x6d: {  	_ =	shalt  }
0x6e: {  	_ =	shalt  }
0x6f: {  	_ =	shalt  }
0x70: {  	_ =	shalt  }
0x71: {  	_ =	shalt  }
0x72: {  	_ =	shalt  }
0x73: {  	_ =	shalt  }
0x74: {  	_ =	shalt  }
0x75: {  	_ =	shalt  }
0x76: {  	_ =	shalt  }
0x77: {  	_ =	shalt  }
0x78: {  	_ =	shalt  }
0x79: {  	_ =	shalt  }
0x7a: {  	_ =	shalt  }
0x7b: {  	_ =	shalt  }
0x7c: {  	_ =	shalt  }
0x7d: {  	_ =	shalt  }
0x7e: {  	_ =	shalt  }
0x7f: {  	_ =	shalt  }
0x80: {  	_ =	shalt  }
0x81: {  	_ =	shalt  }
0x82: {  	_ =	shalt  }
0x83: {  	_ =	shalt  }
0x84: {  	_ =	shalt  }
0x85: {  	_ =	shalt  }
0x86: {  	_ =	shalt  }
0x87: {  	_ =	shalt  }
.Lfunc_end0:
.L_simem_size_0:
called_computation_lowered:
.L_overlay_start_0:
0x88: {  	s2 =	sld [smem:$0x3FD9]  }
0x89: {  	s3 =	sld [smem:$0x3FFE];
	_ =	sdelay $0x1  }
0x8a: {  	s1 =	srdreg.scid  }
0x8b: {  	s0 =	sand.u32 $0x1, s1  }
0x8c: {  	s15 =	sshll.u32 s0, $0xA;
	s2 =	sadd.s32 s3, s2  }
0x8d: {  	s2 =	sadd.s32 s2, s15  }
0x8e: {  	[smem:$0x3FC6] =	sst s2  }
0x8f: {  	_ = 	snop  }
0x90: {  	s2 =	sld [smem:$0x3FD0];
	_ =	sdelay $0x1  }
0x91: {  	s16 =	sld [smem:$0x3FC9]  }
0x92: {  	s5 =	simm.s32 $0xA;
	s6 =	simm.s32 $0x10;
	s4 =	sld [smem:$0x3FC8]  }
0x93: {  	[smem:s6], [sflag:s5] =	dma.local [hbm:s2], $0x1  }
0x94: {  	_ =	swait.eq [sflag:s5], $0x1  }
0x95: {  	[sflag:s5] =	ssyncset.done $0x0  }
0x96: {  	s17 =	sld [smem:$0x10];
	[sflag:s5] =	ssyncadd.s32 $0xFFFFFFFF  }
0x97: {  	s18 =	sld [smem:$0x11];
	(tm) =	ssettm $0x1  }
0x98: {  	s19 =	sld [smem:$0x3FFB];
	_ =	sdelay $0x3  }
0x99: {  	_ =	strace s19  }
0x9a: {  	s6 =	sld [smem:$0x3FFC];
	_ =	sdelay $0x3  }
0x9b: {  	_ =	strace s6  }
0x9c: {  	s6 =	sld [smem:$0x3FFD];
	_ =	sdelay $0x3  }
0x9d: {  	_ =	strace s6  }
0x9e: {  	_ =	strace $0x8FFFFFFF  }
0x9f: {  	s20 =	sld [smem:$0x3FDB];
	_ =	sdelay $0x1  }
0xa0: {  	s7 =	simm.s32 $_scs_section_size  }
0xa1: {  	s8 =	simm.s32 $_size__tile_overlayer_lowered;
	s9 =	simm.s32 $_tile_overlayer_lowered  }
0xa2: {  	s23 =	simm.s32 $0x1BFF;
	s22 =	sshll.u32 s9, $0x1;
	s6 =	sadd.s32 s7, s20  }
0xa3: {  	s10 =	simm.s32 $0x0;
	s21 =	sshll.u32 s8, $0x1;
	s8 =	sadd.s32 s22, s6  }
0xa4: {  	[timem:s10], [sflag:s23] =	dma.local [hbm:s8], s21  }
0xa5: {  	_ =	swait.ge [sflag:s23], s21  }
0xa6: {  	s7 =	ssub.s32 $0x0, s21;
	[sflag:s23] =	ssyncset.done $0x0  }
0xa7: {  	[sflag:s23] =	ssyncadd.s32 s7;
	_ =	sdelay $0x1  }
0xa8: {  	s24 =	simm.s32 $0x1B8B  }
0xa9: {  	_ =	swait.ge [sflag:s24], $0x1  }
0xaa: {  	[sflag:s24] =	ssyncset.done $0x0  }
0xab: {  	s25 =	simm.s32 $0x1B8E;
	[sflag:s24] =	ssyncadd.s32 $0xFFFFFFFF  }
0xac: {  	s26 =	simm.s32 $execute0_lowered;
	[smem:$0x3FD2] =	sst s25  }
0xad: {  	s7 =	sshll.u32 s26, $0x1;
	_ =	strace $0x80000046;
	[dreg:$0x1] =	wrdreg $0xFFFFFFFF  }
0xae: {  	s28 =	simm.s32 $_size_execute0_lowered;
	s6 =	sadd.s32 s6, s7;
	[dreg:$0x0] =	wrdreg $0x0  }
0xaf: {  	s7 =	sshll.u32 s28, $0x1;
	[dreg:$0x2] =	wrdreg s6  }
0xb0: {  	[dreg:$0x3] =	wrdreg s7  }
0xb1: {  	[dreg:$0x4] =	wrdreg $0xC0  }
0xb2: {  	_ =	task [dreg:s10], $0x5FFFF  }
0xb3: {  	[dreg:$0x1] =	wrdreg $0xFFFFFFFF  }
0xb4: {  	[dreg:$0x0] =	wrdreg $0x60  }
0xb5: {  	[dreg:$0x2] =	wrdreg s16  }
0xb6: {  	[dreg:$0x3] =	wrdreg s4  }
0xb7: {  	[dreg:$0x4] =	wrdreg s17  }
0xb8: {  	[dreg:$0x5] =	wrdreg s18  }
0xb9: {  	[dreg:$0x6] =	wrdreg $0x0  }
0xba: {  	[dreg:$0x7] =	wrdreg $0x9  }
0xbb: {  	_ =	task.clear_ibuf [dreg:s10], $0x8FFFF;
	_ =	strace $0x90000046  }
0xbc: {  	s29 =	simm.s32 $0x9;
	_ =	strace $0x80000048  }
0xbd: {  	_ =	swait.ge [sflag:s29], $0x1  }
0xbe: {  	[sflag:s29] =	ssyncadd.s32 $0xFFFFFFFF  }
0xbf: {  	_ =	strace $0x90000048  }
0xc0: {  	_ =	sfence  }
0xc1: {  	s30 =	sld [smem:$0x0];
	_ =	sdelay $0x2  }
0xc2: {  	s31 =	sshll.u32 s1, $0xD;
	s1 =	sshrl.u32 s1, $0x2  }
0xc3: {  	s3 =	sand.u32 $0x4000, s31;
	s1 =	sadd.s32 s1, s30  }
0xc4: {  	s0 =	sor.u32 s3, s0;
	s1 =	sshll.u32 s1, $0x11  }
0xc5: {  	s0 =	sor.u32 s1, s0  }
0xc6: {  	s0 =	sadd.s32 $0x8F2B, s0  }
0xc7: {  	[sflag:s0] =	ssyncadd.remote.s32 $0x1  }
0xc8: {  	_ =	sfence.sel $0xFFFF  }
0xc9: {  	[dreg:$0x0] =	wrdreg $0xFFFFFFFF;
	(pc) =	sbr.abs _section_cstart, $3  }
0xca: {  	[dreg:$0x1] =	wrdreg $0xFFFFFFFF  }
0xcb: {  	_ =	task.clear_ibuf [dreg:s10], $0x2FFFF;
	_ =	strace $0x9FFFFFFF  }
0xcc: {  	(tm) =	ssettm $0x7FFFFFFF  }
0xcd: {  	_ =	shalt  }
tec
execute0_lowered:
.L_overlay_start_1:
0x0: {  	(tag) =	ssettag $0x1  }
0x1: {  	s2 =	rddreg [dreg:$0x0]  }
0x2: {  	s13 =	rddreg [dreg:$0x1]  }
0x3: {  	s5 =	rddreg [dreg:$0x2]  }
0x4: {  	s6 =	rddreg [dreg:$0x3]  }
0x5: {  	s0 =	srdreg.scid;
	s3 =	rddreg [dreg:$0x4];
	s30 =	simm.s32 $0x0  }
0x6: {  	s26 =	stileid.u32;
	s21 =	sand.u32 $0x1, s0;
	[smem:$0x7FF] =	sst s30  }
0x7: {  	s14 =	smul.u32 $0x2780, s26;
	s16 =	sadd.s32 $0x25080, s2;
	s20 =	sadd.s32 $0x25080, s5  }
0x8: {  	s22 =	sadd.s32 $0x25080, s6;
	_ =	strace $0x80000047;
	[dreg:$0x8] =	wrdreg s16  }
0x9: {  	s23 =	smul.u32 $0x4F000, s26;
	s1 =	sshll.u32 s21, $0x4;
	[dreg:$0xc] =	wrdreg s20  }
0xa: {  	[dreg:$0xe] =	wrdreg s22;
	s1 =	sor.u32 s26, s1;
	s15 =	sadd.s32 s2, s14  }
0xb: {  	s19 =	sadd.s32 s5, s14;
	s0 =	sadd.s32 s6, s14;
	[dreg:$0x7] =	wrdreg s15  }
0xc: {  	s24 =	sshrl.u32 s23, $0x2;
	s1 =	smul.u32 $0x5000, s1;
	[dreg:$0xb] =	wrdreg s19  }
0xd: {  	p0 =	seq.s32 s26, $0xF;
	[dreg:$0xd] =	wrdreg s0;
	s4 =	sadd.s32 s24, s3  }
0xe: {  	[dreg:$0x19] =	wrdreg s4;
	s5 =	sshrl.u32 @!p0 s4, $0x3;
	s1 =	sshrl.u32 s1, $0x3  }
0xf: {  	[dreg:$0x10] =	wrdreg s5;
	s9 =	sadd.s32 s13, s1  }
0x10: {  	s6 =	simm.s32 $0x138C0;
	s1 =	sadd.s32 $0x280, s9;
	[dreg:$0x12] =	wrdreg s9  }
0x11: {  	[tilespmem:s6], [sflag:$0x3] =	stream.linear.gather [hbm4b:s9+s30], $0x1400, $0x38;
	[tilespmem:$0x1E0C0] =	vst v63  }
0x12: {  	s17 =	sadd.s32 $0x500, s9;
	[dreg:$0x6] =	wrdreg s1  }
0x13: {  	s18 =	sadd.s32 $0x780, s9;
	[dreg:$0x9] =	wrdreg s17  }
0x14: {  	[dreg:$0xa] =	wrdreg s18;
	s17 =	sadd.s32 $0x128400, s3  }
0x15: {  	s1 =	sshll.u32 @!p0 s26, $0x6;
	s0 =	sshrl.u32 @p0 s17, $0x3;
	s8 =	rddreg [dreg:$0x6]  }
0x16: {  	s7 =	simm.s32 $0x14CC0;
	[dreg:$0x11] =	wrdreg s0;
	s0 =	sor.u32 @!p0 $0x1C05, s1  }
0x17: {  	[tilespmem:s7], [sflag:$0x4] =	stream.linear.gather [hbm4b:s8+s30], $0x1400, $0x38;
	[tilespmem:$0x1E0C0] =	vst v63  }
0x18: {  	[dreg:$0xf] =	wrdreg s0  }
0x19: {  	s1 =	rddreg [dreg:$0x11]  }
0x1a: {  	s5 =	simm.s32 @p0 $0x1FC5;
	s9 =	simm.s32 @p0 $0x5;
	s0 =	rddreg [dreg:$0x8]  }
0x1b: {  	[spmem:s1], [sflag:s5] =	dma.local @p0 [hbm:s0], $0x2080  }
0x1c: {  	_ =	swait.ge @p0 [sflag:s9], $0x2080  }
0x1d: {  	s0 =	rddreg [dreg:$0x10]  }
0x1e: {  	s1 =	rddreg [dreg:$0xf];
	[sflag:s9] =	ssyncset.done @p0 $0x0  }
0x1f: {  	s8 =	simm.s32 @!p0 $0x5;
	s5 =	rddreg [dreg:$0x7];
	[sflag:s9] =	ssyncadd.s32 @p0 $0xFFFFDF80  }
0x20: {  	[spmem:s0], [sflag:s1] =	dma.local @!p0 [hbm:s5], $0x2780  }
0x21: {  	_ =	swait.ge @!p0 [sflag:s8], $0x2780  }
0x22: {  	[sflag:s8] =	ssyncset.done @!p0 $0x0  }
0x23: {  	s23 =	simm.s32 $0x3;
	[sflag:s8] =	ssyncadd.s32 @!p0 $0xFFFFD880  }
0x24: {  	_ =	swait.ge [sflag:s23], $0x1400  }
0x25: {  	[sflag:s23] =	ssyncset.done $0x0  }
0x26: {  	s12 =	simm.s32 $0x80;
	s13 =	simm.s32 $0x160C0;
	[sflag:s23] =	ssyncadd.s32 $0xFFFFEC00  }
0x27: {  	[tilespmem:s13], [sflag:$0x1] =	stream.indirect.gather [hbm4b:s2+s12], $0x80, s6, s12, $0xb8;
	[tilespmem:$0x1E0C0] =	vst v63  }
0x28: {  	s25 =	simm.s32 $0x139C0;
	s15 =	simm.s32 $0x1A0C0  }
0x29: {  	[tilespmem:s15], [sflag:$0x2] =	stream.indirect.gather [hbm4b:s2+s12], $0x80, s25, s12, $0xb8;
	[tilespmem:$0x1E0C0] =	vst v63  }
0x2a: {  	s16 =	simm.s32 $0x1;
	[bflag:$0x0] =	sbarrier.arrive $0xFFFF  }
0x2b: {  	_ =	swait.ge [sflag:s16], $0x4000  }
0x2c: {  	[sflag:s16] =	ssyncset.done $0x0  }
0x2d: {  	s28 =	simm.s32 $0x13940;
	s18 =	simm.s32 $0x5;
	[sflag:s16] =	ssyncadd.s32 $0xFFFFC000  }
0x2e: {  	[spmem:s3] =	stream.indirect.scatter.add.f32 [tilespmem:s13], [sflag:$0x5], $0x80, s28, s12, $0xb8;
	[tilespmem:$0x1E0C0] =	vst v63  }
0x2f: {  	_ =	swait.ge [sflag:s18], $0x4000  }
0x30: {  	[sflag:s18] =	ssyncset.done $0x0  }
0x31: {  	s29 =	simm.s32 $0x13AC0;
	s20 =	simm.s32 $0x2;
	[sflag:s18] =	ssyncadd.s32 $0xFFFFC000  }
0x32: {  	[tilespmem:s13], [sflag:$0x1] =	stream.indirect.gather [hbm4b:s2+s12], $0x80, s29, s12, $0xb8;
	[tilespmem:$0x1E0C0] =	vst v63  }
0x33: {  	_ =	swait.ge [sflag:s20], $0x4000  }
0x34: {  	[sflag:s20] =	ssyncset.done $0x0  }
0x35: {  	s31 =	simm.s32 $0x13A40;
	[sflag:s20] =	ssyncadd.s32 $0xFFFFC000  }
0x36: {  	[spmem:s3] =	stream.indirect.scatter.add.f32 [tilespmem:s15], [sflag:$0x5], $0x80, s31, s12, $0xb8;
	[tilespmem:$0x1E0C0] =	vst v63  }
0x37: {  	_ =	swait.ge [sflag:s18], $0x4000  }
0x38: {  	[sflag:s18] =	ssyncset.done $0x0  }
0x39: {  	s1 =	simm.s32 $0x13BC0;
	[sflag:s18] =	ssyncadd.s32 $0xFFFFC000  }
0x3a: {  	[tilespmem:s15], [sflag:$0x2] =	stream.indirect.gather [hbm4b:s2+s12], $0x80, s1, s12, $0xb8;
	[tilespmem:$0x1E0C0] =	vst v63  }
0x3b: {  	_ =	swait.ge [sflag:s16], $0x4000  }
0x3c: {  	[sflag:s16] =	ssyncset.done $0x0  }
0x3d: {  	s4 =	simm.s32 $0x13B40;
	[sflag:s16] =	ssyncadd.s32 $0xFFFFC000  }
0x3e: {  	[spmem:s3] =	stream.indirect.scatter.add.f32 [tilespmem:s13], [sflag:$0x5], $0x80, s4, s12, $0xb8;
	[tilespmem:$0x1E0C0] =	vst v63  }
0x3f: {  	_ =	swait.ge [sflag:s18], $0x4000  }
0x40: {  	[sflag:s18] =	ssyncset.done $0x0  }
0x41: {  	s5 =	simm.s32 $0x13CC0;
	[sflag:s18] =	ssyncadd.s32 $0xFFFFC000  }
0x42: {  	[tilespmem:s13], [sflag:$0x1] =	stream.indirect.gather [hbm4b:s2+s12], $0x80, s5, s12, $0xb8;
	[tilespmem:$0x1E0C0] =	vst v63  }
0x43: {  	_ =	swait.ge [sflag:s20], $0x4000  }
0x44: {  	[sflag:s20] =	ssyncset.done $0x0  }
0x45: {  	s7 =	simm.s32 $0x13C40;
	[sflag:s20] =	ssyncadd.s32 $0xFFFFC000  }
0x46: {  	[spmem:s3] =	stream.indirect.scatter.add.f32 [tilespmem:s15], [sflag:$0x5], $0x80, s7, s12, $0xb8;
	[tilespmem:$0x1E0C0] =	vst v63  }
0x47: {  	_ =	swait.ge [sflag:s18], $0x4000  }
0x48: {  	[sflag:s18] =	ssyncset.done $0x0  }
0x49: {  	s8 =	simm.s32 $0x13DC0;
	[sflag:s18] =	ssyncadd.s32 $0xFFFFC000  }
0x4a: {  	[tilespmem:s15], [sflag:$0x2] =	stream.indirect.gather [hbm4b:s2+s12], $0x80, s8, s12, $0xb8;
	[tilespmem:$0x1E0C0] =	vst v63  }
0x4b: {  	_ =	swait.ge [sflag:s16], $0x4000  }
0x4c: {  	[sflag:s16] =	ssyncset.done $0x0  }
0x4d: {  	s9 =	simm.s32 $0x13D40;
	[sflag:s16] =	ssyncadd.s32 $0xFFFFC000  }
0x4e: {  	[spmem:s3] =	stream.indirect.scatter.add.f32 [tilespmem:s13], [sflag:$0x5], $0x80, s9, s12, $0xb8;
	[tilespmem:$0x1E0C0] =	vst v63  }
0x4f: {  	_ =	swait.ge [sflag:s18], $0x4000  }
0x50: {  	[sflag:s18] =	ssyncset.done $0x0  }
0x51: {  	s10 =	simm.s32 $0x13EC0;
	[sflag:s18] =	ssyncadd.s32 $0xFFFFC000  }
0x52: {  	[tilespmem:s13], [sflag:$0x1] =	stream.indirect.gather [hbm4b:s2+s12], $0x80, s10, s12, $0xb8;
	[tilespmem:$0x1E0C0] =	vst v63  }
0x53: {  	_ =	swait.ge [sflag:s20], $0x4000  }
0x54: {  	[sflag:s20] =	ssyncset.done $0x0  }
0x55: {  	s11 =	simm.s32 $0x13E40;
	[sflag:s20] =	ssyncadd.s32 $0xFFFFC000  }
0x56: {  	[spmem:s3] =	stream.indirect.scatter.add.f32 [tilespmem:s15], [sflag:$0x5], $0x80, s11, s12, $0xb8;
	[tilespmem:$0x1E0C0] =	vst v63  }
0x57: {  	_ =	swait.ge [sflag:s18], $0x4000  }
0x58: {  	[sflag:s18] =	ssyncset.done $0x0  }
0x59: {  	s14 =	simm.s32 $0x13FC0;
	[sflag:s18] =	ssyncadd.s32 $0xFFFFC000  }
0x5a: {  	[tilespmem:s15], [sflag:$0x2] =	stream.indirect.gather [hbm4b:s2+s12], $0x80, s14, s12, $0xb8;
	[tilespmem:$0x1E0C0] =	vst v63  }
0x5b: {  	_ =	swait.ge [sflag:s16], $0x4000  }
0x5c: {  	[sflag:s16] =	ssyncset.done $0x0  }
0x5d: {  	s19 =	simm.s32 $0x13F40;
	[sflag:s16] =	ssyncadd.s32 $0xFFFFC000  }
0x5e: {  	[spmem:s3] =	stream.indirect.scatter.add.f32 [tilespmem:s13], [sflag:$0x5], $0x80, s19, s12, $0xb8;
	[tilespmem:$0x1E0C0] =	vst v63  }
0x5f: {  	_ =	swait.ge [sflag:s18], $0x4000  }
0x60: {  	[sflag:s18] =	ssyncset.done $0x0  }
0x61: {  	s22 =	simm.s32 $0x140C0;
	[sflag:s18] =	ssyncadd.s32 $0xFFFFC000  }
0x62: {  	[tilespmem:s13], [sflag:$0x1] =	stream.indirect.gather [hbm4b:s2+s12], $0x80, s22, s12, $0xb8;
	[tilespmem:$0x1E0C0] =	vst v63  }
0x63: {  	_ =	swait.ge [sflag:s20], $0x4000  }
0x64: {  	[sflag:s20] =	ssyncset.done $0x0  }
0x65: {  	s24 =	simm.s32 $0x14040;
	[sflag:s20] =	ssyncadd.s32 $0xFFFFC000  }
0x66: {  	[spmem:s3] =	stream.indirect.scatter.add.f32 [tilespmem:s15], [sflag:$0x5], $0x80, s24, s12, $0xb8;
	[tilespmem:$0x1E0C0] =	vst v63  }
0x67: {  	_ =	swait.ge [sflag:s18], $0x4000  }
0x68: {  	[sflag:s18] =	ssyncset.done $0x0  }
0x69: {  	s25 =	simm.s32 $0x141C0;
	[sflag:s18] =	ssyncadd.s32 $0xFFFFC000  }
0x6a: {  	[tilespmem:s15], [sflag:$0x2] =	stream.indirect.gather [hbm4b:s2+s12], $0x80, s25, s12, $0xb8;
	[tilespmem:$0x1E0C0] =	vst v63  }
0x6b: {  	_ =	swait.ge [sflag:s16], $0x4000  }
0x6c: {  	[sflag:s16] =	ssyncset.done $0x0  }
0x6d: {  	s28 =	simm.s32 $0x14140;
	[sflag:s16] =	ssyncadd.s32 $0xFFFFC000  }
0x6e: {  	[spmem:s3] =	stream.indirect.scatter.add.f32 [tilespmem:s13], [sflag:$0x5], $0x80, s28, s12, $0xb8;
	[tilespmem:$0x1E0C0] =	vst v63  }
0x6f: {  	_ =	swait.ge [sflag:s18], $0x4000  }
0x70: {  	[sflag:s18] =	ssyncset.done $0x0  }
0x71: {  	s29 =	simm.s32 $0x142C0;
	[sflag:s18] =	ssyncadd.s32 $0xFFFFC000  }
0x72: {  	[tilespmem:s13], [sflag:$0x1] =	stream.indirect.gather [hbm4b:s2+s12], $0x80, s29, s12, $0xb8;
	[tilespmem:$0x1E0C0] =	vst v63  }
0x73: {  	_ =	swait.ge [sflag:s20], $0x4000  }
0x74: {  	[sflag:s20] =	ssyncset.done $0x0  }
0x75: {  	s31 =	simm.s32 $0x14240;
	[sflag:s20] =	ssyncadd.s32 $0xFFFFC000  }
0x76: {  	[spmem:s3] =	stream.indirect.scatter.add.f32 [tilespmem:s15], [sflag:$0x5], $0x80, s31, s12, $0xb8;
	[tilespmem:$0x1E0C0] =	vst v63  }
0x77: {  	_ =	swait.ge [sflag:s18], $0x4000  }
0x78: {  	[sflag:s18] =	ssyncset.done $0x0  }
0x79: {  	s1 =	simm.s32 $0x143C0;
	[sflag:s18] =	ssyncadd.s32 $0xFFFFC000  }
0x7a: {  	[tilespmem:s15], [sflag:$0x2] =	stream.indirect.gather [hbm4b:s2+s12], $0x80, s1, s12, $0xb8;
	[tilespmem:$0x1E0C0] =	vst v63  }
0x7b: {  	_ =	swait.ge [sflag:s16], $0x4000  }
0x7c: {  	[sflag:s16] =	ssyncset.done $0x0  }
0x7d: {  	s4 =	simm.s32 $0x14340;
	[sflag:s16] =	ssyncadd.s32 $0xFFFFC000  }
0x7e: {  	[spmem:s3] =	stream.indirect.scatter.add.f32 [tilespmem:s13], [sflag:$0x5], $0x80, s4, s12, $0xb8;
	[tilespmem:$0x1E0C0] =	vst v63  }
0x7f: {  	_ =	swait.ge [sflag:s18], $0x4000  }
0x80: {  	[sflag:s18] =	ssyncset.done $0x0  }
0x81: {  	s5 =	simm.s32 $0x144C0;
	[sflag:s18] =	ssyncadd.s32 $0xFFFFC000  }
0x82: {  	[tilespmem:s13], [sflag:$0x1] =	stream.indirect.gather [hbm4b:s2+s12], $0x80, s5, s12, $0xb8;
	[tilespmem:$0x1E0C0] =	vst v63  }
0x83: {  	_ =	swait.ge [sflag:s20], $0x4000  }
0x84: {  	[sflag:s20] =	ssyncset.done $0x0  }
0x85: {  	s7 =	simm.s32 $0x14440;
	[sflag:s20] =	ssyncadd.s32 $0xFFFFC000  }
0x86: {  	[spmem:s3] =	stream.indirect.scatter.add.f32 [tilespmem:s15], [sflag:$0x5], $0x80, s7, s12, $0xb8;
	[tilespmem:$0x1E0C0] =	vst v63  }
0x87: {  	_ =	swait.ge [sflag:s18], $0x4000  }
0x88: {  	[sflag:s18] =	ssyncset.done $0x0  }
0x89: {  	s8 =	simm.s32 $0x145C0;
	[sflag:s18] =	ssyncadd.s32 $0xFFFFC000  }
0x8a: {  	[tilespmem:s15], [sflag:$0x2] =	stream.indirect.gather [hbm4b:s2+s12], $0x80, s8, s12, $0xb8;
	[tilespmem:$0x1E0C0] =	vst v63  }
0x8b: {  	_ =	swait.ge [sflag:s16], $0x4000  }
0x8c: {  	[sflag:s16] =	ssyncset.done $0x0  }
0x8d: {  	s9 =	simm.s32 $0x14540;
	[sflag:s16] =	ssyncadd.s32 $0xFFFFC000  }
0x8e: {  	[spmem:s3] =	stream.indirect.scatter.add.f32 [tilespmem:s13], [sflag:$0x5], $0x80, s9, s12, $0xb8;
	[tilespmem:$0x1E0C0] =	vst v63  }
0x8f: {  	_ =	swait.ge [sflag:s18], $0x4000  }
0x90: {  	[sflag:s18] =	ssyncset.done $0x0  }
0x91: {  	s10 =	simm.s32 $0x146C0;
	[sflag:s18] =	ssyncadd.s32 $0xFFFFC000  }
0x92: {  	[tilespmem:s13], [sflag:$0x1] =	stream.indirect.gather [hbm4b:s2+s12], $0x80, s10, s12, $0xb8;
	[tilespmem:$0x1E0C0] =	vst v63  }
0x93: {  	_ =	swait.ge [sflag:s20], $0x4000  }
0x94: {  	[sflag:s20] =	ssyncset.done $0x0  }
0x95: {  	s11 =	simm.s32 $0x14640;
	[sflag:s20] =	ssyncadd.s32 $0xFFFFC000  }
0x96: {  	[spmem:s3] =	stream.indirect.scatter.add.f32 [tilespmem:s15], [sflag:$0x5], $0x80, s11, s12, $0xb8;
	[tilespmem:$0x1E0C0] =	vst v63  }
0x97: {  	_ =	swait.ge [sflag:s18], $0x4000  }
0x98: {  	[sflag:s18] =	ssyncset.done $0x0  }
0x99: {  	s14 =	simm.s32 $0x147C0;
	[sflag:s18] =	ssyncadd.s32 $0xFFFFC000  }
0x9a: {  	[tilespmem:s15], [sflag:$0x2] =	stream.indirect.gather [hbm4b:s2+s12], $0x80, s14, s12, $0xb8;
	[tilespmem:$0x1E0C0] =	vst v63  }
0x9b: {  	_ =	swait.ge [sflag:s16], $0x4000  }
0x9c: {  	[sflag:s16] =	ssyncset.done $0x0  }
0x9d: {  	s19 =	simm.s32 $0x14740;
	[sflag:s16] =	ssyncadd.s32 $0xFFFFC000  }
0x9e: {  	[spmem:s3] =	stream.indirect.scatter.add.f32 [tilespmem:s13], [sflag:$0x5], $0x80, s19, s12, $0xb8;
	[tilespmem:$0x1E0C0] =	vst v63  }
0x9f: {  	_ =	swait.ge [sflag:s18], $0x4000  }
0xa0: {  	[sflag:s18] =	ssyncset.done $0x0  }
0xa1: {  	s22 =	simm.s32 $0x148C0;
	[sflag:s18] =	ssyncadd.s32 $0xFFFFC000  }
0xa2: {  	[tilespmem:s13], [sflag:$0x1] =	stream.indirect.gather [hbm4b:s2+s12], $0x80, s22, s12, $0xb8;
	[tilespmem:$0x1E0C0] =	vst v63  }
0xa3: {  	_ =	swait.ge [sflag:s20], $0x4000  }
0xa4: {  	[sflag:s20] =	ssyncset.done $0x0  }
0xa5: {  	s24 =	simm.s32 $0x14840;
	[sflag:s20] =	ssyncadd.s32 $0xFFFFC000  }
0xa6: {  	[spmem:s3] =	stream.indirect.scatter.add.f32 [tilespmem:s15], [sflag:$0x5], $0x80, s24, s12, $0xb8;
	[tilespmem:$0x1E0C0] =	vst v63  }
0xa7: {  	_ =	swait.ge [sflag:s18], $0x4000  }
0xa8: {  	[sflag:s18] =	ssyncset.done $0x0  }
0xa9: {  	s25 =	simm.s32 $0x149C0;
	[sflag:s18] =	ssyncadd.s32 $0xFFFFC000  }
0xaa: {  	[tilespmem:s15], [sflag:$0x2] =	stream.indirect.gather [hbm4b:s2+s12], $0x80, s25, s12, $0xb8;
	[tilespmem:$0x1E0C0] =	vst v63  }
0xab: {  	_ =	swait.ge [sflag:s16], $0x4000  }
0xac: {  	[sflag:s16] =	ssyncset.done $0x0  }
0xad: {  	s28 =	simm.s32 $0x14940;
	[sflag:s16] =	ssyncadd.s32 $0xFFFFC000  }
0xae: {  	[spmem:s3] =	stream.indirect.scatter.add.f32 [tilespmem:s13], [sflag:$0x5], $0x80, s28, s12, $0xb8;
	[tilespmem:$0x1E0C0] =	vst v63  }
0xaf: {  	_ =	swait.ge [sflag:s18], $0x4000  }
0xb0: {  	[sflag:s18] =	ssyncset.done $0x0  }
0xb1: {  	s29 =	simm.s32 $0x14AC0;
	[sflag:s18] =	ssyncadd.s32 $0xFFFFC000  }
0xb2: {  	[tilespmem:s13], [sflag:$0x1] =	stream.indirect.gather [hbm4b:s2+s12], $0x80, s29, s12, $0xb8;
	[tilespmem:$0x1E0C0] =	vst v63  }
0xb3: {  	_ =	swait.ge [sflag:s20], $0x4000  }
0xb4: {  	[sflag:s20] =	ssyncset.done $0x0  }
0xb5: {  	s31 =	simm.s32 $0x14A40;
	[sflag:s20] =	ssyncadd.s32 $0xFFFFC000  }
0xb6: {  	[spmem:s3] =	stream.indirect.scatter.add.f32 [tilespmem:s15], [sflag:$0x5], $0x80, s31, s12, $0xb8;
	[tilespmem:$0x1E0C0] =	vst v63  }
0xb7: {  	_ =	swait.ge [sflag:s18], $0x4000  }
0xb8: {  	[sflag:s18] =	ssyncset.done $0x0  }
0xb9: {  	s1 =	simm.s32 $0x14BC0;
	[sflag:s18] =	ssyncadd.s32 $0xFFFFC000  }
0xba: {  	[tilespmem:s15], [sflag:$0x2] =	stream.indirect.gather [hbm4b:s2+s12], $0x80, s1, s12, $0xb8;
	[tilespmem:$0x1E0C0] =	vst v63  }
0xbb: {  	_ =	swait.ge [sflag:s16], $0x4000  }
0xbc: {  	[sflag:s16] =	ssyncset.done $0x0  }
0xbd: {  	s4 =	simm.s32 $0x14B40;
	[sflag:s16] =	ssyncadd.s32 $0xFFFFC000  }
0xbe: {  	[spmem:s3] =	stream.indirect.scatter.add.f32 [tilespmem:s13], [sflag:$0x5], $0x80, s4, s12, $0xb8;
	[tilespmem:$0x1E0C0] =	vst v63  }
0xbf: {  	_ =	swait.ge [sflag:s18], $0x4000  }
0xc0: {  	[sflag:s18] =	ssyncset.done $0x0  }
0xc1: {  	[sflag:s18] =	ssyncadd.s32 $0xFFFFC000  }
0xc2: {  	_ =	swait.ge [sflag:s20], $0x4000  }
0xc3: {  	[sflag:s20] =	ssyncset.done $0x0  }
0xc4: {  	s5 =	simm.s32 $0x14C40;
	[sflag:s20] =	ssyncadd.s32 $0xFFFFC000  }
0xc5: {  	[spmem:s3] =	stream.indirect.scatter.add.f32 [tilespmem:s15], [sflag:$0x5], $0x80, s5, s12, $0xb8;
	[tilespmem:$0x1E0C0] =	vst v63  }
0xc6: {  	_ =	swait.ge [sflag:s18], $0x4000  }
0xc7: {  	[sflag:s18] =	ssyncset.done $0x0  }
0xc8: {  	s1 =	simm.s32 $0x4;
	s7 =	rddreg [dreg:$0x9];
	[sflag:s18] =	ssyncadd.s32 $0xFFFFC000  }
0xc9: {  	[tilespmem:s6], [sflag:$0x3] =	stream.linear.gather [hbm4b:s7+s30], $0x1400, $0x38;
	[tilespmem:$0x1E0C0] =	vst v63  }
0xca: {  	_ =	swait.ge [sflag:s1], $0x1400  }
0xcb: {  	[sflag:s1] =	ssyncset.done $0x0  }
0xcc: {  	s4 =	simm.s32 $0x14CC0;
	[sflag:s1] =	ssyncadd.s32 $0xFFFFEC00  }
0xcd: {  	[tilespmem:s13], [sflag:$0x1] =	stream.indirect.gather [hbm4b:s2+s12], $0x80, s4, s12, $0xb8;
	[tilespmem:$0x1E0C0] =	vst v63  }
0xce: {  	s8 =	simm.s32 $0x14DC0  }
0xcf: {  	[tilespmem:s15], [sflag:$0x2] =	stream.indirect.gather [hbm4b:s2+s12], $0x80, s8, s12, $0xb8;
	[tilespmem:$0x1E0C0] =	vst v63  }
0xd0: {  	_ =	swait.ge [sflag:s16], $0x4000  }
0xd1: {  	[sflag:s16] =	ssyncset.done $0x0  }
0xd2: {  	s9 =	simm.s32 $0x14D40;
	[sflag:s16] =	ssyncadd.s32 $0xFFFFC000  }
0xd3: {  	[spmem:s3] =	stream.indirect.scatter.add.f32 [tilespmem:s13], [sflag:$0x5], $0x80, s9, s12, $0xb8;
	[tilespmem:$0x1E0C0] =	vst v63  }
0xd4: {  	_ =	swait.ge [sflag:s18], $0x4000  }
0xd5: {  	[sflag:s18] =	ssyncset.done $0x0  }
0xd6: {  	s10 =	simm.s32 $0x14EC0;
	[sflag:s18] =	ssyncadd.s32 $0xFFFFC000  }
0xd7: {  	[tilespmem:s13], [sflag:$0x1] =	stream.indirect.gather [hbm4b:s2+s12], $0x80, s10, s12, $0xb8;
	[tilespmem:$0x1E0C0] =	vst v63  }
0xd8: {  	_ =	swait.ge [sflag:s20], $0x4000  }
0xd9: {  	[sflag:s20] =	ssyncset.done $0x0  }
0xda: {  	s11 =	simm.s32 $0x14E40;
	[sflag:s20] =	ssyncadd.s32 $0xFFFFC000  }
0xdb: {  	[spmem:s3] =	stream.indirect.scatter.add.f32 [tilespmem:s15], [sflag:$0x5], $0x80, s11, s12, $0xb8;
	[tilespmem:$0x1E0C0] =	vst v63  }
0xdc: {  	_ =	swait.ge [sflag:s18], $0x4000  }
0xdd: {  	[sflag:s18] =	ssyncset.done $0x0  }
0xde: {  	s14 =	simm.s32 $0x14FC0;
	[sflag:s18] =	ssyncadd.s32 $0xFFFFC000  }
0xdf: {  	[tilespmem:s15], [sflag:$0x2] =	stream.indirect.gather [hbm4b:s2+s12], $0x80, s14, s12, $0xb8;
	[tilespmem:$0x1E0C0] =	vst v63  }
0xe0: {  	_ =	swait.ge [sflag:s16], $0x4000  }
0xe1: {  	[sflag:s16] =	ssyncset.done $0x0  }
0xe2: {  	s19 =	simm.s32 $0x14F40;
	[sflag:s16] =	ssyncadd.s32 $0xFFFFC000  }
0xe3: {  	[spmem:s3] =	stream.indirect.scatter.add.f32 [tilespmem:s13], [sflag:$0x5], $0x80, s19, s12, $0xb8;
	[tilespmem:$0x1E0C0] =	vst v63  }
0xe4: {  	_ =	swait.ge [sflag:s18], $0x4000  }
0xe5: {  	[sflag:s18] =	ssyncset.done $0x0  }
0xe6: {  	s22 =	simm.s32 $0x150C0;
	[sflag:s18] =	ssyncadd.s32 $0xFFFFC000  }
0xe7: {  	[tilespmem:s13], [sflag:$0x1] =	stream.indirect.gather [hbm4b:s2+s12], $0x80, s22, s12, $0xb8;
	[tilespmem:$0x1E0C0] =	vst v63  }
0xe8: {  	_ =	swait.ge [sflag:s20], $0x4000  }
0xe9: {  	[sflag:s20] =	ssyncset.done $0x0  }
0xea: {  	s24 =	simm.s32 $0x15040;
	[sflag:s20] =	ssyncadd.s32 $0xFFFFC000  }
0xeb: {  	[spmem:s3] =	stream.indirect.scatter.add.f32 [tilespmem:s15], [sflag:$0x5], $0x80, s24, s12, $0xb8;
	[tilespmem:$0x1E0C0] =	vst v63  }
0xec: {  	_ =	swait.ge [sflag:s18], $0x4000  }
0xed: {  	[sflag:s18] =	ssyncset.done $0x0  }
0xee: {  	s25 =	simm.s32 $0x151C0;
	[sflag:s18] =	ssyncadd.s32 $0xFFFFC000  }
0xef: {  	[tilespmem:s15], [sflag:$0x2] =	stream.indirect.gather [hbm4b:s2+s12], $0x80, s25, s12, $0xb8;
	[tilespmem:$0x1E0C0] =	vst v63  }
0xf0: {  	_ =	swait.ge [sflag:s16], $0x4000  }
0xf1: {  	[sflag:s16] =	ssyncset.done $0x0  }
0xf2: {  	s28 =	simm.s32 $0x15140;
	[sflag:s16] =	ssyncadd.s32 $0xFFFFC000  }
0xf3: {  	[spmem:s3] =	stream.indirect.scatter.add.f32 [tilespmem:s13], [sflag:$0x5], $0x80, s28, s12, $0xb8;
	[tilespmem:$0x1E0C0] =	vst v63  }
0xf4: {  	_ =	swait.ge [sflag:s18], $0x4000  }
0xf5: {  	[sflag:s18] =	ssyncset.done $0x0  }
0xf6: {  	s29 =	simm.s32 $0x152C0;
	[sflag:s18] =	ssyncadd.s32 $0xFFFFC000  }
0xf7: {  	[tilespmem:s13], [sflag:$0x1] =	stream.indirect.gather [hbm4b:s2+s12], $0x80, s29, s12, $0xb8;
	[tilespmem:$0x1E0C0] =	vst v63  }
0xf8: {  	_ =	swait.ge [sflag:s20], $0x4000  }
0xf9: {  	[sflag:s20] =	ssyncset.done $0x0  }
0xfa: {  	s31 =	simm.s32 $0x15240;
	[sflag:s20] =	ssyncadd.s32 $0xFFFFC000  }
0xfb: {  	[spmem:s3] =	stream.indirect.scatter.add.f32 [tilespmem:s15], [sflag:$0x5], $0x80, s31, s12, $0xb8;
	[tilespmem:$0x1E0C0] =	vst v63  }
0xfc: {  	_ =	swait.ge [sflag:s18], $0x4000  }
0xfd: {  	[sflag:s18] =	ssyncset.done $0x0  }
0xfe: {  	s5 =	simm.s32 $0x153C0;
	[sflag:s18] =	ssyncadd.s32 $0xFFFFC000  }
0xff: {  	[tilespmem:s15], [sflag:$0x2] =	stream.indirect.gather [hbm4b:s2+s12], $0x80, s5, s12, $0xb8;
	[tilespmem:$0x1E0C0] =	vst v63  }
0x100: {  	_ =	swait.ge [sflag:s16], $0x4000  }
0x101: {  	[sflag:s16] =	ssyncset.done $0x0  }
0x102: {  	s7 =	simm.s32 $0x15340;
	[sflag:s16] =	ssyncadd.s32 $0xFFFFC000  }
0x103: {  	[spmem:s3] =	stream.indirect.scatter.add.f32 [tilespmem:s13], [sflag:$0x5], $0x80, s7, s12, $0xb8;
	[tilespmem:$0x1E0C0] =	vst v63  }
0x104: {  	_ =	swait.ge [sflag:s18], $0x4000  }
0x105: {  	[sflag:s18] =	ssyncset.done $0x0  }
0x106: {  	s8 =	simm.s32 $0x154C0;
	[sflag:s18] =	ssyncadd.s32 $0xFFFFC000  }
0x107: {  	[tilespmem:s13], [sflag:$0x1] =	stream.indirect.gather [hbm4b:s2+s12], $0x80, s8, s12, $0xb8;
	[tilespmem:$0x1E0C0] =	vst v63  }
0x108: {  	_ =	swait.ge [sflag:s20], $0x4000  }
0x109: {  	[sflag:s20] =	ssyncset.done $0x0  }
0x10a: {  	s9 =	simm.s32 $0x15440;
	[sflag:s20] =	ssyncadd.s32 $0xFFFFC000  }
0x10b: {  	[spmem:s3] =	stream.indirect.scatter.add.f32 [tilespmem:s15], [sflag:$0x5], $0x80, s9, s12, $0xb8;
	[tilespmem:$0x1E0C0] =	vst v63  }
0x10c: {  	_ =	swait.ge [sflag:s18], $0x4000  }
0x10d: {  	[sflag:s18] =	ssyncset.done $0x0  }
0x10e: {  	s10 =	simm.s32 $0x155C0;
	[sflag:s18] =	ssyncadd.s32 $0xFFFFC000  }
0x10f: {  	[tilespmem:s15], [sflag:$0x2] =	stream.indirect.gather [hbm4b:s2+s12], $0x80, s10, s12, $0xb8;
	[tilespmem:$0x1E0C0] =	vst v63  }
0x110: {  	_ =	swait.ge [sflag:s16], $0x4000  }
0x111: {  	[sflag:s16] =	ssyncset.done $0x0  }
0x112: {  	s11 =	simm.s32 $0x15540;
	[sflag:s16] =	ssyncadd.s32 $0xFFFFC000  }
0x113: {  	[spmem:s3] =	stream.indirect.scatter.add.f32 [tilespmem:s13], [sflag:$0x5], $0x80, s11, s12, $0xb8;
	[tilespmem:$0x1E0C0] =	vst v63  }
0x114: {  	_ =	swait.ge [sflag:s18], $0x4000  }
0x115: {  	[sflag:s18] =	ssyncset.done $0x0  }
0x116: {  	s14 =	simm.s32 $0x156C0;
	[sflag:s18] =	ssyncadd.s32 $0xFFFFC000  }
0x117: {  	[tilespmem:s13], [sflag:$0x1] =	stream.indirect.gather [hbm4b:s2+s12], $0x80, s14, s12, $0xb8;
	[tilespmem:$0x1E0C0] =	vst v63  }
0x118: {  	_ =	swait.ge [sflag:s20], $0x4000  }
0x119: {  	[sflag:s20] =	ssyncset.done $0x0  }
0x11a: {  	s19 =	simm.s32 $0x15640;
	[sflag:s20] =	ssyncadd.s32 $0xFFFFC000  }
0x11b: {  	[spmem:s3] =	stream.indirect.scatter.add.f32 [tilespmem:s15], [sflag:$0x5], $0x80, s19, s12, $0xb8;
	[tilespmem:$0x1E0C0] =	vst v63  }
0x11c: {  	_ =	swait.ge [sflag:s18], $0x4000  }
0x11d: {  	[sflag:s18] =	ssyncset.done $0x0  }
0x11e: {  	s22 =	simm.s32 $0x157C0;
	[sflag:s18] =	ssyncadd.s32 $0xFFFFC000  }
0x11f: {  	[tilespmem:s15], [sflag:$0x2] =	stream.indirect.gather [hbm4b:s2+s12], $0x80, s22, s12, $0xb8;
	[tilespmem:$0x1E0C0] =	vst v63  }
0x120: {  	_ =	swait.ge [sflag:s16], $0x4000  }
0x121: {  	[sflag:s16] =	ssyncset.done $0x0  }
0x122: {  	s24 =	simm.s32 $0x15740;
	[sflag:s16] =	ssyncadd.s32 $0xFFFFC000  }
0x123: {  	[spmem:s3] =	stream.indirect.scatter.add.f32 [tilespmem:s13], [sflag:$0x5], $0x80, s24, s12, $0xb8;
	[tilespmem:$0x1E0C0] =	vst v63  }
0x124: {  	_ =	swait.ge [sflag:s18], $0x4000  }
0x125: {  	[sflag:s18] =	ssyncset.done $0x0  }
0x126: {  	s25 =	simm.s32 $0x158C0;
	[sflag:s18] =	ssyncadd.s32 $0xFFFFC000  }
0x127: {  	[tilespmem:s13], [sflag:$0x1] =	stream.indirect.gather [hbm4b:s2+s12], $0x80, s25, s12, $0xb8;
	[tilespmem:$0x1E0C0] =	vst v63  }
0x128: {  	_ =	swait.ge [sflag:s20], $0x4000  }
0x129: {  	[sflag:s20] =	ssyncset.done $0x0  }
0x12a: {  	s28 =	simm.s32 $0x15840;
	[sflag:s20] =	ssyncadd.s32 $0xFFFFC000  }
0x12b: {  	[spmem:s3] =	stream.indirect.scatter.add.f32 [tilespmem:s15], [sflag:$0x5], $0x80, s28, s12, $0xb8;
	[tilespmem:$0x1E0C0] =	vst v63  }
0x12c: {  	_ =	swait.ge [sflag:s18], $0x4000  }
0x12d: {  	[sflag:s18] =	ssyncset.done $0x0  }
0x12e: {  	s29 =	simm.s32 $0x159C0;
	[sflag:s18] =	ssyncadd.s32 $0xFFFFC000  }
0x12f: {  	[tilespmem:s15], [sflag:$0x2] =	stream.indirect.gather [hbm4b:s2+s12], $0x80, s29, s12, $0xb8;
	[tilespmem:$0x1E0C0] =	vst v63  }
0x130: {  	_ =	swait.ge [sflag:s16], $0x4000  }
0x131: {  	[sflag:s16] =	ssyncset.done $0x0  }
0x132: {  	s31 =	simm.s32 $0x15940;
	[sflag:s16] =	ssyncadd.s32 $0xFFFFC000  }
0x133: {  	[spmem:s3] =	stream.indirect.scatter.add.f32 [tilespmem:s13], [sflag:$0x5], $0x80, s31, s12, $0xb8;
	[tilespmem:$0x1E0C0] =	vst v63  }
0x134: {  	_ =	swait.ge [sflag:s18], $0x4000  }
0x135: {  	[sflag:s18] =	ssyncset.done $0x0  }
0x136: {  	s29 =	simm.s32 $0x15AC0;
	[sflag:s18] =	ssyncadd.s32 $0xFFFFC000  }
0x137: {  	[tilespmem:s13], [sflag:$0x1] =	stream.indirect.gather [hbm4b:s2+s12], $0x80, s29, s12, $0xb8;
	[tilespmem:$0x1E0C0] =	vst v63  }
0x138: {  	_ =	swait.ge [sflag:s20], $0x4000  }
0x139: {  	[sflag:s20] =	ssyncset.done $0x0  }
0x13a: {  	s28 =	simm.s32 $0x15A40;
	[sflag:s20] =	ssyncadd.s32 $0xFFFFC000  }
0x13b: {  	[spmem:s3] =	stream.indirect.scatter.add.f32 [tilespmem:s15], [sflag:$0x5], $0x80, s28, s12, $0xb8;
	[tilespmem:$0x1E0C0] =	vst v63  }
0x13c: {  	_ =	swait.ge [sflag:s18], $0x4000  }
0x13d: {  	[sflag:s18] =	ssyncset.done $0x0  }
0x13e: {  	s25 =	simm.s32 $0x15BC0;
	[sflag:s18] =	ssyncadd.s32 $0xFFFFC000  }
0x13f: {  	[tilespmem:s15], [sflag:$0x2] =	stream.indirect.gather [hbm4b:s2+s12], $0x80, s25, s12, $0xb8;
	[tilespmem:$0x1E0C0] =	vst v63  }
0x140: {  	_ =	swait.ge [sflag:s16], $0x4000  }
0x141: {  	[sflag:s16] =	ssyncset.done $0x0  }
0x142: {  	s24 =	simm.s32 $0x15B40;
	[sflag:s16] =	ssyncadd.s32 $0xFFFFC000  }
0x143: {  	[spmem:s3] =	stream.indirect.scatter.add.f32 [tilespmem:s13], [sflag:$0x5], $0x80, s24, s12, $0xb8;
	[tilespmem:$0x1E0C0] =	vst v63  }
0x144: {  	_ =	swait.ge [sflag:s18], $0x4000  }
0x145: {  	[sflag:s18] =	ssyncset.done $0x0  }
0x146: {  	s22 =	simm.s32 $0x15CC0;
	[sflag:s18] =	ssyncadd.s32 $0xFFFFC000  }
0x147: {  	[tilespmem:s13], [sflag:$0x1] =	stream.indirect.gather [hbm4b:s2+s12], $0x80, s22, s12, $0xb8;
	[tilespmem:$0x1E0C0] =	vst v63  }
0x148: {  	_ =	swait.ge [sflag:s20], $0x4000  }
0x149: {  	[sflag:s20] =	ssyncset.done $0x0  }
0x14a: {  	s19 =	simm.s32 $0x15C40;
	[sflag:s20] =	ssyncadd.s32 $0xFFFFC000  }
0x14b: {  	[spmem:s3] =	stream.indirect.scatter.add.f32 [tilespmem:s15], [sflag:$0x5], $0x80, s19, s12, $0xb8;
	[tilespmem:$0x1E0C0] =	vst v63  }
0x14c: {  	_ =	swait.ge [sflag:s18], $0x4000  }
0x14d: {  	[sflag:s18] =	ssyncset.done $0x0  }
0x14e: {  	s14 =	simm.s32 $0x15DC0;
	[sflag:s18] =	ssyncadd.s32 $0xFFFFC000  }
0x14f: {  	[tilespmem:s15], [sflag:$0x2] =	stream.indirect.gather [hbm4b:s2+s12], $0x80, s14, s12, $0xb8;
	[tilespmem:$0x1E0C0] =	vst v63  }
0x150: {  	_ =	swait.ge [sflag:s16], $0x4000  }
0x151: {  	[sflag:s16] =	ssyncset.done $0x0  }
0x152: {  	s11 =	simm.s32 $0x15D40;
	[sflag:s16] =	ssyncadd.s32 $0xFFFFC000  }
0x153: {  	[spmem:s3] =	stream.indirect.scatter.add.f32 [tilespmem:s13], [sflag:$0x5], $0x80, s11, s12, $0xb8;
	[tilespmem:$0x1E0C0] =	vst v63  }
0x154: {  	_ =	swait.ge [sflag:s18], $0x4000  }
0x155: {  	[sflag:s18] =	ssyncset.done $0x0  }
0x156: {  	s10 =	simm.s32 $0x15EC0;
	[sflag:s18] =	ssyncadd.s32 $0xFFFFC000  }
0x157: {  	[tilespmem:s13], [sflag:$0x1] =	stream.indirect.gather [hbm4b:s2+s12], $0x80, s10, s12, $0xb8;
	[tilespmem:$0x1E0C0] =	vst v63  }
0x158: {  	_ =	swait.ge [sflag:s20], $0x4000  }
0x159: {  	[sflag:s20] =	ssyncset.done $0x0  }
0x15a: {  	s9 =	simm.s32 $0x15E40;
	[sflag:s20] =	ssyncadd.s32 $0xFFFFC000  }
0x15b: {  	[spmem:s3] =	stream.indirect.scatter.add.f32 [tilespmem:s15], [sflag:$0x5], $0x80, s9, s12, $0xb8;
	[tilespmem:$0x1E0C0] =	vst v63  }
0x15c: {  	_ =	swait.ge [sflag:s18], $0x4000  }
0x15d: {  	[sflag:s18] =	ssyncset.done $0x0  }
0x15e: {  	s8 =	simm.s32 $0x15FC0;
	[sflag:s18] =	ssyncadd.s32 $0xFFFFC000  }
0x15f: {  	[tilespmem:s15], [sflag:$0x2] =	stream.indirect.gather [hbm4b:s2+s12], $0x80, s8, s12, $0xb8;
	[tilespmem:$0x1E0C0] =	vst v63  }
0x160: {  	_ =	swait.ge [sflag:s16], $0x4000  }
0x161: {  	[sflag:s16] =	ssyncset.done $0x0  }
0x162: {  	s7 =	simm.s32 $0x15F40;
	[sflag:s16] =	ssyncadd.s32 $0xFFFFC000  }
0x163: {  	[spmem:s3] =	stream.indirect.scatter.add.f32 [tilespmem:s13], [sflag:$0x5], $0x80, s7, s12, $0xb8;
	[tilespmem:$0x1E0C0] =	vst v63  }
0x164: {  	_ =	swait.ge [sflag:s18], $0x4000  }
0x165: {  	[sflag:s18] =	ssyncset.done $0x0  }
0x166: {  	[sflag:s18] =	ssyncadd.s32 $0xFFFFC000  }
0x167: {  	_ =	swait.ge [sflag:s20], $0x4000  }
0x168: {  	[sflag:s20] =	ssyncset.done $0x0  }
0x169: {  	s5 =	simm.s32 $0x16040;
	[sflag:s20] =	ssyncadd.s32 $0xFFFFC000  }
0x16a: {  	[spmem:s3] =	stream.indirect.scatter.add.f32 [tilespmem:s15], [sflag:$0x5], $0x80, s5, s12, $0xb8;
	[tilespmem:$0x1E0C0] =	vst v63  }
0x16b: {  	_ =	swait.ge [sflag:s18], $0x4000  }
0x16c: {  	[sflag:s18] =	ssyncset.done $0x0  }
0x16d: {  	s0 =	rddreg [dreg:$0xa];
	[sflag:s18] =	ssyncadd.s32 $0xFFFFC000  }
0x16e: {  	[tilespmem:s4], [sflag:$0x4] =	stream.linear.gather [hbm4b:s0+s30], $0x1400, $0x38;
	[tilespmem:$0x1E0C0] =	vst v63  }
0x16f: {  	_ =	swait.ge [sflag:s23], $0x1400  }
0x170: {  	[sflag:s23] =	ssyncset.done $0x0  }
0x171: {  	[sflag:s23] =	ssyncadd.s32 $0xFFFFEC00  }
0x172: {  	[tilespmem:s13], [sflag:$0x1] =	stream.indirect.gather [hbm4b:s2+s12], $0x80, s6, s12, $0xb8;
	[tilespmem:$0x1E0C0] =	vst v63  }
0x173: {  	s30 =	simm.s32 $0x139C0  }
0x174: {  	[tilespmem:s15], [sflag:$0x2] =	stream.indirect.gather [hbm4b:s2+s12], $0x80, s30, s12, $0xb8;
	[tilespmem:$0x1E0C0] =	vst v63  }
0x175: {  	_ =	swait.ge [sflag:s16], $0x4000  }
0x176: {  	[sflag:s16] =	ssyncset.done $0x0  }
0x177: {  	s6 =	simm.s32 $0x13940;
	[sflag:s16] =	ssyncadd.s32 $0xFFFFC000  }
0x178: {  	[spmem:s3] =	stream.indirect.scatter.add.f32 [tilespmem:s13], [sflag:$0x5], $0x80, s6, s12, $0xb8;
	[tilespmem:$0x1E0C0] =	vst v63  }
0x179: {  	_ =	swait.ge [sflag:s18], $0x4000  }
0x17a: {  	[sflag:s18] =	ssyncset.done $0x0  }
0x17b: {  	s23 =	simm.s32 $0x13AC0;
	[sflag:s18] =	ssyncadd.s32 $0xFFFFC000  }
0x17c: {  	[tilespmem:s13], [sflag:$0x1] =	stream.indirect.gather [hbm4b:s2+s12], $0x80, s23, s12, $0xb8;
	[tilespmem:$0x1E0C0] =	vst v63  }
0x17d: {  	_ =	swait.ge [sflag:s20], $0x4000  }
0x17e: {  	[sflag:s20] =	ssyncset.done $0x0  }
0x17f: {  	s30 =	simm.s32 $0x13A40;
	[sflag:s20] =	ssyncadd.s32 $0xFFFFC000  }
0x180: {  	[spmem:s3] =	stream.indirect.scatter.add.f32 [tilespmem:s15], [sflag:$0x5], $0x80, s30, s12, $0xb8;
	[tilespmem:$0x1E0C0] =	vst v63  }
0x181: {  	_ =	swait.ge [sflag:s18], $0x4000  }
0x182: {  	[sflag:s18] =	ssyncset.done $0x0  }
0x183: {  	s6 =	simm.s32 $0x13BC0;
	[sflag:s18] =	ssyncadd.s32 $0xFFFFC000  }
0x184: {  	[tilespmem:s15], [sflag:$0x2] =	stream.indirect.gather [hbm4b:s2+s12], $0x80, s6, s12, $0xb8;
	[tilespmem:$0x1E0C0] =	vst v63  }
0x185: {  	_ =	swait.ge [sflag:s16], $0x4000  }
0x186: {  	[sflag:s16] =	ssyncset.done $0x0  }
0x187: {  	s23 =	simm.s32 $0x13B40;
	[sflag:s16] =	ssyncadd.s32 $0xFFFFC000  }
0x188: {  	[spmem:s3] =	stream.indirect.scatter.add.f32 [tilespmem:s13], [sflag:$0x5], $0x80, s23, s12, $0xb8;
	[tilespmem:$0x1E0C0] =	vst v63  }
0x189: {  	_ =	swait.ge [sflag:s18], $0x4000  }
0x18a: {  	[sflag:s18] =	ssyncset.done $0x0  }
0x18b: {  	s30 =	simm.s32 $0x13CC0;
	[sflag:s18] =	ssyncadd.s32 $0xFFFFC000  }
0x18c: {  	[tilespmem:s13], [sflag:$0x1] =	stream.indirect.gather [hbm4b:s2+s12], $0x80, s30, s12, $0xb8;
	[tilespmem:$0x1E0C0] =	vst v63  }
0x18d: {  	_ =	swait.ge [sflag:s20], $0x4000  }
0x18e: {  	[sflag:s20] =	ssyncset.done $0x0  }
0x18f: {  	s6 =	simm.s32 $0x13C40;
	[sflag:s20] =	ssyncadd.s32 $0xFFFFC000  }
0x190: {  	[spmem:s3] =	stream.indirect.scatter.add.f32 [tilespmem:s15], [sflag:$0x5], $0x80, s6, s12, $0xb8;
	[tilespmem:$0x1E0C0] =	vst v63  }
0x191: {  	_ =	swait.ge [sflag:s18], $0x4000  }
0x192: {  	[sflag:s18] =	ssyncset.done $0x0  }
0x193: {  	s23 =	simm.s32 $0x13DC0;
	[sflag:s18] =	ssyncadd.s32 $0xFFFFC000  }
0x194: {  	[tilespmem:s15], [sflag:$0x2] =	stream.indirect.gather [hbm4b:s2+s12], $0x80, s23, s12, $0xb8;
	[tilespmem:$0x1E0C0] =	vst v63  }
0x195: {  	_ =	swait.ge [sflag:s16], $0x4000  }
0x196: {  	[sflag:s16] =	ssyncset.done $0x0  }
0x197: {  	s30 =	simm.s32 $0x13D40;
	[sflag:s16] =	ssyncadd.s32 $0xFFFFC000  }
0x198: {  	[spmem:s3] =	stream.indirect.scatter.add.f32 [tilespmem:s13], [sflag:$0x5], $0x80, s30, s12, $0xb8;
	[tilespmem:$0x1E0C0] =	vst v63  }
0x199: {  	_ =	swait.ge [sflag:s18], $0x4000  }
0x19a: {  	[sflag:s18] =	ssyncset.done $0x0  }
0x19b: {  	s6 =	simm.s32 $0x13EC0;
	[sflag:s18] =	ssyncadd.s32 $0xFFFFC000  }
0x19c: {  	[tilespmem:s13], [sflag:$0x1] =	stream.indirect.gather [hbm4b:s2+s12], $0x80, s6, s12, $0xb8;
	[tilespmem:$0x1E0C0] =	vst v63  }
0x19d: {  	_ =	swait.ge [sflag:s20], $0x4000  }
0x19e: {  	[sflag:s20] =	ssyncset.done $0x0  }
0x19f: {  	s23 =	simm.s32 $0x13E40;
	[sflag:s20] =	ssyncadd.s32 $0xFFFFC000  }
0x1a0: {  	[spmem:s3] =	stream.indirect.scatter.add.f32 [tilespmem:s15], [sflag:$0x5], $0x80, s23, s12, $0xb8;
	[tilespmem:$0x1E0C0] =	vst v63  }
0x1a1: {  	_ =	swait.ge [sflag:s18], $0x4000  }
0x1a2: {  	[sflag:s18] =	ssyncset.done $0x0  }
0x1a3: {  	s30 =	simm.s32 $0x13FC0;
	[sflag:s18] =	ssyncadd.s32 $0xFFFFC000  }
0x1a4: {  	[tilespmem:s15], [sflag:$0x2] =	stream.indirect.gather [hbm4b:s2+s12], $0x80, s30, s12, $0xb8;
	[tilespmem:$0x1E0C0] =	vst v63  }
0x1a5: {  	_ =	swait.ge [sflag:s16], $0x4000  }
0x1a6: {  	[sflag:s16] =	ssyncset.done $0x0  }
0x1a7: {  	s6 =	simm.s32 $0x13F40;
	[sflag:s16] =	ssyncadd.s32 $0xFFFFC000  }
0x1a8: {  	[spmem:s3] =	stream.indirect.scatter.add.f32 [tilespmem:s13], [sflag:$0x5], $0x80, s6, s12, $0xb8;
	[tilespmem:$0x1E0C0] =	vst v63  }
0x1a9: {  	_ =	swait.ge [sflag:s18], $0x4000  }
0x1aa: {  	[sflag:s18] =	ssyncset.done $0x0  }
0x1ab: {  	s23 =	simm.s32 $0x140C0;
	[sflag:s18] =	ssyncadd.s32 $0xFFFFC000  }
0x1ac: {  	[tilespmem:s13], [sflag:$0x1] =	stream.indirect.gather [hbm4b:s2+s12], $0x80, s23, s12, $0xb8;
	[tilespmem:$0x1E0C0] =	vst v63  }
0x1ad: {  	_ =	swait.ge [sflag:s20], $0x4000  }
0x1ae: {  	[sflag:s20] =	ssyncset.done $0x0  }
0x1af: {  	s30 =	simm.s32 $0x14040;
	[sflag:s20] =	ssyncadd.s32 $0xFFFFC000  }
0x1b0: {  	[spmem:s3] =	stream.indirect.scatter.add.f32 [tilespmem:s15], [sflag:$0x5], $0x80, s30, s12, $0xb8;
	[tilespmem:$0x1E0C0] =	vst v63  }
0x1b1: {  	_ =	swait.ge [sflag:s18], $0x4000  }
0x1b2: {  	[sflag:s18] =	ssyncset.done $0x0  }
0x1b3: {  	s6 =	simm.s32 $0x141C0;
	[sflag:s18] =	ssyncadd.s32 $0xFFFFC000  }
0x1b4: {  	[tilespmem:s15], [sflag:$0x2] =	stream.indirect.gather [hbm4b:s2+s12], $0x80, s6, s12, $0xb8;
	[tilespmem:$0x1E0C0] =	vst v63  }
0x1b5: {  	_ =	swait.ge [sflag:s16], $0x4000  }
0x1b6: {  	[sflag:s16] =	ssyncset.done $0x0  }
0x1b7: {  	s23 =	simm.s32 $0x14140;
	[sflag:s16] =	ssyncadd.s32 $0xFFFFC000  }
0x1b8: {  	[spmem:s3] =	stream.indirect.scatter.add.f32 [tilespmem:s13], [sflag:$0x5], $0x80, s23, s12, $0xb8;
	[tilespmem:$0x1E0C0] =	vst v63  }
0x1b9: {  	_ =	swait.ge [sflag:s18], $0x4000  }
0x1ba: {  	[sflag:s18] =	ssyncset.done $0x0  }
0x1bb: {  	s30 =	simm.s32 $0x142C0;
	[sflag:s18] =	ssyncadd.s32 $0xFFFFC000  }
0x1bc: {  	[tilespmem:s13], [sflag:$0x1] =	stream.indirect.gather [hbm4b:s2+s12], $0x80, s30, s12, $0xb8;
	[tilespmem:$0x1E0C0] =	vst v63  }
0x1bd: {  	_ =	swait.ge [sflag:s20], $0x4000  }
0x1be: {  	[sflag:s20] =	ssyncset.done $0x0  }
0x1bf: {  	s6 =	simm.s32 $0x14240;
	[sflag:s20] =	ssyncadd.s32 $0xFFFFC000  }
0x1c0: {  	[spmem:s3] =	stream.indirect.scatter.add.f32 [tilespmem:s15], [sflag:$0x5], $0x80, s6, s12, $0xb8;
	[tilespmem:$0x1E0C0] =	vst v63  }
0x1c1: {  	_ =	swait.ge [sflag:s18], $0x4000  }
0x1c2: {  	[sflag:s18] =	ssyncset.done $0x0  }
0x1c3: {  	s23 =	simm.s32 $0x143C0;
	[sflag:s18] =	ssyncadd.s32 $0xFFFFC000  }
0x1c4: {  	[tilespmem:s15], [sflag:$0x2] =	stream.indirect.gather [hbm4b:s2+s12], $0x80, s23, s12, $0xb8;
	[tilespmem:$0x1E0C0] =	vst v63  }
0x1c5: {  	_ =	swait.ge [sflag:s16], $0x4000  }
0x1c6: {  	[sflag:s16] =	ssyncset.done $0x0  }
0x1c7: {  	s30 =	simm.s32 $0x14340;
	[sflag:s16] =	ssyncadd.s32 $0xFFFFC000  }
0x1c8: {  	[spmem:s3] =	stream.indirect.scatter.add.f32 [tilespmem:s13], [sflag:$0x5], $0x80, s30, s12, $0xb8;
	[tilespmem:$0x1E0C0] =	vst v63  }
0x1c9: {  	_ =	swait.ge [sflag:s18], $0x4000  }
0x1ca: {  	[sflag:s18] =	ssyncset.done $0x0  }
0x1cb: {  	s6 =	simm.s32 $0x144C0;
	[sflag:s18] =	ssyncadd.s32 $0xFFFFC000  }
0x1cc: {  	[tilespmem:s13], [sflag:$0x1] =	stream.indirect.gather [hbm4b:s2+s12], $0x80, s6, s12, $0xb8;
	[tilespmem:$0x1E0C0] =	vst v63  }
0x1cd: {  	_ =	swait.ge [sflag:s20], $0x4000  }
0x1ce: {  	[sflag:s20] =	ssyncset.done $0x0  }
0x1cf: {  	s23 =	simm.s32 $0x14440;
	[sflag:s20] =	ssyncadd.s32 $0xFFFFC000  }
0x1d0: {  	[spmem:s3] =	stream.indirect.scatter.add.f32 [tilespmem:s15], [sflag:$0x5], $0x80, s23, s12, $0xb8;
	[tilespmem:$0x1E0C0] =	vst v63  }
0x1d1: {  	_ =	swait.ge [sflag:s18], $0x4000  }
0x1d2: {  	[sflag:s18] =	ssyncset.done $0x0  }
0x1d3: {  	s30 =	simm.s32 $0x145C0;
	[sflag:s18] =	ssyncadd.s32 $0xFFFFC000  }
0x1d4: {  	[tilespmem:s15], [sflag:$0x2] =	stream.indirect.gather [hbm4b:s2+s12], $0x80, s30, s12, $0xb8;
	[tilespmem:$0x1E0C0] =	vst v63  }
0x1d5: {  	_ =	swait.ge [sflag:s16], $0x4000  }
0x1d6: {  	[sflag:s16] =	ssyncset.done $0x0  }
0x1d7: {  	s6 =	simm.s32 $0x14540;
	[sflag:s16] =	ssyncadd.s32 $0xFFFFC000  }
0x1d8: {  	[spmem:s3] =	stream.indirect.scatter.add.f32 [tilespmem:s13], [sflag:$0x5], $0x80, s6, s12, $0xb8;
	[tilespmem:$0x1E0C0] =	vst v63  }
0x1d9: {  	_ =	swait.ge [sflag:s18], $0x4000  }
0x1da: {  	[sflag:s18] =	ssyncset.done $0x0  }
0x1db: {  	s23 =	simm.s32 $0x146C0;
	[sflag:s18] =	ssyncadd.s32 $0xFFFFC000  }
0x1dc: {  	[tilespmem:s13], [sflag:$0x1] =	stream.indirect.gather [hbm4b:s2+s12], $0x80, s23, s12, $0xb8;
	[tilespmem:$0x1E0C0] =	vst v63  }
0x1dd: {  	_ =	swait.ge [sflag:s20], $0x4000  }
0x1de: {  	[sflag:s20] =	ssyncset.done $0x0  }
0x1df: {  	s30 =	simm.s32 $0x14640;
	[sflag:s20] =	ssyncadd.s32 $0xFFFFC000  }
0x1e0: {  	[spmem:s3] =	stream.indirect.scatter.add.f32 [tilespmem:s15], [sflag:$0x5], $0x80, s30, s12, $0xb8;
	[tilespmem:$0x1E0C0] =	vst v63  }
0x1e1: {  	_ =	swait.ge [sflag:s18], $0x4000  }
0x1e2: {  	[sflag:s18] =	ssyncset.done $0x0  }
0x1e3: {  	s6 =	simm.s32 $0x147C0;
	[sflag:s18] =	ssyncadd.s32 $0xFFFFC000  }
0x1e4: {  	[tilespmem:s15], [sflag:$0x2] =	stream.indirect.gather [hbm4b:s2+s12], $0x80, s6, s12, $0xb8;
	[tilespmem:$0x1E0C0] =	vst v63  }
0x1e5: {  	_ =	swait.ge [sflag:s16], $0x4000  }
0x1e6: {  	[sflag:s16] =	ssyncset.done $0x0  }
0x1e7: {  	s23 =	simm.s32 $0x14740;
	[sflag:s16] =	ssyncadd.s32 $0xFFFFC000  }
0x1e8: {  	[spmem:s3] =	stream.indirect.scatter.add.f32 [tilespmem:s13], [sflag:$0x5], $0x80, s23, s12, $0xb8;
	[tilespmem:$0x1E0C0] =	vst v63  }
0x1e9: {  	_ =	swait.ge [sflag:s18], $0x4000  }
0x1ea: {  	[sflag:s18] =	ssyncset.done $0x0  }
0x1eb: {  	s30 =	simm.s32 $0x148C0;
	[sflag:s18] =	ssyncadd.s32 $0xFFFFC000  }
0x1ec: {  	[tilespmem:s13], [sflag:$0x1] =	stream.indirect.gather [hbm4b:s2+s12], $0x80, s30, s12, $0xb8;
	[tilespmem:$0x1E0C0] =	vst v63  }
0x1ed: {  	_ =	swait.ge [sflag:s20], $0x4000  }
0x1ee: {  	[sflag:s20] =	ssyncset.done $0x0  }
0x1ef: {  	s6 =	simm.s32 $0x14840;
	[sflag:s20] =	ssyncadd.s32 $0xFFFFC000  }
0x1f0: {  	[spmem:s3] =	stream.indirect.scatter.add.f32 [tilespmem:s15], [sflag:$0x5], $0x80, s6, s12, $0xb8;
	[tilespmem:$0x1E0C0] =	vst v63  }
0x1f1: {  	_ =	swait.ge [sflag:s18], $0x4000  }
0x1f2: {  	[sflag:s18] =	ssyncset.done $0x0  }
0x1f3: {  	s23 =	simm.s32 $0x149C0;
	[sflag:s18] =	ssyncadd.s32 $0xFFFFC000  }
0x1f4: {  	[tilespmem:s15], [sflag:$0x2] =	stream.indirect.gather [hbm4b:s2+s12], $0x80, s23, s12, $0xb8;
	[tilespmem:$0x1E0C0] =	vst v63  }
0x1f5: {  	_ =	swait.ge [sflag:s16], $0x4000  }
0x1f6: {  	[sflag:s16] =	ssyncset.done $0x0  }
0x1f7: {  	s30 =	simm.s32 $0x14940;
	[sflag:s16] =	ssyncadd.s32 $0xFFFFC000  }
0x1f8: {  	[spmem:s3] =	stream.indirect.scatter.add.f32 [tilespmem:s13], [sflag:$0x5], $0x80, s30, s12, $0xb8;
	[tilespmem:$0x1E0C0] =	vst v63  }
0x1f9: {  	_ =	swait.ge [sflag:s18], $0x4000  }
0x1fa: {  	[sflag:s18] =	ssyncset.done $0x0  }
0x1fb: {  	s6 =	simm.s32 $0x14AC0;
	[sflag:s18] =	ssyncadd.s32 $0xFFFFC000  }
0x1fc: {  	[tilespmem:s13], [sflag:$0x1] =	stream.indirect.gather [hbm4b:s2+s12], $0x80, s6, s12, $0xb8;
	[tilespmem:$0x1E0C0] =	vst v63  }
0x1fd: {  	_ =	swait.ge [sflag:s20], $0x4000  }
0x1fe: {  	[sflag:s20] =	ssyncset.done $0x0  }
0x1ff: {  	s23 =	simm.s32 $0x14A40;
	[sflag:s20] =	ssyncadd.s32 $0xFFFFC000  }
0x200: {  	[spmem:s3] =	stream.indirect.scatter.add.f32 [tilespmem:s15], [sflag:$0x5], $0x80, s23, s12, $0xb8;
	[tilespmem:$0x1E0C0] =	vst v63  }
0x201: {  	_ =	swait.ge [sflag:s18], $0x4000  }
0x202: {  	[sflag:s18] =	ssyncset.done $0x0  }
0x203: {  	s30 =	simm.s32 $0x14BC0;
	[sflag:s18] =	ssyncadd.s32 $0xFFFFC000  }
0x204: {  	[tilespmem:s15], [sflag:$0x2] =	stream.indirect.gather [hbm4b:s2+s12], $0x80, s30, s12, $0xb8;
	[tilespmem:$0x1E0C0] =	vst v63  }
0x205: {  	_ =	swait.ge [sflag:s16], $0x4000  }
0x206: {  	[sflag:s16] =	ssyncset.done $0x0  }
0x207: {  	s6 =	simm.s32 $0x14B40;
	[sflag:s16] =	ssyncadd.s32 $0xFFFFC000  }
0x208: {  	[spmem:s3] =	stream.indirect.scatter.add.f32 [tilespmem:s13], [sflag:$0x5], $0x80, s6, s12, $0xb8;
	[tilespmem:$0x1E0C0] =	vst v63  }
0x209: {  	_ =	swait.ge [sflag:s18], $0x4000  }
0x20a: {  	[sflag:s18] =	ssyncset.done $0x0  }
0x20b: {  	[sflag:s18] =	ssyncadd.s32 $0xFFFFC000  }
0x20c: {  	_ =	swait.ge [sflag:s20], $0x4000  }
0x20d: {  	[sflag:s20] =	ssyncset.done $0x0  }
0x20e: {  	s23 =	simm.s32 $0x14C40;
	[sflag:s20] =	ssyncadd.s32 $0xFFFFC000  }
0x20f: {  	[spmem:s3] =	stream.indirect.scatter.add.f32 [tilespmem:s15], [sflag:$0x5], $0x80, s23, s12, $0xb8;
	[tilespmem:$0x1E0C0] =	vst v63  }
0x210: {  	_ =	swait.ge [sflag:s18], $0x4000  }
0x211: {  	[sflag:s18] =	ssyncset.done $0x0  }
0x212: {  	[sflag:s18] =	ssyncadd.s32 $0xFFFFC000  }
0x213: {  	_ =	swait.ge [sflag:s1], $0x1400  }
0x214: {  	[sflag:s1] =	ssyncset.done $0x0  }
0x215: {  	s0 =	simm.s32 $0x14CC0;
	[sflag:s1] =	ssyncadd.s32 $0xFFFFEC00  }
0x216: {  	[tilespmem:s13], [sflag:$0x1] =	stream.indirect.gather [hbm4b:s2+s12], $0x80, s0, s12, $0xb8;
	[tilespmem:$0x1E0C0] =	vst v63  }
0x217: {  	s30 =	simm.s32 $0x14DC0  }
0x218: {  	[tilespmem:s15], [sflag:$0x2] =	stream.indirect.gather [hbm4b:s2+s12], $0x80, s30, s12, $0xb8;
	[tilespmem:$0x1E0C0] =	vst v63  }
0x219: {  	_ =	swait.ge [sflag:s16], $0x4000  }
0x21a: {  	[sflag:s16] =	ssyncset.done $0x0  }
0x21b: {  	s1 =	simm.s32 $0x14D40;
	[sflag:s16] =	ssyncadd.s32 $0xFFFFC000  }
0x21c: {  	[spmem:s3] =	stream.indirect.scatter.add.f32 [tilespmem:s13], [sflag:$0x5], $0x80, s1, s12, $0xb8;
	[tilespmem:$0x1E0C0] =	vst v63  }
0x21d: {  	_ =	swait.ge [sflag:s18], $0x4000  }
0x21e: {  	[sflag:s18] =	ssyncset.done $0x0  }
0x21f: {  	s4 =	simm.s32 $0x14EC0;
	[sflag:s18] =	ssyncadd.s32 $0xFFFFC000  }
0x220: {  	[tilespmem:s13], [sflag:$0x1] =	stream.indirect.gather [hbm4b:s2+s12], $0x80, s4, s12, $0xb8;
	[tilespmem:$0x1E0C0] =	vst v63  }
0x221: {  	_ =	swait.ge [sflag:s20], $0x4000  }
0x222: {  	[sflag:s20] =	ssyncset.done $0x0  }
0x223: {  	s6 =	simm.s32 $0x14E40;
	[sflag:s20] =	ssyncadd.s32 $0xFFFFC000  }
0x224: {  	[spmem:s3] =	stream.indirect.scatter.add.f32 [tilespmem:s15], [sflag:$0x5], $0x80, s6, s12, $0xb8;
	[tilespmem:$0x1E0C0] =	vst v63  }
0x225: {  	_ =	swait.ge [sflag:s18], $0x4000  }
0x226: {  	[sflag:s18] =	ssyncset.done $0x0  }
0x227: {  	s23 =	simm.s32 $0x14FC0;
	[sflag:s18] =	ssyncadd.s32 $0xFFFFC000  }
0x228: {  	[tilespmem:s15], [sflag:$0x2] =	stream.indirect.gather [hbm4b:s2+s12], $0x80, s23, s12, $0xb8;
	[tilespmem:$0x1E0C0] =	vst v63  }
0x229: {  	_ =	swait.ge [sflag:s16], $0x4000  }
0x22a: {  	[sflag:s16] =	ssyncset.done $0x0  }
0x22b: {  	s30 =	simm.s32 $0x14F40;
	[sflag:s16] =	ssyncadd.s32 $0xFFFFC000  }
0x22c: {  	[spmem:s3] =	stream.indirect.scatter.add.f32 [tilespmem:s13], [sflag:$0x5], $0x80, s30, s12, $0xb8;
	[tilespmem:$0x1E0C0] =	vst v63  }
0x22d: {  	_ =	swait.ge [sflag:s18], $0x4000  }
0x22e: {  	[sflag:s18] =	ssyncset.done $0x0  }
0x22f: {  	s1 =	simm.s32 $0x150C0;
	[sflag:s18] =	ssyncadd.s32 $0xFFFFC000  }
0x230: {  	[tilespmem:s13], [sflag:$0x1] =	stream.indirect.gather [hbm4b:s2+s12], $0x80, s1, s12, $0xb8;
	[tilespmem:$0x1E0C0] =	vst v63  }
0x231: {  	_ =	swait.ge [sflag:s20], $0x4000  }
0x232: {  	[sflag:s20] =	ssyncset.done $0x0  }
0x233: {  	s4 =	simm.s32 $0x15040;
	[sflag:s20] =	ssyncadd.s32 $0xFFFFC000  }
0x234: {  	[spmem:s3] =	stream.indirect.scatter.add.f32 [tilespmem:s15], [sflag:$0x5], $0x80, s4, s12, $0xb8;
	[tilespmem:$0x1E0C0] =	vst v63  }
0x235: {  	_ =	swait.ge [sflag:s18], $0x4000  }
0x236: {  	[sflag:s18] =	ssyncset.done $0x0  }
0x237: {  	s6 =	simm.s32 $0x151C0;
	[sflag:s18] =	ssyncadd.s32 $0xFFFFC000  }
0x238: {  	[tilespmem:s15], [sflag:$0x2] =	stream.indirect.gather [hbm4b:s2+s12], $0x80, s6, s12, $0xb8;
	[tilespmem:$0x1E0C0] =	vst v63  }
0x239: {  	_ =	swait.ge [sflag:s16], $0x4000  }
0x23a: {  	[sflag:s16] =	ssyncset.done $0x0  }
0x23b: {  	s23 =	simm.s32 $0x15140;
	[sflag:s16] =	ssyncadd.s32 $0xFFFFC000  }
0x23c: {  	[spmem:s3] =	stream.indirect.scatter.add.f32 [tilespmem:s13], [sflag:$0x5], $0x80, s23, s12, $0xb8;
	[tilespmem:$0x1E0C0] =	vst v63  }
0x23d: {  	_ =	swait.ge [sflag:s18], $0x4000  }
0x23e: {  	[sflag:s18] =	ssyncset.done $0x0  }
0x23f: {  	s30 =	simm.s32 $0x152C0;
	[sflag:s18] =	ssyncadd.s32 $0xFFFFC000  }
0x240: {  	[tilespmem:s13], [sflag:$0x1] =	stream.indirect.gather [hbm4b:s2+s12], $0x80, s30, s12, $0xb8;
	[tilespmem:$0x1E0C0] =	vst v63  }
0x241: {  	_ =	swait.ge [sflag:s20], $0x4000  }
0x242: {  	[sflag:s20] =	ssyncset.done $0x0  }
0x243: {  	s1 =	simm.s32 $0x15240;
	[sflag:s20] =	ssyncadd.s32 $0xFFFFC000  }
0x244: {  	[spmem:s3] =	stream.indirect.scatter.add.f32 [tilespmem:s15], [sflag:$0x5], $0x80, s1, s12, $0xb8;
	[tilespmem:$0x1E0C0] =	vst v63  }
0x245: {  	_ =	swait.ge [sflag:s18], $0x4000  }
0x246: {  	[sflag:s18] =	ssyncset.done $0x0  }
0x247: {  	s4 =	simm.s32 $0x153C0;
	[sflag:s18] =	ssyncadd.s32 $0xFFFFC000  }
0x248: {  	[tilespmem:s15], [sflag:$0x2] =	stream.indirect.gather [hbm4b:s2+s12], $0x80, s4, s12, $0xb8;
	[tilespmem:$0x1E0C0] =	vst v63  }
0x249: {  	_ =	swait.ge [sflag:s16], $0x4000  }
0x24a: {  	[sflag:s16] =	ssyncset.done $0x0  }
0x24b: {  	s6 =	simm.s32 $0x15340;
	[sflag:s16] =	ssyncadd.s32 $0xFFFFC000  }
0x24c: {  	[spmem:s3] =	stream.indirect.scatter.add.f32 [tilespmem:s13], [sflag:$0x5], $0x80, s6, s12, $0xb8;
	[tilespmem:$0x1E0C0] =	vst v63  }
0x24d: {  	_ =	swait.ge [sflag:s18], $0x4000  }
0x24e: {  	[sflag:s18] =	ssyncset.done $0x0  }
0x24f: {  	s23 =	simm.s32 $0x154C0;
	[sflag:s18] =	ssyncadd.s32 $0xFFFFC000  }
0x250: {  	[tilespmem:s13], [sflag:$0x1] =	stream.indirect.gather [hbm4b:s2+s12], $0x80, s23, s12, $0xb8;
	[tilespmem:$0x1E0C0] =	vst v63  }
0x251: {  	_ =	swait.ge [sflag:s20], $0x4000  }
0x252: {  	[sflag:s20] =	ssyncset.done $0x0  }
0x253: {  	s30 =	simm.s32 $0x15440;
	[sflag:s20] =	ssyncadd.s32 $0xFFFFC000  }
0x254: {  	[spmem:s3] =	stream.indirect.scatter.add.f32 [tilespmem:s15], [sflag:$0x5], $0x80, s30, s12, $0xb8;
	[tilespmem:$0x1E0C0] =	vst v63  }
0x255: {  	_ =	swait.ge [sflag:s18], $0x4000  }
0x256: {  	[sflag:s18] =	ssyncset.done $0x0  }
0x257: {  	s1 =	simm.s32 $0x155C0;
	[sflag:s18] =	ssyncadd.s32 $0xFFFFC000  }
0x258: {  	[tilespmem:s15], [sflag:$0x2] =	stream.indirect.gather [hbm4b:s2+s12], $0x80, s1, s12, $0xb8;
	[tilespmem:$0x1E0C0] =	vst v63  }
0x259: {  	_ =	swait.ge [sflag:s16], $0x4000  }
0x25a: {  	[sflag:s16] =	ssyncset.done $0x0  }
0x25b: {  	s4 =	simm.s32 $0x15540;
	[sflag:s16] =	ssyncadd.s32 $0xFFFFC000  }
0x25c: {  	[spmem:s3] =	stream.indirect.scatter.add.f32 [tilespmem:s13], [sflag:$0x5], $0x80, s4, s12, $0xb8;
	[tilespmem:$0x1E0C0] =	vst v63  }
0x25d: {  	_ =	swait.ge [sflag:s18], $0x4000  }
0x25e: {  	[sflag:s18] =	ssyncset.done $0x0  }
0x25f: {  	s6 =	simm.s32 $0x156C0;
	[sflag:s18] =	ssyncadd.s32 $0xFFFFC000  }
0x260: {  	[tilespmem:s13], [sflag:$0x1] =	stream.indirect.gather [hbm4b:s2+s12], $0x80, s6, s12, $0xb8;
	[tilespmem:$0x1E0C0] =	vst v63  }
0x261: {  	_ =	swait.ge [sflag:s20], $0x4000  }
0x262: {  	[sflag:s20] =	ssyncset.done $0x0  }
0x263: {  	s23 =	simm.s32 $0x15640;
	[sflag:s20] =	ssyncadd.s32 $0xFFFFC000  }
0x264: {  	[spmem:s3] =	stream.indirect.scatter.add.f32 [tilespmem:s15], [sflag:$0x5], $0x80, s23, s12, $0xb8;
	[tilespmem:$0x1E0C0] =	vst v63  }
0x265: {  	_ =	swait.ge [sflag:s18], $0x4000  }
0x266: {  	[sflag:s18] =	ssyncset.done $0x0  }
0x267: {  	s30 =	simm.s32 $0x157C0;
	[sflag:s18] =	ssyncadd.s32 $0xFFFFC000  }
0x268: {  	[tilespmem:s15], [sflag:$0x2] =	stream.indirect.gather [hbm4b:s2+s12], $0x80, s30, s12, $0xb8;
	[tilespmem:$0x1E0C0] =	vst v63  }
0x269: {  	_ =	swait.ge [sflag:s16], $0x4000  }
0x26a: {  	[sflag:s16] =	ssyncset.done $0x0  }
0x26b: {  	s1 =	simm.s32 $0x15740;
	[sflag:s16] =	ssyncadd.s32 $0xFFFFC000  }
0x26c: {  	[spmem:s3] =	stream.indirect.scatter.add.f32 [tilespmem:s13], [sflag:$0x5], $0x80, s1, s12, $0xb8;
	[tilespmem:$0x1E0C0] =	vst v63  }
0x26d: {  	_ =	swait.ge [sflag:s18], $0x4000  }
0x26e: {  	[sflag:s18] =	ssyncset.done $0x0  }
0x26f: {  	s4 =	simm.s32 $0x158C0;
	[sflag:s18] =	ssyncadd.s32 $0xFFFFC000  }
0x270: {  	[tilespmem:s13], [sflag:$0x1] =	stream.indirect.gather [hbm4b:s2+s12], $0x80, s4, s12, $0xb8;
	[tilespmem:$0x1E0C0] =	vst v63  }
0x271: {  	_ =	swait.ge [sflag:s20], $0x4000  }
0x272: {  	[sflag:s20] =	ssyncset.done $0x0  }
0x273: {  	s6 =	simm.s32 $0x15840;
	[sflag:s20] =	ssyncadd.s32 $0xFFFFC000  }
0x274: {  	[spmem:s3] =	stream.indirect.scatter.add.f32 [tilespmem:s15], [sflag:$0x5], $0x80, s6, s12, $0xb8;
	[tilespmem:$0x1E0C0] =	vst v63  }
0x275: {  	_ =	swait.ge [sflag:s18], $0x4000  }
0x276: {  	[sflag:s18] =	ssyncset.done $0x0  }
0x277: {  	s23 =	simm.s32 $0x159C0;
	[sflag:s18] =	ssyncadd.s32 $0xFFFFC000  }
0x278: {  	[tilespmem:s15], [sflag:$0x2] =	stream.indirect.gather [hbm4b:s2+s12], $0x80, s23, s12, $0xb8;
	[tilespmem:$0x1E0C0] =	vst v63  }
0x279: {  	_ =	swait.ge [sflag:s16], $0x4000  }
0x27a: {  	[sflag:s16] =	ssyncset.done $0x0  }
0x27b: {  	[sflag:s16] =	ssyncadd.s32 $0xFFFFC000  }
0x27c: {  	[spmem:s3] =	stream.indirect.scatter.add.f32 [tilespmem:s13], [sflag:$0x5], $0x80, s31, s12, $0xb8;
	[tilespmem:$0x1E0C0] =	vst v63  }
0x27d: {  	_ =	swait.ge [sflag:s18], $0x4000  }
0x27e: {  	[sflag:s18] =	ssyncset.done $0x0  }
0x27f: {  	[sflag:s18] =	ssyncadd.s32 $0xFFFFC000  }
0x280: {  	[tilespmem:s13], [sflag:$0x1] =	stream.indirect.gather [hbm4b:s2+s12], $0x80, s29, s12, $0xb8;
	[tilespmem:$0x1E0C0] =	vst v63  }
0x281: {  	_ =	swait.ge [sflag:s20], $0x4000  }
0x282: {  	[sflag:s20] =	ssyncset.done $0x0  }
0x283: {  	[sflag:s20] =	ssyncadd.s32 $0xFFFFC000  }
0x284: {  	[spmem:s3] =	stream.indirect.scatter.add.f32 [tilespmem:s15], [sflag:$0x5], $0x80, s28, s12, $0xb8;
	[tilespmem:$0x1E0C0] =	vst v63  }
0x285: {  	_ =	swait.ge [sflag:s18], $0x4000  }
0x286: {  	[sflag:s18] =	ssyncset.done $0x0  }
0x287: {  	[sflag:s18] =	ssyncadd.s32 $0xFFFFC000  }
0x288: {  	[tilespmem:s15], [sflag:$0x2] =	stream.indirect.gather [hbm4b:s2+s12], $0x80, s25, s12, $0xb8;
	[tilespmem:$0x1E0C0] =	vst v63  }
0x289: {  	_ =	swait.ge [sflag:s16], $0x4000  }
0x28a: {  	[sflag:s16] =	ssyncset.done $0x0  }
0x28b: {  	[sflag:s16] =	ssyncadd.s32 $0xFFFFC000  }
0x28c: {  	[spmem:s3] =	stream.indirect.scatter.add.f32 [tilespmem:s13], [sflag:$0x5], $0x80, s24, s12, $0xb8;
	[tilespmem:$0x1E0C0] =	vst v63  }
0x28d: {  	_ =	swait.ge [sflag:s18], $0x4000  }
0x28e: {  	[sflag:s18] =	ssyncset.done $0x0  }
0x28f: {  	[sflag:s18] =	ssyncadd.s32 $0xFFFFC000  }
0x290: {  	[tilespmem:s13], [sflag:$0x1] =	stream.indirect.gather [hbm4b:s2+s12], $0x80, s22, s12, $0xb8;
	[tilespmem:$0x1E0C0] =	vst v63  }
0x291: {  	_ =	swait.ge [sflag:s20], $0x4000  }
0x292: {  	[sflag:s20] =	ssyncset.done $0x0  }
0x293: {  	[sflag:s20] =	ssyncadd.s32 $0xFFFFC000  }
0x294: {  	[spmem:s3] =	stream.indirect.scatter.add.f32 [tilespmem:s15], [sflag:$0x5], $0x80, s19, s12, $0xb8;
	[tilespmem:$0x1E0C0] =	vst v63  }
0x295: {  	_ =	swait.ge [sflag:s18], $0x4000  }
0x296: {  	[sflag:s18] =	ssyncset.done $0x0  }
0x297: {  	[sflag:s18] =	ssyncadd.s32 $0xFFFFC000  }
0x298: {  	[tilespmem:s15], [sflag:$0x2] =	stream.indirect.gather [hbm4b:s2+s12], $0x80, s14, s12, $0xb8;
	[tilespmem:$0x1E0C0] =	vst v63  }
0x299: {  	_ =	swait.ge [sflag:s16], $0x4000  }
0x29a: {  	[sflag:s16] =	ssyncset.done $0x0  }
0x29b: {  	[sflag:s16] =	ssyncadd.s32 $0xFFFFC000  }
0x29c: {  	[spmem:s3] =	stream.indirect.scatter.add.f32 [tilespmem:s13], [sflag:$0x5], $0x80, s11, s12, $0xb8;
	[tilespmem:$0x1E0C0] =	vst v63  }
0x29d: {  	_ =	swait.ge [sflag:s18], $0x4000  }
0x29e: {  	[sflag:s18] =	ssyncset.done $0x0  }
0x29f: {  	[sflag:s18] =	ssyncadd.s32 $0xFFFFC000  }
0x2a0: {  	[tilespmem:s13], [sflag:$0x1] =	stream.indirect.gather [hbm4b:s2+s12], $0x80, s10, s12, $0xb8;
	[tilespmem:$0x1E0C0] =	vst v63  }
0x2a1: {  	_ =	swait.ge [sflag:s20], $0x4000  }
0x2a2: {  	[sflag:s20] =	ssyncset.done $0x0  }
0x2a3: {  	[sflag:s20] =	ssyncadd.s32 $0xFFFFC000  }
0x2a4: {  	[spmem:s3] =	stream.indirect.scatter.add.f32 [tilespmem:s15], [sflag:$0x5], $0x80, s9, s12, $0xb8;
	[tilespmem:$0x1E0C0] =	vst v63  }
0x2a5: {  	_ =	swait.ge [sflag:s18], $0x4000  }
0x2a6: {  	[sflag:s18] =	ssyncset.done $0x0  }
0x2a7: {  	[sflag:s18] =	ssyncadd.s32 $0xFFFFC000  }
0x2a8: {  	[tilespmem:s15], [sflag:$0x2] =	stream.indirect.gather [hbm4b:s2+s12], $0x80, s8, s12, $0xb8;
	[tilespmem:$0x1E0C0] =	vst v63  }
0x2a9: {  	_ =	swait.ge [sflag:s16], $0x4000  }
0x2aa: {  	[sflag:s16] =	ssyncset.done $0x0  }
0x2ab: {  	[sflag:s16] =	ssyncadd.s32 $0xFFFFC000  }
0x2ac: {  	[spmem:s3] =	stream.indirect.scatter.add.f32 [tilespmem:s13], [sflag:$0x5], $0x80, s7, s12, $0xb8;
	[tilespmem:$0x1E0C0] =	vst v63  }
0x2ad: {  	_ =	swait.ge [sflag:s18], $0x4000  }
0x2ae: {  	[sflag:s18] =	ssyncset.done $0x0  }
0x2af: {  	[sflag:s18] =	ssyncadd.s32 $0xFFFFC000  }
0x2b0: {  	_ =	swait.ge [sflag:s20], $0x4000  }
0x2b1: {  	[sflag:s20] =	ssyncset.done $0x0  }
0x2b2: {  	[sflag:s20] =	ssyncadd.s32 $0xFFFFC000  }
0x2b3: {  	[spmem:s3] =	stream.indirect.scatter.add.f32 [tilespmem:s15], [sflag:$0x5], $0x80, s5, s12, $0xb8;
	[tilespmem:$0x1E0C0] =	vst v63  }
0x2b4: {  	_ =	swait.ge [sflag:s18], $0x4000  }
0x2b5: {  	p4 =	seq.s32 s21, $0x1;
	[sflag:s18] =	ssyncset.done $0x0  }
0x2b6: {  	p2 =	seq.s32 @p4 s26, $0xF;
	[sflag:s18] =	ssyncadd.s32 $0xFFFFC000  }
0x2b7: {  	p1 =	por !p2, !p4;
	[bflag:$0x0] =	sbarrier.arrive $0xFFFF  }
0x2b8: {  	s1 =	sshrl.u32 @!p1 s17, $0x3;
	s0 =	rddreg [dreg:$0xe]  }
0x2b9: {  	s4 =	simm.s32 @!p1 $0x1FC5;
	[dreg:$0x13] =	wrdreg s1  }
0x2ba: {  	[hbm:s0], [sflag:s4] =	dma.local @!p1 [spmem:s1], $0x2080  }
0x2bb: {  	s0 =	simm.s32 @!p1 $0x5  }
0x2bc: {  	p2 =	por p2, !p4;
	_ =	swait.ge @!p1 [sflag:s0], $0x2080  }
0x2bd: {  	s5 =	sshll.u32 @!p2 s26, $0x6;
	s14 =	rddreg [dreg:$0xd];
	[sflag:s0] =	ssyncset.done @!p1 $0x0  }
0x2be: {  	s4 =	rddreg [dreg:$0x19];
	[sflag:s0] =	ssyncadd.s32 @!p1 $0xFFFFDF80;
	s0 =	sor.u32 @!p2 $0x1C05, s5  }
0x2bf: {  	s1 =	sshrl.u32 @!p2 s4, $0x3;
	[dreg:$0x14] =	wrdreg s0  }
0x2c0: {  	[dreg:$0x15] =	wrdreg s1  }
0x2c1: {  	[hbm:s14], [sflag:s0] =	dma.local @!p2 [spmem:s1], $0x2780  }
0x2c2: {  	s0 =	simm.s32 @!p2 $0x5  }
0x2c3: {  	p5 =	seq.s32 @!p4 s26, $0xF;
	_ =	swait.ge @!p2 [sflag:s0], $0x2780  }
0x2c4: {  	p3 =	por !p5, p4;
	[sflag:s0] =	ssyncset.done @!p2 $0x0  }
0x2c5: {  	s19 =	rddreg [dreg:$0xc];
	[sflag:s0] =	ssyncadd.s32 @!p2 $0xFFFFD880;
	s0 =	sshrl.u32 @!p3 s17, $0x3  }
0x2c6: {  	s21 =	ssub.s32 $0x2, s21;
	s1 =	simm.s32 @!p3 $0x1FC5;
	[dreg:$0x16] =	wrdreg s0  }
0x2c7: {  	[hbm:s19], [sflag:s1] =	dma.local @!p3 [spmem:s0], $0x2080  }
0x2c8: {  	p4 =	por p5, p4;
	s30 =	sshrl.u32 s21, $0x1;
	s0 =	simm.s32 @!p3 $0x5  }
0x2c9: {  	s31 =	ssub.s32 s21, s30;
	s1 =	sshrl.u32 @!p4 s4, $0x3;
	_ =	swait.ge @!p3 [sflag:s0], $0x2080  }
0x2ca: {  	s21 =	sshll.u32 @!p4 s26, $0x6;
	[dreg:$0x18] =	wrdreg s1;
	[sflag:s0] =	ssyncset.done @!p3 $0x0  }
0x2cb: {  	s25 =	rddreg [dreg:$0xb];
	[sflag:s0] =	ssyncadd.s32 @!p3 $0xFFFFDF80;
	s0 =	sor.u32 @!p4 $0x1C05, s21  }
0x2cc: {  	s22 =	smax.u32 s31, $0x1;
	[dreg:$0x17] =	wrdreg s0  }
0x2cd: {  	[hbm:s25], [sflag:s0] =	dma.local @!p4 [spmem:s1], $0x2780  }
0x2ce: {  	s25 =	sadd.s32 $0xFFFFFFFF, s22  }
0x2cf: {  	p5 =	sne.s32 s25, $0x0  }
.Ltmp0:
0x2d0: {  	_ = 	snop;
	(pc) =	sbr.rel @!p5 .LBB2_3-.Ltmp0, $3  }
0x2d1: {  	_ =	sdelay $0x1  }
0x2d2: {  	s0 =	simm.s32 @!p4 $0x5  }
0x2d3: {  	_ =	swait.ge @!p4 [sflag:s0], $0x2780  }
0x2d4: {  	s7 =	simm.s32 $0x138C0;
	s23 =	simm.s32 $0x3  }
0x2d5: {  	s4 =	simm.s32 $0x14DC0;
	s5 =	simm.s32 $0x14D40;
	s8 =	simm.s32 $0x14EC0  }
0x2d6: {  	s10 =	simm.s32 $0x14FC0;
	s11 =	simm.s32 $0x14F40;
	s14 =	simm.s32 $0x150C0  }
0x2d7: {  	s17 =	simm.s32 $0x15040;
	s19 =	simm.s32 $0x151C0;
	s21 =	simm.s32 $0x15140  }
0x2d8: {  	s22 =	simm.s32 $0x152C0;
	s24 =	simm.s32 $0x15240;
	s31 =	simm.s32 $0x15440  }
.LBB2_2:
0x2d9: {  	s26 =	rddreg [dreg:$0x11];
	[sflag:s0] =	ssyncset.done @!p4 $0x0  }
0x2da: {  	s30 =	rddreg [dreg:$0x12];
	s6 =	simm.s32 $0x0;
	[sflag:s0] =	ssyncadd.s32 @!p4 $0xFFFFD880  }
0x2db: {  	[tilespmem:s7], [sflag:$0x3] =	stream.linear.gather [hbm4b:s30+s6], $0x1400, $0x38;
	[tilespmem:$0x1E0C0] =	vst v63  }
0x2dc: {  	s29 =	rddreg [dreg:$0x6];
	s1 =	simm.s32 $0x14CC0  }
0x2dd: {  	[tilespmem:s1], [sflag:$0x4] =	stream.linear.gather [hbm4b:s29+s6], $0x1400, $0x38;
	[tilespmem:$0x1E0C0] =	vst v63  }
0x2de: {  	s28 =	rddreg [dreg:$0x8];
	s9 =	simm.s32 @p0 $0x5;
	s29 =	simm.s32 @p0 $0x1FC5  }
0x2df: {  	[spmem:s26], [sflag:s29] =	dma.local @p0 [hbm:s28], $0x2080  }
0x2e0: {  	_ =	swait.ge @p0 [sflag:s9], $0x2080  }
0x2e1: {  	s26 =	rddreg [dreg:$0x10]  }
0x2e2: {  	[sflag:s9] =	ssyncset.done @p0 $0x0;
	s28 =	rddreg [dreg:$0xf]  }
0x2e3: {  	s29 =	rddreg [dreg:$0x7];
	[sflag:s9] =	ssyncadd.s32 @p0 $0xFFFFDF80;
	s9 =	simm.s32 @!p0 $0x5  }
0x2e4: {  	[spmem:s26], [sflag:s28] =	dma.local @!p0 [hbm:s29], $0x2780  }
0x2e5: {  	_ =	swait.ge @!p0 [sflag:s9], $0x2780  }
0x2e6: {  	[sflag:s9] =	ssyncset.done @!p0 $0x0  }
0x2e7: {  	[sflag:s9] =	ssyncadd.s32 @!p0 $0xFFFFD880  }
0x2e8: {  	_ =	swait.ge [sflag:s23], $0x1400  }
0x2e9: {  	[sflag:s23] =	ssyncset.done $0x0  }
0x2ea: {  	[sflag:s23] =	ssyncadd.s32 $0xFFFFEC00  }
0x2eb: {  	[tilespmem:s13], [sflag:$0x1] =	stream.indirect.gather [hbm4b:s2+s12], $0x80, s7, s12, $0xb8;
	[tilespmem:$0x1E0C0] =	vst v63  }
0x2ec: {  	s26 =	simm.s32 $0x139C0  }
0x2ed: {  	[tilespmem:s15], [sflag:$0x2] =	stream.indirect.gather [hbm4b:s2+s12], $0x80, s26, s12, $0xb8;
	[tilespmem:$0x1E0C0] =	vst v63  }
0x2ee: {  	[bflag:$0x0] =	sbarrier.arrive $0xFFFF  }
0x2ef: {  	_ =	swait.ge [sflag:s16], $0x4000  }
0x2f0: {  	[sflag:s16] =	ssyncset.done $0x0  }
0x2f1: {  	s28 =	simm.s32 $0x13940;
	[sflag:s16] =	ssyncadd.s32 $0xFFFFC000  }
0x2f2: {  	[spmem:s3] =	stream.indirect.scatter.add.f32 [tilespmem:s13], [sflag:$0x5], $0x80, s28, s12, $0xb8;
	[tilespmem:$0x1E0C0] =	vst v63  }
0x2f3: {  	_ =	swait.ge [sflag:s18], $0x4000  }
0x2f4: {  	[sflag:s18] =	ssyncset.done $0x0  }
0x2f5: {  	s29 =	simm.s32 $0x13AC0;
	[sflag:s18] =	ssyncadd.s32 $0xFFFFC000  }
0x2f6: {  	[tilespmem:s13], [sflag:$0x1] =	stream.indirect.gather [hbm4b:s2+s12], $0x80, s29, s12, $0xb8;
	[tilespmem:$0x1E0C0] =	vst v63  }
0x2f7: {  	_ =	swait.ge [sflag:s20], $0x4000  }
0x2f8: {  	[sflag:s20] =	ssyncset.done $0x0  }
0x2f9: {  	s30 =	simm.s32 $0x13A40;
	[sflag:s20] =	ssyncadd.s32 $0xFFFFC000  }
0x2fa: {  	[spmem:s3] =	stream.indirect.scatter.add.f32 [tilespmem:s15], [sflag:$0x5], $0x80, s30, s12, $0xb8;
	[tilespmem:$0x1E0C0] =	vst v63  }
0x2fb: {  	_ =	swait.ge [sflag:s18], $0x4000  }
0x2fc: {  	[sflag:s18] =	ssyncset.done $0x0  }
0x2fd: {  	s9 =	simm.s32 $0x13BC0;
	[sflag:s18] =	ssyncadd.s32 $0xFFFFC000  }
0x2fe: {  	[tilespmem:s15], [sflag:$0x2] =	stream.indirect.gather [hbm4b:s2+s12], $0x80, s9, s12, $0xb8;
	[tilespmem:$0x1E0C0] =	vst v63  }
0x2ff: {  	_ =	swait.ge [sflag:s16], $0x4000  }
0x300: {  	[sflag:s16] =	ssyncset.done $0x0  }
0x301: {  	s26 =	simm.s32 $0x13B40;
	[sflag:s16] =	ssyncadd.s32 $0xFFFFC000  }
0x302: {  	[spmem:s3] =	stream.indirect.scatter.add.f32 [tilespmem:s13], [sflag:$0x5], $0x80, s26, s12, $0xb8;
	[tilespmem:$0x1E0C0] =	vst v63  }
0x303: {  	_ =	swait.ge [sflag:s18], $0x4000  }
0x304: {  	[sflag:s18] =	ssyncset.done $0x0  }
0x305: {  	s28 =	simm.s32 $0x13CC0;
	[sflag:s18] =	ssyncadd.s32 $0xFFFFC000  }
0x306: {  	[tilespmem:s13], [sflag:$0x1] =	stream.indirect.gather [hbm4b:s2+s12], $0x80, s28, s12, $0xb8;
	[tilespmem:$0x1E0C0] =	vst v63  }
0x307: {  	_ =	swait.ge [sflag:s20], $0x4000  }
0x308: {  	[sflag:s20] =	ssyncset.done $0x0  }
0x309: {  	s29 =	simm.s32 $0x13C40;
	[sflag:s20] =	ssyncadd.s32 $0xFFFFC000  }
0x30a: {  	[spmem:s3] =	stream.indirect.scatter.add.f32 [tilespmem:s15], [sflag:$0x5], $0x80, s29, s12, $0xb8;
	[tilespmem:$0x1E0C0] =	vst v63  }
0x30b: {  	_ =	swait.ge [sflag:s18], $0x4000  }
0x30c: {  	[sflag:s18] =	ssyncset.done $0x0  }
0x30d: {  	s30 =	simm.s32 $0x13DC0;
	[sflag:s18] =	ssyncadd.s32 $0xFFFFC000  }
0x30e: {  	[tilespmem:s15], [sflag:$0x2] =	stream.indirect.gather [hbm4b:s2+s12], $0x80, s30, s12, $0xb8;
	[tilespmem:$0x1E0C0] =	vst v63  }
0x30f: {  	_ =	swait.ge [sflag:s16], $0x4000  }
0x310: {  	[sflag:s16] =	ssyncset.done $0x0  }
0x311: {  	s9 =	simm.s32 $0x13D40;
	[sflag:s16] =	ssyncadd.s32 $0xFFFFC000  }
0x312: {  	[spmem:s3] =	stream.indirect.scatter.add.f32 [tilespmem:s13], [sflag:$0x5], $0x80, s9, s12, $0xb8;
	[tilespmem:$0x1E0C0] =	vst v63  }
0x313: {  	_ =	swait.ge [sflag:s18], $0x4000  }
0x314: {  	[sflag:s18] =	ssyncset.done $0x0  }
0x315: {  	s26 =	simm.s32 $0x13EC0;
	[sflag:s18] =	ssyncadd.s32 $0xFFFFC000  }
0x316: {  	[tilespmem:s13], [sflag:$0x1] =	stream.indirect.gather [hbm4b:s2+s12], $0x80, s26, s12, $0xb8;
	[tilespmem:$0x1E0C0] =	vst v63  }
0x317: {  	_ =	swait.ge [sflag:s20], $0x4000  }
0x318: {  	[sflag:s20] =	ssyncset.done $0x0  }
0x319: {  	s28 =	simm.s32 $0x13E40;
	[sflag:s20] =	ssyncadd.s32 $0xFFFFC000  }
0x31a: {  	[spmem:s3] =	stream.indirect.scatter.add.f32 [tilespmem:s15], [sflag:$0x5], $0x80, s28, s12, $0xb8;
	[tilespmem:$0x1E0C0] =	vst v63  }
0x31b: {  	_ =	swait.ge [sflag:s18], $0x4000  }
0x31c: {  	[sflag:s18] =	ssyncset.done $0x0  }
0x31d: {  	s29 =	simm.s32 $0x13FC0;
	[sflag:s18] =	ssyncadd.s32 $0xFFFFC000  }
0x31e: {  	[tilespmem:s15], [sflag:$0x2] =	stream.indirect.gather [hbm4b:s2+s12], $0x80, s29, s12, $0xb8;
	[tilespmem:$0x1E0C0] =	vst v63  }
0x31f: {  	_ =	swait.ge [sflag:s16], $0x4000  }
0x320: {  	[sflag:s16] =	ssyncset.done $0x0  }
0x321: {  	s30 =	simm.s32 $0x13F40;
	[sflag:s16] =	ssyncadd.s32 $0xFFFFC000  }
0x322: {  	[spmem:s3] =	stream.indirect.scatter.add.f32 [tilespmem:s13], [sflag:$0x5], $0x80, s30, s12, $0xb8;
	[tilespmem:$0x1E0C0] =	vst v63  }
0x323: {  	_ =	swait.ge [sflag:s18], $0x4000  }
0x324: {  	[sflag:s18] =	ssyncset.done $0x0  }
0x325: {  	s9 =	simm.s32 $0x140C0;
	[sflag:s18] =	ssyncadd.s32 $0xFFFFC000  }
0x326: {  	[tilespmem:s13], [sflag:$0x1] =	stream.indirect.gather [hbm4b:s2+s12], $0x80, s9, s12, $0xb8;
	[tilespmem:$0x1E0C0] =	vst v63  }
0x327: {  	_ =	swait.ge [sflag:s20], $0x4000  }
0x328: {  	[sflag:s20] =	ssyncset.done $0x0  }
0x329: {  	s26 =	simm.s32 $0x14040;
	[sflag:s20] =	ssyncadd.s32 $0xFFFFC000  }
0x32a: {  	[spmem:s3] =	stream.indirect.scatter.add.f32 [tilespmem:s15], [sflag:$0x5], $0x80, s26, s12, $0xb8;
	[tilespmem:$0x1E0C0] =	vst v63  }
0x32b: {  	_ =	swait.ge [sflag:s18], $0x4000  }
0x32c: {  	[sflag:s18] =	ssyncset.done $0x0  }
0x32d: {  	s28 =	simm.s32 $0x141C0;
	[sflag:s18] =	ssyncadd.s32 $0xFFFFC000  }
0x32e: {  	[tilespmem:s15], [sflag:$0x2] =	stream.indirect.gather [hbm4b:s2+s12], $0x80, s28, s12, $0xb8;
	[tilespmem:$0x1E0C0] =	vst v63  }
0x32f: {  	_ =	swait.ge [sflag:s16], $0x4000  }
0x330: {  	[sflag:s16] =	ssyncset.done $0x0  }
0x331: {  	s29 =	simm.s32 $0x14140;
	[sflag:s16] =	ssyncadd.s32 $0xFFFFC000  }
0x332: {  	[spmem:s3] =	stream.indirect.scatter.add.f32 [tilespmem:s13], [sflag:$0x5], $0x80, s29, s12, $0xb8;
	[tilespmem:$0x1E0C0] =	vst v63  }
0x333: {  	_ =	swait.ge [sflag:s18], $0x4000  }
0x334: {  	[sflag:s18] =	ssyncset.done $0x0  }
0x335: {  	s30 =	simm.s32 $0x142C0;
	[sflag:s18] =	ssyncadd.s32 $0xFFFFC000  }
0x336: {  	[tilespmem:s13], [sflag:$0x1] =	stream.indirect.gather [hbm4b:s2+s12], $0x80, s30, s12, $0xb8;
	[tilespmem:$0x1E0C0] =	vst v63  }
0x337: {  	_ =	swait.ge [sflag:s20], $0x4000  }
0x338: {  	[sflag:s20] =	ssyncset.done $0x0  }
0x339: {  	s9 =	simm.s32 $0x14240;
	[sflag:s20] =	ssyncadd.s32 $0xFFFFC000  }
0x33a: {  	[spmem:s3] =	stream.indirect.scatter.add.f32 [tilespmem:s15], [sflag:$0x5], $0x80, s9, s12, $0xb8;
	[tilespmem:$0x1E0C0] =	vst v63  }
0x33b: {  	_ =	swait.ge [sflag:s18], $0x4000  }
0x33c: {  	[sflag:s18] =	ssyncset.done $0x0  }
0x33d: {  	s26 =	simm.s32 $0x143C0;
	[sflag:s18] =	ssyncadd.s32 $0xFFFFC000  }
0x33e: {  	[tilespmem:s15], [sflag:$0x2] =	stream.indirect.gather [hbm4b:s2+s12], $0x80, s26, s12, $0xb8;
	[tilespmem:$0x1E0C0] =	vst v63  }
0x33f: {  	_ =	swait.ge [sflag:s16], $0x4000  }
0x340: {  	[sflag:s16] =	ssyncset.done $0x0  }
0x341: {  	s28 =	simm.s32 $0x14340;
	[sflag:s16] =	ssyncadd.s32 $0xFFFFC000  }
0x342: {  	[spmem:s3] =	stream.indirect.scatter.add.f32 [tilespmem:s13], [sflag:$0x5], $0x80, s28, s12, $0xb8;
	[tilespmem:$0x1E0C0] =	vst v63  }
0x343: {  	_ =	swait.ge [sflag:s18], $0x4000  }
0x344: {  	[sflag:s18] =	ssyncset.done $0x0  }
0x345: {  	s29 =	simm.s32 $0x144C0;
	[sflag:s18] =	ssyncadd.s32 $0xFFFFC000  }
0x346: {  	[tilespmem:s13], [sflag:$0x1] =	stream.indirect.gather [hbm4b:s2+s12], $0x80, s29, s12, $0xb8;
	[tilespmem:$0x1E0C0] =	vst v63  }
0x347: {  	_ =	swait.ge [sflag:s20], $0x4000  }
0x348: {  	[sflag:s20] =	ssyncset.done $0x0  }
0x349: {  	s30 =	simm.s32 $0x14440;
	[sflag:s20] =	ssyncadd.s32 $0xFFFFC000  }
0x34a: {  	[spmem:s3] =	stream.indirect.scatter.add.f32 [tilespmem:s15], [sflag:$0x5], $0x80, s30, s12, $0xb8;
	[tilespmem:$0x1E0C0] =	vst v63  }
0x34b: {  	_ =	swait.ge [sflag:s18], $0x4000  }
0x34c: {  	[sflag:s18] =	ssyncset.done $0x0  }
0x34d: {  	s9 =	simm.s32 $0x145C0;
	[sflag:s18] =	ssyncadd.s32 $0xFFFFC000  }
0x34e: {  	[tilespmem:s15], [sflag:$0x2] =	stream.indirect.gather [hbm4b:s2+s12], $0x80, s9, s12, $0xb8;
	[tilespmem:$0x1E0C0] =	vst v63  }
0x34f: {  	_ =	swait.ge [sflag:s16], $0x4000  }
0x350: {  	[sflag:s16] =	ssyncset.done $0x0  }
0x351: {  	s26 =	simm.s32 $0x14540;
	[sflag:s16] =	ssyncadd.s32 $0xFFFFC000  }
0x352: {  	[spmem:s3] =	stream.indirect.scatter.add.f32 [tilespmem:s13], [sflag:$0x5], $0x80, s26, s12, $0xb8;
	[tilespmem:$0x1E0C0] =	vst v63  }
0x353: {  	_ =	swait.ge [sflag:s18], $0x4000  }
0x354: {  	[sflag:s18] =	ssyncset.done $0x0  }
0x355: {  	s28 =	simm.s32 $0x146C0;
	[sflag:s18] =	ssyncadd.s32 $0xFFFFC000  }
0x356: {  	[tilespmem:s13], [sflag:$0x1] =	stream.indirect.gather [hbm4b:s2+s12], $0x80, s28, s12, $0xb8;
	[tilespmem:$0x1E0C0] =	vst v63  }
0x357: {  	_ =	swait.ge [sflag:s20], $0x4000  }
0x358: {  	[sflag:s20] =	ssyncset.done $0x0  }
0x359: {  	s29 =	simm.s32 $0x14640;
	[sflag:s20] =	ssyncadd.s32 $0xFFFFC000  }
0x35a: {  	[spmem:s3] =	stream.indirect.scatter.add.f32 [tilespmem:s15], [sflag:$0x5], $0x80, s29, s12, $0xb8;
	[tilespmem:$0x1E0C0] =	vst v63  }
0x35b: {  	_ =	swait.ge [sflag:s18], $0x4000  }
0x35c: {  	[sflag:s18] =	ssyncset.done $0x0  }
0x35d: {  	s30 =	simm.s32 $0x147C0;
	[sflag:s18] =	ssyncadd.s32 $0xFFFFC000  }
0x35e: {  	[tilespmem:s15], [sflag:$0x2] =	stream.indirect.gather [hbm4b:s2+s12], $0x80, s30, s12, $0xb8;
	[tilespmem:$0x1E0C0] =	vst v63  }
0x35f: {  	_ =	swait.ge [sflag:s16], $0x4000  }
0x360: {  	[sflag:s16] =	ssyncset.done $0x0  }
0x361: {  	s9 =	simm.s32 $0x14740;
	[sflag:s16] =	ssyncadd.s32 $0xFFFFC000  }
0x362: {  	[spmem:s3] =	stream.indirect.scatter.add.f32 [tilespmem:s13], [sflag:$0x5], $0x80, s9, s12, $0xb8;
	[tilespmem:$0x1E0C0] =	vst v63  }
0x363: {  	_ =	swait.ge [sflag:s18], $0x4000  }
0x364: {  	[sflag:s18] =	ssyncset.done $0x0  }
0x365: {  	s26 =	simm.s32 $0x148C0;
	[sflag:s18] =	ssyncadd.s32 $0xFFFFC000  }
0x366: {  	[tilespmem:s13], [sflag:$0x1] =	stream.indirect.gather [hbm4b:s2+s12], $0x80, s26, s12, $0xb8;
	[tilespmem:$0x1E0C0] =	vst v63  }
0x367: {  	_ =	swait.ge [sflag:s20], $0x4000  }
0x368: {  	[sflag:s20] =	ssyncset.done $0x0  }
0x369: {  	s28 =	simm.s32 $0x14840;
	[sflag:s20] =	ssyncadd.s32 $0xFFFFC000  }
0x36a: {  	[spmem:s3] =	stream.indirect.scatter.add.f32 [tilespmem:s15], [sflag:$0x5], $0x80, s28, s12, $0xb8;
	[tilespmem:$0x1E0C0] =	vst v63  }
0x36b: {  	_ =	swait.ge [sflag:s18], $0x4000  }
0x36c: {  	[sflag:s18] =	ssyncset.done $0x0  }
0x36d: {  	s29 =	simm.s32 $0x149C0;
	[sflag:s18] =	ssyncadd.s32 $0xFFFFC000  }
0x36e: {  	[tilespmem:s15], [sflag:$0x2] =	stream.indirect.gather [hbm4b:s2+s12], $0x80, s29, s12, $0xb8;
	[tilespmem:$0x1E0C0] =	vst v63  }
0x36f: {  	_ =	swait.ge [sflag:s16], $0x4000  }
0x370: {  	[sflag:s16] =	ssyncset.done $0x0  }
0x371: {  	s30 =	simm.s32 $0x14940;
	[sflag:s16] =	ssyncadd.s32 $0xFFFFC000  }
0x372: {  	[spmem:s3] =	stream.indirect.scatter.add.f32 [tilespmem:s13], [sflag:$0x5], $0x80, s30, s12, $0xb8;
	[tilespmem:$0x1E0C0] =	vst v63  }
0x373: {  	_ =	swait.ge [sflag:s18], $0x4000  }
0x374: {  	[sflag:s18] =	ssyncset.done $0x0  }
0x375: {  	s9 =	simm.s32 $0x14AC0;
	[sflag:s18] =	ssyncadd.s32 $0xFFFFC000  }
0x376: {  	[tilespmem:s13], [sflag:$0x1] =	stream.indirect.gather [hbm4b:s2+s12], $0x80, s9, s12, $0xb8;
	[tilespmem:$0x1E0C0] =	vst v63  }
0x377: {  	_ =	swait.ge [sflag:s20], $0x4000  }
0x378: {  	[sflag:s20] =	ssyncset.done $0x0  }
0x379: {  	s26 =	simm.s32 $0x14A40;
	[sflag:s20] =	ssyncadd.s32 $0xFFFFC000  }
0x37a: {  	[spmem:s3] =	stream.indirect.scatter.add.f32 [tilespmem:s15], [sflag:$0x5], $0x80, s26, s12, $0xb8;
	[tilespmem:$0x1E0C0] =	vst v63  }
0x37b: {  	_ =	swait.ge [sflag:s18], $0x4000  }
0x37c: {  	[sflag:s18] =	ssyncset.done $0x0  }
0x37d: {  	s28 =	simm.s32 $0x14BC0;
	[sflag:s18] =	ssyncadd.s32 $0xFFFFC000  }
0x37e: {  	[tilespmem:s15], [sflag:$0x2] =	stream.indirect.gather [hbm4b:s2+s12], $0x80, s28, s12, $0xb8;
	[tilespmem:$0x1E0C0] =	vst v63  }
0x37f: {  	_ =	swait.ge [sflag:s16], $0x4000  }
0x380: {  	[sflag:s16] =	ssyncset.done $0x0  }
0x381: {  	s29 =	simm.s32 $0x14B40;
	[sflag:s16] =	ssyncadd.s32 $0xFFFFC000  }
0x382: {  	[spmem:s3] =	stream.indirect.scatter.add.f32 [tilespmem:s13], [sflag:$0x5], $0x80, s29, s12, $0xb8;
	[tilespmem:$0x1E0C0] =	vst v63  }
0x383: {  	_ =	swait.ge [sflag:s18], $0x4000  }
0x384: {  	[sflag:s18] =	ssyncset.done $0x0  }
0x385: {  	[sflag:s18] =	ssyncadd.s32 $0xFFFFC000  }
0x386: {  	_ =	swait.ge [sflag:s20], $0x4000  }
0x387: {  	[sflag:s20] =	ssyncset.done $0x0  }
0x388: {  	s30 =	simm.s32 $0x14C40;
	[sflag:s20] =	ssyncadd.s32 $0xFFFFC000  }
0x389: {  	[spmem:s3] =	stream.indirect.scatter.add.f32 [tilespmem:s15], [sflag:$0x5], $0x80, s30, s12, $0xb8;
	[tilespmem:$0x1E0C0] =	vst v63  }
0x38a: {  	_ =	swait.ge [sflag:s18], $0x4000  }
0x38b: {  	[sflag:s18] =	ssyncset.done $0x0  }
0x38c: {  	s0 =	simm.s32 $0x4;
	s9 =	rddreg [dreg:$0x9];
	[sflag:s18] =	ssyncadd.s32 $0xFFFFC000  }
0x38d: {  	[tilespmem:s7], [sflag:$0x3] =	stream.linear.gather [hbm4b:s9+s6], $0x1400, $0x38;
	[tilespmem:$0x1E0C0] =	vst v63  }
0x38e: {  	_ =	swait.ge [sflag:s0], $0x1400  }
0x38f: {  	[sflag:s0] =	ssyncset.done $0x0  }
0x390: {  	[sflag:s0] =	ssyncadd.s32 $0xFFFFEC00  }
0x391: {  	[tilespmem:s13], [sflag:$0x1] =	stream.indirect.gather [hbm4b:s2+s12], $0x80, s1, s12, $0xb8;
	[tilespmem:$0x1E0C0] =	vst v63  }
0x392: {  	_ = 	snop  }
0x393: {  	[tilespmem:s15], [sflag:$0x2] =	stream.indirect.gather [hbm4b:s2+s12], $0x80, s4, s12, $0xb8;
	[tilespmem:$0x1E0C0] =	vst v63  }
0x394: {  	_ =	swait.ge [sflag:s16], $0x4000  }
0x395: {  	[sflag:s16] =	ssyncset.done $0x0  }
0x396: {  	[sflag:s16] =	ssyncadd.s32 $0xFFFFC000  }
0x397: {  	[spmem:s3] =	stream.indirect.scatter.add.f32 [tilespmem:s13], [sflag:$0x5], $0x80, s5, s12, $0xb8;
	[tilespmem:$0x1E0C0] =	vst v63  }
0x398: {  	_ =	swait.ge [sflag:s18], $0x4000  }
0x399: {  	[sflag:s18] =	ssyncset.done $0x0  }
0x39a: {  	[sflag:s18] =	ssyncadd.s32 $0xFFFFC000  }
0x39b: {  	[tilespmem:s13], [sflag:$0x1] =	stream.indirect.gather [hbm4b:s2+s12], $0x80, s8, s12, $0xb8;
	[tilespmem:$0x1E0C0] =	vst v63  }
0x39c: {  	_ =	swait.ge [sflag:s20], $0x4000  }
0x39d: {  	[sflag:s20] =	ssyncset.done $0x0  }
0x39e: {  	s9 =	simm.s32 $0x14E40;
	[sflag:s20] =	ssyncadd.s32 $0xFFFFC000  }
0x39f: {  	[spmem:s3] =	stream.indirect.scatter.add.f32 [tilespmem:s15], [sflag:$0x5], $0x80, s9, s12, $0xb8;
	[tilespmem:$0x1E0C0] =	vst v63  }
0x3a0: {  	_ =	swait.ge [sflag:s18], $0x4000  }
0x3a1: {  	[sflag:s18] =	ssyncset.done $0x0  }
0x3a2: {  	[sflag:s18] =	ssyncadd.s32 $0xFFFFC000  }
0x3a3: {  	[tilespmem:s15], [sflag:$0x2] =	stream.indirect.gather [hbm4b:s2+s12], $0x80, s10, s12, $0xb8;
	[tilespmem:$0x1E0C0] =	vst v63  }
0x3a4: {  	_ =	swait.ge [sflag:s16], $0x4000  }
0x3a5: {  	[sflag:s16] =	ssyncset.done $0x0  }
0x3a6: {  	[sflag:s16] =	ssyncadd.s32 $0xFFFFC000  }
0x3a7: {  	[spmem:s3] =	stream.indirect.scatter.add.f32 [tilespmem:s13], [sflag:$0x5], $0x80, s11, s12, $0xb8;
	[tilespmem:$0x1E0C0] =	vst v63  }
0x3a8: {  	_ =	swait.ge [sflag:s18], $0x4000  }
0x3a9: {  	[sflag:s18] =	ssyncset.done $0x0  }
0x3aa: {  	[sflag:s18] =	ssyncadd.s32 $0xFFFFC000  }
0x3ab: {  	[tilespmem:s13], [sflag:$0x1] =	stream.indirect.gather [hbm4b:s2+s12], $0x80, s14, s12, $0xb8;
	[tilespmem:$0x1E0C0] =	vst v63  }
0x3ac: {  	_ =	swait.ge [sflag:s20], $0x4000  }
0x3ad: {  	[sflag:s20] =	ssyncset.done $0x0  }
0x3ae: {  	[sflag:s20] =	ssyncadd.s32 $0xFFFFC000  }
0x3af: {  	[spmem:s3] =	stream.indirect.scatter.add.f32 [tilespmem:s15], [sflag:$0x5], $0x80, s17, s12, $0xb8;
	[tilespmem:$0x1E0C0] =	vst v63  }
0x3b0: {  	_ =	swait.ge [sflag:s18], $0x4000  }
0x3b1: {  	[sflag:s18] =	ssyncset.done $0x0  }
0x3b2: {  	[sflag:s18] =	ssyncadd.s32 $0xFFFFC000  }
0x3b3: {  	[tilespmem:s15], [sflag:$0x2] =	stream.indirect.gather [hbm4b:s2+s12], $0x80, s19, s12, $0xb8;
	[tilespmem:$0x1E0C0] =	vst v63  }
0x3b4: {  	_ =	swait.ge [sflag:s16], $0x4000  }
0x3b5: {  	[sflag:s16] =	ssyncset.done $0x0  }
0x3b6: {  	[sflag:s16] =	ssyncadd.s32 $0xFFFFC000  }
0x3b7: {  	[spmem:s3] =	stream.indirect.scatter.add.f32 [tilespmem:s13], [sflag:$0x5], $0x80, s21, s12, $0xb8;
	[tilespmem:$0x1E0C0] =	vst v63  }
0x3b8: {  	_ =	swait.ge [sflag:s18], $0x4000  }
0x3b9: {  	[sflag:s18] =	ssyncset.done $0x0  }
0x3ba: {  	[sflag:s18] =	ssyncadd.s32 $0xFFFFC000  }
0x3bb: {  	[tilespmem:s13], [sflag:$0x1] =	stream.indirect.gather [hbm4b:s2+s12], $0x80, s22, s12, $0xb8;
	[tilespmem:$0x1E0C0] =	vst v63  }
0x3bc: {  	_ =	swait.ge [sflag:s20], $0x4000  }
0x3bd: {  	[sflag:s20] =	ssyncset.done $0x0  }
0x3be: {  	[sflag:s20] =	ssyncadd.s32 $0xFFFFC000  }
0x3bf: {  	[spmem:s3] =	stream.indirect.scatter.add.f32 [tilespmem:s15], [sflag:$0x5], $0x80, s24, s12, $0xb8;
	[tilespmem:$0x1E0C0] =	vst v63  }
0x3c0: {  	_ =	swait.ge [sflag:s18], $0x4000  }
0x3c1: {  	[sflag:s18] =	ssyncset.done $0x0  }
0x3c2: {  	s28 =	simm.s32 $0x153C0;
	[sflag:s18] =	ssyncadd.s32 $0xFFFFC000  }
0x3c3: {  	[tilespmem:s15], [sflag:$0x2] =	stream.indirect.gather [hbm4b:s2+s12], $0x80, s28, s12, $0xb8;
	[tilespmem:$0x1E0C0] =	vst v63  }
0x3c4: {  	_ =	swait.ge [sflag:s16], $0x4000  }
0x3c5: {  	[sflag:s16] =	ssyncset.done $0x0  }
0x3c6: {  	s29 =	simm.s32 $0x15340;
	[sflag:s16] =	ssyncadd.s32 $0xFFFFC000  }
0x3c7: {  	[spmem:s3] =	stream.indirect.scatter.add.f32 [tilespmem:s13], [sflag:$0x5], $0x80, s29, s12, $0xb8;
	[tilespmem:$0x1E0C0] =	vst v63  }
0x3c8: {  	_ =	swait.ge [sflag:s18], $0x4000  }
0x3c9: {  	[sflag:s18] =	ssyncset.done $0x0  }
0x3ca: {  	s30 =	simm.s32 $0x154C0;
	[sflag:s18] =	ssyncadd.s32 $0xFFFFC000  }
0x3cb: {  	[tilespmem:s13], [sflag:$0x1] =	stream.indirect.gather [hbm4b:s2+s12], $0x80, s30, s12, $0xb8;
	[tilespmem:$0x1E0C0] =	vst v63  }
0x3cc: {  	_ =	swait.ge [sflag:s20], $0x4000  }
0x3cd: {  	[sflag:s20] =	ssyncset.done $0x0  }
0x3ce: {  	[sflag:s20] =	ssyncadd.s32 $0xFFFFC000  }
0x3cf: {  	[spmem:s3] =	stream.indirect.scatter.add.f32 [tilespmem:s15], [sflag:$0x5], $0x80, s31, s12, $0xb8;
	[tilespmem:$0x1E0C0] =	vst v63  }
0x3d0: {  	_ =	swait.ge [sflag:s18], $0x4000  }
0x3d1: {  	[sflag:s18] =	ssyncset.done $0x0  }
0x3d2: {  	s26 =	simm.s32 $0x155C0;
	[sflag:s18] =	ssyncadd.s32 $0xFFFFC000  }
0x3d3: {  	[tilespmem:s15], [sflag:$0x2] =	stream.indirect.gather [hbm4b:s2+s12], $0x80, s26, s12, $0xb8;
	[tilespmem:$0x1E0C0] =	vst v63  }
0x3d4: {  	_ =	swait.ge [sflag:s16], $0x4000  }
0x3d5: {  	[sflag:s16] =	ssyncset.done $0x0  }
0x3d6: {  	s26 =	simm.s32 $0x15540;
	[sflag:s16] =	ssyncadd.s32 $0xFFFFC000  }
0x3d7: {  	[spmem:s3] =	stream.indirect.scatter.add.f32 [tilespmem:s13], [sflag:$0x5], $0x80, s26, s12, $0xb8;
	[tilespmem:$0x1E0C0] =	vst v63  }
0x3d8: {  	_ =	swait.ge [sflag:s18], $0x4000  }
0x3d9: {  	[sflag:s18] =	ssyncset.done $0x0  }
0x3da: {  	s26 =	simm.s32 $0x156C0;
	[sflag:s18] =	ssyncadd.s32 $0xFFFFC000  }
0x3db: {  	[tilespmem:s13], [sflag:$0x1] =	stream.indirect.gather [hbm4b:s2+s12], $0x80, s26, s12, $0xb8;
	[tilespmem:$0x1E0C0] =	vst v63  }
0x3dc: {  	_ =	swait.ge [sflag:s20], $0x4000  }
0x3dd: {  	[sflag:s20] =	ssyncset.done $0x0  }
0x3de: {  	s26 =	simm.s32 $0x15640;
	[sflag:s20] =	ssyncadd.s32 $0xFFFFC000  }
0x3df: {  	[spmem:s3] =	stream.indirect.scatter.add.f32 [tilespmem:s15], [sflag:$0x5], $0x80, s26, s12, $0xb8;
	[tilespmem:$0x1E0C0] =	vst v63  }
0x3e0: {  	_ =	swait.ge [sflag:s18], $0x4000  }
0x3e1: {  	[sflag:s18] =	ssyncset.done $0x0  }
0x3e2: {  	s26 =	simm.s32 $0x157C0;
	[sflag:s18] =	ssyncadd.s32 $0xFFFFC000  }
0x3e3: {  	[tilespmem:s15], [sflag:$0x2] =	stream.indirect.gather [hbm4b:s2+s12], $0x80, s26, s12, $0xb8;
	[tilespmem:$0x1E0C0] =	vst v63  }
0x3e4: {  	_ =	swait.ge [sflag:s16], $0x4000  }
0x3e5: {  	[sflag:s16] =	ssyncset.done $0x0  }
0x3e6: {  	s26 =	simm.s32 $0x15740;
	[sflag:s16] =	ssyncadd.s32 $0xFFFFC000  }
0x3e7: {  	[spmem:s3] =	stream.indirect.scatter.add.f32 [tilespmem:s13], [sflag:$0x5], $0x80, s26, s12, $0xb8;
	[tilespmem:$0x1E0C0] =	vst v63  }
0x3e8: {  	_ =	swait.ge [sflag:s18], $0x4000  }
0x3e9: {  	[sflag:s18] =	ssyncset.done $0x0  }
0x3ea: {  	s26 =	simm.s32 $0x158C0;
	[sflag:s18] =	ssyncadd.s32 $0xFFFFC000  }
0x3eb: {  	[tilespmem:s13], [sflag:$0x1] =	stream.indirect.gather [hbm4b:s2+s12], $0x80, s26, s12, $0xb8;
	[tilespmem:$0x1E0C0] =	vst v63  }
0x3ec: {  	_ =	swait.ge [sflag:s20], $0x4000  }
0x3ed: {  	[sflag:s20] =	ssyncset.done $0x0  }
0x3ee: {  	s26 =	simm.s32 $0x15840;
	[sflag:s20] =	ssyncadd.s32 $0xFFFFC000  }
0x3ef: {  	[spmem:s3] =	stream.indirect.scatter.add.f32 [tilespmem:s15], [sflag:$0x5], $0x80, s26, s12, $0xb8;
	[tilespmem:$0x1E0C0] =	vst v63  }
0x3f0: {  	_ =	swait.ge [sflag:s18], $0x4000  }
0x3f1: {  	[sflag:s18] =	ssyncset.done $0x0  }
0x3f2: {  	s26 =	simm.s32 $0x159C0;
	[sflag:s18] =	ssyncadd.s32 $0xFFFFC000  }
0x3f3: {  	[tilespmem:s15], [sflag:$0x2] =	stream.indirect.gather [hbm4b:s2+s12], $0x80, s26, s12, $0xb8;
	[tilespmem:$0x1E0C0] =	vst v63  }
0x3f4: {  	_ =	swait.ge [sflag:s16], $0x4000  }
0x3f5: {  	[sflag:s16] =	ssyncset.done $0x0  }
0x3f6: {  	s26 =	simm.s32 $0x15940;
	[sflag:s16] =	ssyncadd.s32 $0xFFFFC000  }
0x3f7: {  	[spmem:s3] =	stream.indirect.scatter.add.f32 [tilespmem:s13], [sflag:$0x5], $0x80, s26, s12, $0xb8;
	[tilespmem:$0x1E0C0] =	vst v63  }
0x3f8: {  	_ =	swait.ge [sflag:s18], $0x4000  }
0x3f9: {  	[sflag:s18] =	ssyncset.done $0x0  }
0x3fa: {  	s26 =	simm.s32 $0x15AC0;
	[sflag:s18] =	ssyncadd.s32 $0xFFFFC000  }
0x3fb: {  	[tilespmem:s13], [sflag:$0x1] =	stream.indirect.gather [hbm4b:s2+s12], $0x80, s26, s12, $0xb8;
	[tilespmem:$0x1E0C0] =	vst v63  }
0x3fc: {  	_ =	swait.ge [sflag:s20], $0x4000  }
0x3fd: {  	[sflag:s20] =	ssyncset.done $0x0  }
0x3fe: {  	s26 =	simm.s32 $0x15A40;
	[sflag:s20] =	ssyncadd.s32 $0xFFFFC000  }
0x3ff: {  	[spmem:s3] =	stream.indirect.scatter.add.f32 [tilespmem:s15], [sflag:$0x5], $0x80, s26, s12, $0xb8;
	[tilespmem:$0x1E0C0] =	vst v63  }
0x400: {  	_ =	swait.ge [sflag:s18], $0x4000  }
0x401: {  	[sflag:s18] =	ssyncset.done $0x0  }
0x402: {  	s26 =	simm.s32 $0x15BC0;
	[sflag:s18] =	ssyncadd.s32 $0xFFFFC000  }
0x403: {  	[tilespmem:s15], [sflag:$0x2] =	stream.indirect.gather [hbm4b:s2+s12], $0x80, s26, s12, $0xb8;
	[tilespmem:$0x1E0C0] =	vst v63  }
0x404: {  	_ =	swait.ge [sflag:s16], $0x4000  }
0x405: {  	[sflag:s16] =	ssyncset.done $0x0  }
0x406: {  	s26 =	simm.s32 $0x15B40;
	[sflag:s16] =	ssyncadd.s32 $0xFFFFC000  }
0x407: {  	[spmem:s3] =	stream.indirect.scatter.add.f32 [tilespmem:s13], [sflag:$0x5], $0x80, s26, s12, $0xb8;
	[tilespmem:$0x1E0C0] =	vst v63  }
0x408: {  	_ =	swait.ge [sflag:s18], $0x4000  }
0x409: {  	[sflag:s18] =	ssyncset.done $0x0  }
0x40a: {  	s26 =	simm.s32 $0x15CC0;
	[sflag:s18] =	ssyncadd.s32 $0xFFFFC000  }
0x40b: {  	[tilespmem:s13], [sflag:$0x1] =	stream.indirect.gather [hbm4b:s2+s12], $0x80, s26, s12, $0xb8;
	[tilespmem:$0x1E0C0] =	vst v63  }
0x40c: {  	_ =	swait.ge [sflag:s20], $0x4000  }
0x40d: {  	[sflag:s20] =	ssyncset.done $0x0  }
0x40e: {  	s26 =	simm.s32 $0x15C40;
	[sflag:s20] =	ssyncadd.s32 $0xFFFFC000  }
0x40f: {  	[spmem:s3] =	stream.indirect.scatter.add.f32 [tilespmem:s15], [sflag:$0x5], $0x80, s26, s12, $0xb8;
	[tilespmem:$0x1E0C0] =	vst v63  }
0x410: {  	_ =	swait.ge [sflag:s18], $0x4000  }
0x411: {  	[sflag:s18] =	ssyncset.done $0x0  }
0x412: {  	s26 =	simm.s32 $0x15DC0;
	[sflag:s18] =	ssyncadd.s32 $0xFFFFC000  }
0x413: {  	[tilespmem:s15], [sflag:$0x2] =	stream.indirect.gather [hbm4b:s2+s12], $0x80, s26, s12, $0xb8;
	[tilespmem:$0x1E0C0] =	vst v63  }
0x414: {  	_ =	swait.ge [sflag:s16], $0x4000  }
0x415: {  	[sflag:s16] =	ssyncset.done $0x0  }
0x416: {  	s26 =	simm.s32 $0x15D40;
	[sflag:s16] =	ssyncadd.s32 $0xFFFFC000  }
0x417: {  	[spmem:s3] =	stream.indirect.scatter.add.f32 [tilespmem:s13], [sflag:$0x5], $0x80, s26, s12, $0xb8;
	[tilespmem:$0x1E0C0] =	vst v63  }
0x418: {  	_ =	swait.ge [sflag:s18], $0x4000  }
0x419: {  	[sflag:s18] =	ssyncset.done $0x0  }
0x41a: {  	s26 =	simm.s32 $0x15EC0;
	[sflag:s18] =	ssyncadd.s32 $0xFFFFC000  }
0x41b: {  	[tilespmem:s13], [sflag:$0x1] =	stream.indirect.gather [hbm4b:s2+s12], $0x80, s26, s12, $0xb8;
	[tilespmem:$0x1E0C0] =	vst v63  }
0x41c: {  	_ =	swait.ge [sflag:s20], $0x4000  }
0x41d: {  	[sflag:s20] =	ssyncset.done $0x0  }
0x41e: {  	s26 =	simm.s32 $0x15E40;
	[sflag:s20] =	ssyncadd.s32 $0xFFFFC000  }
0x41f: {  	[spmem:s3] =	stream.indirect.scatter.add.f32 [tilespmem:s15], [sflag:$0x5], $0x80, s26, s12, $0xb8;
	[tilespmem:$0x1E0C0] =	vst v63  }
0x420: {  	_ =	swait.ge [sflag:s18], $0x4000  }
0x421: {  	[sflag:s18] =	ssyncset.done $0x0  }
0x422: {  	s26 =	simm.s32 $0x15FC0;
	[sflag:s18] =	ssyncadd.s32 $0xFFFFC000  }
0x423: {  	[tilespmem:s15], [sflag:$0x2] =	stream.indirect.gather [hbm4b:s2+s12], $0x80, s26, s12, $0xb8;
	[tilespmem:$0x1E0C0] =	vst v63  }
0x424: {  	_ =	swait.ge [sflag:s16], $0x4000  }
0x425: {  	[sflag:s16] =	ssyncset.done $0x0  }
0x426: {  	s26 =	simm.s32 $0x15F40;
	[sflag:s16] =	ssyncadd.s32 $0xFFFFC000  }
0x427: {  	[spmem:s3] =	stream.indirect.scatter.add.f32 [tilespmem:s13], [sflag:$0x5], $0x80, s26, s12, $0xb8;
	[tilespmem:$0x1E0C0] =	vst v63  }
0x428: {  	_ =	swait.ge [sflag:s18], $0x4000  }
0x429: {  	[sflag:s18] =	ssyncset.done $0x0  }
0x42a: {  	[sflag:s18] =	ssyncadd.s32 $0xFFFFC000  }
0x42b: {  	_ =	swait.ge [sflag:s20], $0x4000  }
0x42c: {  	[sflag:s20] =	ssyncset.done $0x0  }
0x42d: {  	s26 =	simm.s32 $0x16040;
	[sflag:s20] =	ssyncadd.s32 $0xFFFFC000  }
0x42e: {  	[spmem:s3] =	stream.indirect.scatter.add.f32 [tilespmem:s15], [sflag:$0x5], $0x80, s26, s12, $0xb8;
	[tilespmem:$0x1E0C0] =	vst v63  }
0x42f: {  	_ =	swait.ge [sflag:s18], $0x4000  }
0x430: {  	[sflag:s18] =	ssyncset.done $0x0  }
0x431: {  	s26 =	rddreg [dreg:$0xa];
	[sflag:s18] =	ssyncadd.s32 $0xFFFFC000  }
0x432: {  	[tilespmem:s1], [sflag:$0x4] =	stream.linear.gather [hbm4b:s26+s6], $0x1400, $0x38;
	[tilespmem:$0x1E0C0] =	vst v63  }
0x433: {  	_ =	swait.ge [sflag:s23], $0x1400  }
0x434: {  	[sflag:s23] =	ssyncset.done $0x0  }
0x435: {  	[sflag:s23] =	ssyncadd.s32 $0xFFFFEC00  }
0x436: {  	[tilespmem:s13], [sflag:$0x1] =	stream.indirect.gather [hbm4b:s2+s12], $0x80, s7, s12, $0xb8;
	[tilespmem:$0x1E0C0] =	vst v63  }
0x437: {  	s26 =	simm.s32 $0x139C0  }
0x438: {  	[tilespmem:s15], [sflag:$0x2] =	stream.indirect.gather [hbm4b:s2+s12], $0x80, s26, s12, $0xb8;
	[tilespmem:$0x1E0C0] =	vst v63  }
0x439: {  	_ =	swait.ge [sflag:s16], $0x4000  }
0x43a: {  	[sflag:s16] =	ssyncset.done $0x0  }
0x43b: {  	s26 =	simm.s32 $0x13940;
	[sflag:s16] =	ssyncadd.s32 $0xFFFFC000  }
0x43c: {  	[spmem:s3] =	stream.indirect.scatter.add.f32 [tilespmem:s13], [sflag:$0x5], $0x80, s26, s12, $0xb8;
	[tilespmem:$0x1E0C0] =	vst v63  }
0x43d: {  	_ =	swait.ge [sflag:s18], $0x4000  }
0x43e: {  	[sflag:s18] =	ssyncset.done $0x0  }
0x43f: {  	s26 =	simm.s32 $0x13AC0;
	[sflag:s18] =	ssyncadd.s32 $0xFFFFC000  }
0x440: {  	[tilespmem:s13], [sflag:$0x1] =	stream.indirect.gather [hbm4b:s2+s12], $0x80, s26, s12, $0xb8;
	[tilespmem:$0x1E0C0] =	vst v63  }
0x441: {  	_ =	swait.ge [sflag:s20], $0x4000  }
0x442: {  	[sflag:s20] =	ssyncset.done $0x0  }
0x443: {  	s26 =	simm.s32 $0x13A40;
	[sflag:s20] =	ssyncadd.s32 $0xFFFFC000  }
0x444: {  	[spmem:s3] =	stream.indirect.scatter.add.f32 [tilespmem:s15], [sflag:$0x5], $0x80, s26, s12, $0xb8;
	[tilespmem:$0x1E0C0] =	vst v63  }
0x445: {  	_ =	swait.ge [sflag:s18], $0x4000  }
0x446: {  	[sflag:s18] =	ssyncset.done $0x0  }
0x447: {  	s26 =	simm.s32 $0x13BC0;
	[sflag:s18] =	ssyncadd.s32 $0xFFFFC000  }
0x448: {  	[tilespmem:s15], [sflag:$0x2] =	stream.indirect.gather [hbm4b:s2+s12], $0x80, s26, s12, $0xb8;
	[tilespmem:$0x1E0C0] =	vst v63  }
0x449: {  	_ =	swait.ge [sflag:s16], $0x4000  }
0x44a: {  	[sflag:s16] =	ssyncset.done $0x0  }
0x44b: {  	s26 =	simm.s32 $0x13B40;
	[sflag:s16] =	ssyncadd.s32 $0xFFFFC000  }
0x44c: {  	[spmem:s3] =	stream.indirect.scatter.add.f32 [tilespmem:s13], [sflag:$0x5], $0x80, s26, s12, $0xb8;
	[tilespmem:$0x1E0C0] =	vst v63  }
0x44d: {  	_ =	swait.ge [sflag:s18], $0x4000  }
0x44e: {  	[sflag:s18] =	ssyncset.done $0x0  }
0x44f: {  	s26 =	simm.s32 $0x13CC0;
	[sflag:s18] =	ssyncadd.s32 $0xFFFFC000  }
0x450: {  	[tilespmem:s13], [sflag:$0x1] =	stream.indirect.gather [hbm4b:s2+s12], $0x80, s26, s12, $0xb8;
	[tilespmem:$0x1E0C0] =	vst v63  }
0x451: {  	_ =	swait.ge [sflag:s20], $0x4000  }
0x452: {  	[sflag:s20] =	ssyncset.done $0x0  }
0x453: {  	s26 =	simm.s32 $0x13C40;
	[sflag:s20] =	ssyncadd.s32 $0xFFFFC000  }
0x454: {  	[spmem:s3] =	stream.indirect.scatter.add.f32 [tilespmem:s15], [sflag:$0x5], $0x80, s26, s12, $0xb8;
	[tilespmem:$0x1E0C0] =	vst v63  }
0x455: {  	_ =	swait.ge [sflag:s18], $0x4000  }
0x456: {  	[sflag:s18] =	ssyncset.done $0x0  }
0x457: {  	s26 =	simm.s32 $0x13DC0;
	[sflag:s18] =	ssyncadd.s32 $0xFFFFC000  }
0x458: {  	[tilespmem:s15], [sflag:$0x2] =	stream.indirect.gather [hbm4b:s2+s12], $0x80, s26, s12, $0xb8;
	[tilespmem:$0x1E0C0] =	vst v63  }
0x459: {  	_ =	swait.ge [sflag:s16], $0x4000  }
0x45a: {  	[sflag:s16] =	ssyncset.done $0x0  }
0x45b: {  	s26 =	simm.s32 $0x13D40;
	[sflag:s16] =	ssyncadd.s32 $0xFFFFC000  }
0x45c: {  	[spmem:s3] =	stream.indirect.scatter.add.f32 [tilespmem:s13], [sflag:$0x5], $0x80, s26, s12, $0xb8;
	[tilespmem:$0x1E0C0] =	vst v63  }
0x45d: {  	_ =	swait.ge [sflag:s18], $0x4000  }
0x45e: {  	[sflag:s18] =	ssyncset.done $0x0  }
0x45f: {  	s26 =	simm.s32 $0x13EC0;
	[sflag:s18] =	ssyncadd.s32 $0xFFFFC000  }
0x460: {  	[tilespmem:s13], [sflag:$0x1] =	stream.indirect.gather [hbm4b:s2+s12], $0x80, s26, s12, $0xb8;
	[tilespmem:$0x1E0C0] =	vst v63  }
0x461: {  	_ =	swait.ge [sflag:s20], $0x4000  }
0x462: {  	[sflag:s20] =	ssyncset.done $0x0  }
0x463: {  	s26 =	simm.s32 $0x13E40;
	[sflag:s20] =	ssyncadd.s32 $0xFFFFC000  }
0x464: {  	[spmem:s3] =	stream.indirect.scatter.add.f32 [tilespmem:s15], [sflag:$0x5], $0x80, s26, s12, $0xb8;
	[tilespmem:$0x1E0C0] =	vst v63  }
0x465: {  	_ =	swait.ge [sflag:s18], $0x4000  }
0x466: {  	[sflag:s18] =	ssyncset.done $0x0  }
0x467: {  	s26 =	simm.s32 $0x13FC0;
	[sflag:s18] =	ssyncadd.s32 $0xFFFFC000  }
0x468: {  	[tilespmem:s15], [sflag:$0x2] =	stream.indirect.gather [hbm4b:s2+s12], $0x80, s26, s12, $0xb8;
	[tilespmem:$0x1E0C0] =	vst v63  }
0x469: {  	_ =	swait.ge [sflag:s16], $0x4000  }
0x46a: {  	[sflag:s16] =	ssyncset.done $0x0  }
0x46b: {  	s26 =	simm.s32 $0x13F40;
	[sflag:s16] =	ssyncadd.s32 $0xFFFFC000  }
0x46c: {  	[spmem:s3] =	stream.indirect.scatter.add.f32 [tilespmem:s13], [sflag:$0x5], $0x80, s26, s12, $0xb8;
	[tilespmem:$0x1E0C0] =	vst v63  }
0x46d: {  	_ =	swait.ge [sflag:s18], $0x4000  }
0x46e: {  	[sflag:s18] =	ssyncset.done $0x0  }
0x46f: {  	s26 =	simm.s32 $0x140C0;
	[sflag:s18] =	ssyncadd.s32 $0xFFFFC000  }
0x470: {  	[tilespmem:s13], [sflag:$0x1] =	stream.indirect.gather [hbm4b:s2+s12], $0x80, s26, s12, $0xb8;
	[tilespmem:$0x1E0C0] =	vst v63  }
0x471: {  	_ =	swait.ge [sflag:s20], $0x4000  }
0x472: {  	[sflag:s20] =	ssyncset.done $0x0  }
0x473: {  	s26 =	simm.s32 $0x14040;
	[sflag:s20] =	ssyncadd.s32 $0xFFFFC000  }
0x474: {  	[spmem:s3] =	stream.indirect.scatter.add.f32 [tilespmem:s15], [sflag:$0x5], $0x80, s26, s12, $0xb8;
	[tilespmem:$0x1E0C0] =	vst v63  }
0x475: {  	_ =	swait.ge [sflag:s18], $0x4000  }
0x476: {  	[sflag:s18] =	ssyncset.done $0x0  }
0x477: {  	s26 =	simm.s32 $0x141C0;
	[sflag:s18] =	ssyncadd.s32 $0xFFFFC000  }
0x478: {  	[tilespmem:s15], [sflag:$0x2] =	stream.indirect.gather [hbm4b:s2+s12], $0x80, s26, s12, $0xb8;
	[tilespmem:$0x1E0C0] =	vst v63  }
0x479: {  	_ =	swait.ge [sflag:s16], $0x4000  }
0x47a: {  	[sflag:s16] =	ssyncset.done $0x0  }
0x47b: {  	s26 =	simm.s32 $0x14140;
	[sflag:s16] =	ssyncadd.s32 $0xFFFFC000  }
0x47c: {  	[spmem:s3] =	stream.indirect.scatter.add.f32 [tilespmem:s13], [sflag:$0x5], $0x80, s26, s12, $0xb8;
	[tilespmem:$0x1E0C0] =	vst v63  }
0x47d: {  	_ =	swait.ge [sflag:s18], $0x4000  }
0x47e: {  	[sflag:s18] =	ssyncset.done $0x0  }
0x47f: {  	s26 =	simm.s32 $0x142C0;
	[sflag:s18] =	ssyncadd.s32 $0xFFFFC000  }
0x480: {  	[tilespmem:s13], [sflag:$0x1] =	stream.indirect.gather [hbm4b:s2+s12], $0x80, s26, s12, $0xb8;
	[tilespmem:$0x1E0C0] =	vst v63  }
0x481: {  	_ =	swait.ge [sflag:s20], $0x4000  }
0x482: {  	[sflag:s20] =	ssyncset.done $0x0  }
0x483: {  	s26 =	simm.s32 $0x14240;
	[sflag:s20] =	ssyncadd.s32 $0xFFFFC000  }
0x484: {  	[spmem:s3] =	stream.indirect.scatter.add.f32 [tilespmem:s15], [sflag:$0x5], $0x80, s26, s12, $0xb8;
	[tilespmem:$0x1E0C0] =	vst v63  }
0x485: {  	_ =	swait.ge [sflag:s18], $0x4000  }
0x486: {  	[sflag:s18] =	ssyncset.done $0x0  }
0x487: {  	s26 =	simm.s32 $0x143C0;
	[sflag:s18] =	ssyncadd.s32 $0xFFFFC000  }
0x488: {  	[tilespmem:s15], [sflag:$0x2] =	stream.indirect.gather [hbm4b:s2+s12], $0x80, s26, s12, $0xb8;
	[tilespmem:$0x1E0C0] =	vst v63  }
0x489: {  	_ =	swait.ge [sflag:s16], $0x4000  }
0x48a: {  	[sflag:s16] =	ssyncset.done $0x0  }
0x48b: {  	s26 =	simm.s32 $0x14340;
	[sflag:s16] =	ssyncadd.s32 $0xFFFFC000  }
0x48c: {  	[spmem:s3] =	stream.indirect.scatter.add.f32 [tilespmem:s13], [sflag:$0x5], $0x80, s26, s12, $0xb8;
	[tilespmem:$0x1E0C0] =	vst v63  }
0x48d: {  	_ =	swait.ge [sflag:s18], $0x4000  }
0x48e: {  	[sflag:s18] =	ssyncset.done $0x0  }
0x48f: {  	s26 =	simm.s32 $0x144C0;
	[sflag:s18] =	ssyncadd.s32 $0xFFFFC000  }
0x490: {  	[tilespmem:s13], [sflag:$0x1] =	stream.indirect.gather [hbm4b:s2+s12], $0x80, s26, s12, $0xb8;
	[tilespmem:$0x1E0C0] =	vst v63  }
0x491: {  	_ =	swait.ge [sflag:s20], $0x4000  }
0x492: {  	[sflag:s20] =	ssyncset.done $0x0  }
0x493: {  	s26 =	simm.s32 $0x14440;
	[sflag:s20] =	ssyncadd.s32 $0xFFFFC000  }
0x494: {  	[spmem:s3] =	stream.indirect.scatter.add.f32 [tilespmem:s15], [sflag:$0x5], $0x80, s26, s12, $0xb8;
	[tilespmem:$0x1E0C0] =	vst v63  }
0x495: {  	_ =	swait.ge [sflag:s18], $0x4000  }
0x496: {  	[sflag:s18] =	ssyncset.done $0x0  }
0x497: {  	s26 =	simm.s32 $0x145C0;
	[sflag:s18] =	ssyncadd.s32 $0xFFFFC000  }
0x498: {  	[tilespmem:s15], [sflag:$0x2] =	stream.indirect.gather [hbm4b:s2+s12], $0x80, s26, s12, $0xb8;
	[tilespmem:$0x1E0C0] =	vst v63  }
0x499: {  	_ =	swait.ge [sflag:s16], $0x4000  }
0x49a: {  	[sflag:s16] =	ssyncset.done $0x0  }
0x49b: {  	s26 =	simm.s32 $0x14540;
	[sflag:s16] =	ssyncadd.s32 $0xFFFFC000  }
0x49c: {  	[spmem:s3] =	stream.indirect.scatter.add.f32 [tilespmem:s13], [sflag:$0x5], $0x80, s26, s12, $0xb8;
	[tilespmem:$0x1E0C0] =	vst v63  }
0x49d: {  	_ =	swait.ge [sflag:s18], $0x4000  }
0x49e: {  	[sflag:s18] =	ssyncset.done $0x0  }
0x49f: {  	s26 =	simm.s32 $0x146C0;
	[sflag:s18] =	ssyncadd.s32 $0xFFFFC000  }
0x4a0: {  	[tilespmem:s13], [sflag:$0x1] =	stream.indirect.gather [hbm4b:s2+s12], $0x80, s26, s12, $0xb8;
	[tilespmem:$0x1E0C0] =	vst v63  }
0x4a1: {  	_ =	swait.ge [sflag:s20], $0x4000  }
0x4a2: {  	[sflag:s20] =	ssyncset.done $0x0  }
0x4a3: {  	s26 =	simm.s32 $0x14640;
	[sflag:s20] =	ssyncadd.s32 $0xFFFFC000  }
0x4a4: {  	[spmem:s3] =	stream.indirect.scatter.add.f32 [tilespmem:s15], [sflag:$0x5], $0x80, s26, s12, $0xb8;
	[tilespmem:$0x1E0C0] =	vst v63  }
0x4a5: {  	_ =	swait.ge [sflag:s18], $0x4000  }
0x4a6: {  	[sflag:s18] =	ssyncset.done $0x0  }
0x4a7: {  	s26 =	simm.s32 $0x147C0;
	[sflag:s18] =	ssyncadd.s32 $0xFFFFC000  }
0x4a8: {  	[tilespmem:s15], [sflag:$0x2] =	stream.indirect.gather [hbm4b:s2+s12], $0x80, s26, s12, $0xb8;
	[tilespmem:$0x1E0C0] =	vst v63  }
0x4a9: {  	_ =	swait.ge [sflag:s16], $0x4000  }
0x4aa: {  	[sflag:s16] =	ssyncset.done $0x0  }
0x4ab: {  	s26 =	simm.s32 $0x14740;
	[sflag:s16] =	ssyncadd.s32 $0xFFFFC000  }
0x4ac: {  	[spmem:s3] =	stream.indirect.scatter.add.f32 [tilespmem:s13], [sflag:$0x5], $0x80, s26, s12, $0xb8;
	[tilespmem:$0x1E0C0] =	vst v63  }
0x4ad: {  	_ =	swait.ge [sflag:s18], $0x4000  }
0x4ae: {  	[sflag:s18] =	ssyncset.done $0x0  }
0x4af: {  	s26 =	simm.s32 $0x148C0;
	[sflag:s18] =	ssyncadd.s32 $0xFFFFC000  }
0x4b0: {  	[tilespmem:s13], [sflag:$0x1] =	stream.indirect.gather [hbm4b:s2+s12], $0x80, s26, s12, $0xb8;
	[tilespmem:$0x1E0C0] =	vst v63  }
0x4b1: {  	_ =	swait.ge [sflag:s20], $0x4000  }
0x4b2: {  	[sflag:s20] =	ssyncset.done $0x0  }
0x4b3: {  	s26 =	simm.s32 $0x14840;
	[sflag:s20] =	ssyncadd.s32 $0xFFFFC000  }
0x4b4: {  	[spmem:s3] =	stream.indirect.scatter.add.f32 [tilespmem:s15], [sflag:$0x5], $0x80, s26, s12, $0xb8;
	[tilespmem:$0x1E0C0] =	vst v63  }
0x4b5: {  	_ =	swait.ge [sflag:s18], $0x4000  }
0x4b6: {  	[sflag:s18] =	ssyncset.done $0x0  }
0x4b7: {  	s26 =	simm.s32 $0x149C0;
	[sflag:s18] =	ssyncadd.s32 $0xFFFFC000  }
0x4b8: {  	[tilespmem:s15], [sflag:$0x2] =	stream.indirect.gather [hbm4b:s2+s12], $0x80, s26, s12, $0xb8;
	[tilespmem:$0x1E0C0] =	vst v63  }
0x4b9: {  	_ =	swait.ge [sflag:s16], $0x4000  }
0x4ba: {  	[sflag:s16] =	ssyncset.done $0x0  }
0x4bb: {  	s26 =	simm.s32 $0x14940;
	[sflag:s16] =	ssyncadd.s32 $0xFFFFC000  }
0x4bc: {  	[spmem:s3] =	stream.indirect.scatter.add.f32 [tilespmem:s13], [sflag:$0x5], $0x80, s26, s12, $0xb8;
	[tilespmem:$0x1E0C0] =	vst v63  }
0x4bd: {  	_ =	swait.ge [sflag:s18], $0x4000  }
0x4be: {  	[sflag:s18] =	ssyncset.done $0x0  }
0x4bf: {  	s26 =	simm.s32 $0x14AC0;
	[sflag:s18] =	ssyncadd.s32 $0xFFFFC000  }
0x4c0: {  	[tilespmem:s13], [sflag:$0x1] =	stream.indirect.gather [hbm4b:s2+s12], $0x80, s26, s12, $0xb8;
	[tilespmem:$0x1E0C0] =	vst v63  }
0x4c1: {  	_ =	swait.ge [sflag:s20], $0x4000  }
0x4c2: {  	[sflag:s20] =	ssyncset.done $0x0  }
0x4c3: {  	s26 =	simm.s32 $0x14A40;
	[sflag:s20] =	ssyncadd.s32 $0xFFFFC000  }
0x4c4: {  	[spmem:s3] =	stream.indirect.scatter.add.f32 [tilespmem:s15], [sflag:$0x5], $0x80, s26, s12, $0xb8;
	[tilespmem:$0x1E0C0] =	vst v63  }
0x4c5: {  	_ =	swait.ge [sflag:s18], $0x4000  }
0x4c6: {  	[sflag:s18] =	ssyncset.done $0x0  }
0x4c7: {  	s26 =	simm.s32 $0x14BC0;
	[sflag:s18] =	ssyncadd.s32 $0xFFFFC000  }
0x4c8: {  	[tilespmem:s15], [sflag:$0x2] =	stream.indirect.gather [hbm4b:s2+s12], $0x80, s26, s12, $0xb8;
	[tilespmem:$0x1E0C0] =	vst v63  }
0x4c9: {  	_ =	swait.ge [sflag:s16], $0x4000  }
0x4ca: {  	[sflag:s16] =	ssyncset.done $0x0  }
0x4cb: {  	s26 =	simm.s32 $0x14B40;
	[sflag:s16] =	ssyncadd.s32 $0xFFFFC000  }
0x4cc: {  	[spmem:s3] =	stream.indirect.scatter.add.f32 [tilespmem:s13], [sflag:$0x5], $0x80, s26, s12, $0xb8;
	[tilespmem:$0x1E0C0] =	vst v63  }
0x4cd: {  	_ =	swait.ge [sflag:s18], $0x4000  }
0x4ce: {  	[sflag:s18] =	ssyncset.done $0x0  }
0x4cf: {  	[sflag:s18] =	ssyncadd.s32 $0xFFFFC000  }
0x4d0: {  	_ =	swait.ge [sflag:s20], $0x4000  }
0x4d1: {  	[sflag:s20] =	ssyncset.done $0x0  }
0x4d2: {  	s26 =	simm.s32 $0x14C40;
	[sflag:s20] =	ssyncadd.s32 $0xFFFFC000  }
0x4d3: {  	[spmem:s3] =	stream.indirect.scatter.add.f32 [tilespmem:s15], [sflag:$0x5], $0x80, s26, s12, $0xb8;
	[tilespmem:$0x1E0C0] =	vst v63  }
0x4d4: {  	_ =	swait.ge [sflag:s18], $0x4000  }
0x4d5: {  	[sflag:s18] =	ssyncset.done $0x0  }
0x4d6: {  	[sflag:s18] =	ssyncadd.s32 $0xFFFFC000  }
0x4d7: {  	_ =	swait.ge [sflag:s0], $0x1400  }
0x4d8: {  	[sflag:s0] =	ssyncset.done $0x0  }
0x4d9: {  	[sflag:s0] =	ssyncadd.s32 $0xFFFFEC00  }
0x4da: {  	[tilespmem:s13], [sflag:$0x1] =	stream.indirect.gather [hbm4b:s2+s12], $0x80, s1, s12, $0xb8;
	[tilespmem:$0x1E0C0] =	vst v63  }
0x4db: {  	_ = 	snop  }
0x4dc: {  	[tilespmem:s15], [sflag:$0x2] =	stream.indirect.gather [hbm4b:s2+s12], $0x80, s4, s12, $0xb8;
	[tilespmem:$0x1E0C0] =	vst v63  }
0x4dd: {  	_ =	swait.ge [sflag:s16], $0x4000  }
0x4de: {  	[sflag:s16] =	ssyncset.done $0x0  }
0x4df: {  	[sflag:s16] =	ssyncadd.s32 $0xFFFFC000  }
0x4e0: {  	[spmem:s3] =	stream.indirect.scatter.add.f32 [tilespmem:s13], [sflag:$0x5], $0x80, s5, s12, $0xb8;
	[tilespmem:$0x1E0C0] =	vst v63  }
0x4e1: {  	_ =	swait.ge [sflag:s18], $0x4000  }
0x4e2: {  	[sflag:s18] =	ssyncset.done $0x0  }
0x4e3: {  	[sflag:s18] =	ssyncadd.s32 $0xFFFFC000  }
0x4e4: {  	[tilespmem:s13], [sflag:$0x1] =	stream.indirect.gather [hbm4b:s2+s12], $0x80, s8, s12, $0xb8;
	[tilespmem:$0x1E0C0] =	vst v63  }
0x4e5: {  	_ =	swait.ge [sflag:s20], $0x4000  }
0x4e6: {  	[sflag:s20] =	ssyncset.done $0x0  }
0x4e7: {  	[sflag:s20] =	ssyncadd.s32 $0xFFFFC000  }
0x4e8: {  	[spmem:s3] =	stream.indirect.scatter.add.f32 [tilespmem:s15], [sflag:$0x5], $0x80, s9, s12, $0xb8;
	[tilespmem:$0x1E0C0] =	vst v63  }
0x4e9: {  	_ =	swait.ge [sflag:s18], $0x4000  }
0x4ea: {  	[sflag:s18] =	ssyncset.done $0x0  }
0x4eb: {  	[sflag:s18] =	ssyncadd.s32 $0xFFFFC000  }
0x4ec: {  	[tilespmem:s15], [sflag:$0x2] =	stream.indirect.gather [hbm4b:s2+s12], $0x80, s10, s12, $0xb8;
	[tilespmem:$0x1E0C0] =	vst v63  }
0x4ed: {  	_ =	swait.ge [sflag:s16], $0x4000  }
0x4ee: {  	[sflag:s16] =	ssyncset.done $0x0  }
0x4ef: {  	[sflag:s16] =	ssyncadd.s32 $0xFFFFC000  }
0x4f0: {  	[spmem:s3] =	stream.indirect.scatter.add.f32 [tilespmem:s13], [sflag:$0x5], $0x80, s11, s12, $0xb8;
	[tilespmem:$0x1E0C0] =	vst v63  }
0x4f1: {  	_ =	swait.ge [sflag:s18], $0x4000  }
0x4f2: {  	[sflag:s18] =	ssyncset.done $0x0  }
0x4f3: {  	[sflag:s18] =	ssyncadd.s32 $0xFFFFC000  }
0x4f4: {  	[tilespmem:s13], [sflag:$0x1] =	stream.indirect.gather [hbm4b:s2+s12], $0x80, s14, s12, $0xb8;
	[tilespmem:$0x1E0C0] =	vst v63  }
0x4f5: {  	_ =	swait.ge [sflag:s20], $0x4000  }
0x4f6: {  	[sflag:s20] =	ssyncset.done $0x0  }
0x4f7: {  	[sflag:s20] =	ssyncadd.s32 $0xFFFFC000  }
0x4f8: {  	[spmem:s3] =	stream.indirect.scatter.add.f32 [tilespmem:s15], [sflag:$0x5], $0x80, s17, s12, $0xb8;
	[tilespmem:$0x1E0C0] =	vst v63  }
0x4f9: {  	_ =	swait.ge [sflag:s18], $0x4000  }
0x4fa: {  	[sflag:s18] =	ssyncset.done $0x0  }
0x4fb: {  	[sflag:s18] =	ssyncadd.s32 $0xFFFFC000  }
0x4fc: {  	[tilespmem:s15], [sflag:$0x2] =	stream.indirect.gather [hbm4b:s2+s12], $0x80, s19, s12, $0xb8;
	[tilespmem:$0x1E0C0] =	vst v63  }
0x4fd: {  	_ =	swait.ge [sflag:s16], $0x4000  }
0x4fe: {  	[sflag:s16] =	ssyncset.done $0x0  }
0x4ff: {  	[sflag:s16] =	ssyncadd.s32 $0xFFFFC000  }
0x500: {  	[spmem:s3] =	stream.indirect.scatter.add.f32 [tilespmem:s13], [sflag:$0x5], $0x80, s21, s12, $0xb8;
	[tilespmem:$0x1E0C0] =	vst v63  }
0x501: {  	_ =	swait.ge [sflag:s18], $0x4000  }
0x502: {  	[sflag:s18] =	ssyncset.done $0x0  }
0x503: {  	[sflag:s18] =	ssyncadd.s32 $0xFFFFC000  }
0x504: {  	[tilespmem:s13], [sflag:$0x1] =	stream.indirect.gather [hbm4b:s2+s12], $0x80, s22, s12, $0xb8;
	[tilespmem:$0x1E0C0] =	vst v63  }
0x505: {  	_ =	swait.ge [sflag:s20], $0x4000  }
0x506: {  	[sflag:s20] =	ssyncset.done $0x0  }
0x507: {  	[sflag:s20] =	ssyncadd.s32 $0xFFFFC000  }
0x508: {  	[spmem:s3] =	stream.indirect.scatter.add.f32 [tilespmem:s15], [sflag:$0x5], $0x80, s24, s12, $0xb8;
	[tilespmem:$0x1E0C0] =	vst v63  }
0x509: {  	_ =	swait.ge [sflag:s18], $0x4000  }
0x50a: {  	[sflag:s18] =	ssyncset.done $0x0  }
0x50b: {  	[sflag:s18] =	ssyncadd.s32 $0xFFFFC000  }
0x50c: {  	[tilespmem:s15], [sflag:$0x2] =	stream.indirect.gather [hbm4b:s2+s12], $0x80, s28, s12, $0xb8;
	[tilespmem:$0x1E0C0] =	vst v63  }
0x50d: {  	_ =	swait.ge [sflag:s16], $0x4000  }
0x50e: {  	[sflag:s16] =	ssyncset.done $0x0  }
0x50f: {  	[sflag:s16] =	ssyncadd.s32 $0xFFFFC000  }
0x510: {  	[spmem:s3] =	stream.indirect.scatter.add.f32 [tilespmem:s13], [sflag:$0x5], $0x80, s29, s12, $0xb8;
	[tilespmem:$0x1E0C0] =	vst v63  }
0x511: {  	_ =	swait.ge [sflag:s18], $0x4000  }
0x512: {  	[sflag:s18] =	ssyncset.done $0x0  }
0x513: {  	[sflag:s18] =	ssyncadd.s32 $0xFFFFC000  }
0x514: {  	[tilespmem:s13], [sflag:$0x1] =	stream.indirect.gather [hbm4b:s2+s12], $0x80, s30, s12, $0xb8;
	[tilespmem:$0x1E0C0] =	vst v63  }
0x515: {  	_ =	swait.ge [sflag:s20], $0x4000  }
0x516: {  	[sflag:s20] =	ssyncset.done $0x0  }
0x517: {  	[sflag:s20] =	ssyncadd.s32 $0xFFFFC000  }
0x518: {  	[spmem:s3] =	stream.indirect.scatter.add.f32 [tilespmem:s15], [sflag:$0x5], $0x80, s31, s12, $0xb8;
	[tilespmem:$0x1E0C0] =	vst v63  }
0x519: {  	_ =	swait.ge [sflag:s18], $0x4000  }
0x51a: {  	[sflag:s18] =	ssyncset.done $0x0  }
0x51b: {  	s29 =	simm.s32 $0x155C0;
	[sflag:s18] =	ssyncadd.s32 $0xFFFFC000  }
0x51c: {  	[tilespmem:s15], [sflag:$0x2] =	stream.indirect.gather [hbm4b:s2+s12], $0x80, s29, s12, $0xb8;
	[tilespmem:$0x1E0C0] =	vst v63  }
0x51d: {  	_ =	swait.ge [sflag:s16], $0x4000  }
0x51e: {  	[sflag:s16] =	ssyncset.done $0x0  }
0x51f: {  	s30 =	simm.s32 $0x15540;
	[sflag:s16] =	ssyncadd.s32 $0xFFFFC000  }
0x520: {  	[spmem:s3] =	stream.indirect.scatter.add.f32 [tilespmem:s13], [sflag:$0x5], $0x80, s30, s12, $0xb8;
	[tilespmem:$0x1E0C0] =	vst v63  }
0x521: {  	_ =	swait.ge [sflag:s18], $0x4000  }
0x522: {  	[sflag:s18] =	ssyncset.done $0x0  }
0x523: {  	s1 =	simm.s32 $0x156C0;
	[sflag:s18] =	ssyncadd.s32 $0xFFFFC000  }
0x524: {  	[tilespmem:s13], [sflag:$0x1] =	stream.indirect.gather [hbm4b:s2+s12], $0x80, s1, s12, $0xb8;
	[tilespmem:$0x1E0C0] =	vst v63  }
0x525: {  	_ =	swait.ge [sflag:s20], $0x4000  }
0x526: {  	[sflag:s20] =	ssyncset.done $0x0  }
0x527: {  	s6 =	simm.s32 $0x15640;
	[sflag:s20] =	ssyncadd.s32 $0xFFFFC000  }
0x528: {  	[spmem:s3] =	stream.indirect.scatter.add.f32 [tilespmem:s15], [sflag:$0x5], $0x80, s6, s12, $0xb8;
	[tilespmem:$0x1E0C0] =	vst v63  }
0x529: {  	_ =	swait.ge [sflag:s18], $0x4000  }
0x52a: {  	[sflag:s18] =	ssyncset.done $0x0  }
0x52b: {  	s9 =	simm.s32 $0x157C0;
	[sflag:s18] =	ssyncadd.s32 $0xFFFFC000  }
0x52c: {  	[tilespmem:s15], [sflag:$0x2] =	stream.indirect.gather [hbm4b:s2+s12], $0x80, s9, s12, $0xb8;
	[tilespmem:$0x1E0C0] =	vst v63  }
0x52d: {  	_ =	swait.ge [sflag:s16], $0x4000  }
0x52e: {  	[sflag:s16] =	ssyncset.done $0x0  }
0x52f: {  	s26 =	simm.s32 $0x15740;
	[sflag:s16] =	ssyncadd.s32 $0xFFFFC000  }
0x530: {  	[spmem:s3] =	stream.indirect.scatter.add.f32 [tilespmem:s13], [sflag:$0x5], $0x80, s26, s12, $0xb8;
	[tilespmem:$0x1E0C0] =	vst v63  }
0x531: {  	_ =	swait.ge [sflag:s18], $0x4000  }
0x532: {  	[sflag:s18] =	ssyncset.done $0x0  }
0x533: {  	s28 =	simm.s32 $0x158C0;
	[sflag:s18] =	ssyncadd.s32 $0xFFFFC000  }
0x534: {  	[tilespmem:s13], [sflag:$0x1] =	stream.indirect.gather [hbm4b:s2+s12], $0x80, s28, s12, $0xb8;
	[tilespmem:$0x1E0C0] =	vst v63  }
0x535: {  	_ =	swait.ge [sflag:s20], $0x4000  }
0x536: {  	[sflag:s20] =	ssyncset.done $0x0  }
0x537: {  	s29 =	simm.s32 $0x15840;
	[sflag:s20] =	ssyncadd.s32 $0xFFFFC000  }
0x538: {  	[spmem:s3] =	stream.indirect.scatter.add.f32 [tilespmem:s15], [sflag:$0x5], $0x80, s29, s12, $0xb8;
	[tilespmem:$0x1E0C0] =	vst v63  }
0x539: {  	_ =	swait.ge [sflag:s18], $0x4000  }
0x53a: {  	[sflag:s18] =	ssyncset.done $0x0  }
0x53b: {  	s30 =	simm.s32 $0x159C0;
	[sflag:s18] =	ssyncadd.s32 $0xFFFFC000  }
0x53c: {  	[tilespmem:s15], [sflag:$0x2] =	stream.indirect.gather [hbm4b:s2+s12], $0x80, s30, s12, $0xb8;
	[tilespmem:$0x1E0C0] =	vst v63  }
0x53d: {  	_ =	swait.ge [sflag:s16], $0x4000  }
0x53e: {  	[sflag:s16] =	ssyncset.done $0x0  }
0x53f: {  	s1 =	simm.s32 $0x15940;
	[sflag:s16] =	ssyncadd.s32 $0xFFFFC000  }
0x540: {  	[spmem:s3] =	stream.indirect.scatter.add.f32 [tilespmem:s13], [sflag:$0x5], $0x80, s1, s12, $0xb8;
	[tilespmem:$0x1E0C0] =	vst v63  }
0x541: {  	_ =	swait.ge [sflag:s18], $0x4000  }
0x542: {  	[sflag:s18] =	ssyncset.done $0x0  }
0x543: {  	s6 =	simm.s32 $0x15AC0;
	[sflag:s18] =	ssyncadd.s32 $0xFFFFC000  }
0x544: {  	[tilespmem:s13], [sflag:$0x1] =	stream.indirect.gather [hbm4b:s2+s12], $0x80, s6, s12, $0xb8;
	[tilespmem:$0x1E0C0] =	vst v63  }
0x545: {  	_ =	swait.ge [sflag:s20], $0x4000  }
0x546: {  	[sflag:s20] =	ssyncset.done $0x0  }
0x547: {  	s9 =	simm.s32 $0x15A40;
	[sflag:s20] =	ssyncadd.s32 $0xFFFFC000  }
0x548: {  	[spmem:s3] =	stream.indirect.scatter.add.f32 [tilespmem:s15], [sflag:$0x5], $0x80, s9, s12, $0xb8;
	[tilespmem:$0x1E0C0] =	vst v63  }
0x549: {  	_ =	swait.ge [sflag:s18], $0x4000  }
0x54a: {  	[sflag:s18] =	ssyncset.done $0x0  }
0x54b: {  	s26 =	simm.s32 $0x15BC0;
	[sflag:s18] =	ssyncadd.s32 $0xFFFFC000  }
0x54c: {  	[tilespmem:s15], [sflag:$0x2] =	stream.indirect.gather [hbm4b:s2+s12], $0x80, s26, s12, $0xb8;
	[tilespmem:$0x1E0C0] =	vst v63  }
0x54d: {  	_ =	swait.ge [sflag:s16], $0x4000  }
0x54e: {  	[sflag:s16] =	ssyncset.done $0x0  }
0x54f: {  	s28 =	simm.s32 $0x15B40;
	[sflag:s16] =	ssyncadd.s32 $0xFFFFC000  }
0x550: {  	[spmem:s3] =	stream.indirect.scatter.add.f32 [tilespmem:s13], [sflag:$0x5], $0x80, s28, s12, $0xb8;
	[tilespmem:$0x1E0C0] =	vst v63  }
0x551: {  	_ =	swait.ge [sflag:s18], $0x4000  }
0x552: {  	[sflag:s18] =	ssyncset.done $0x0  }
0x553: {  	s29 =	simm.s32 $0x15CC0;
	[sflag:s18] =	ssyncadd.s32 $0xFFFFC000  }
0x554: {  	[tilespmem:s13], [sflag:$0x1] =	stream.indirect.gather [hbm4b:s2+s12], $0x80, s29, s12, $0xb8;
	[tilespmem:$0x1E0C0] =	vst v63  }
0x555: {  	_ =	swait.ge [sflag:s20], $0x4000  }
0x556: {  	[sflag:s20] =	ssyncset.done $0x0  }
0x557: {  	s30 =	simm.s32 $0x15C40;
	[sflag:s20] =	ssyncadd.s32 $0xFFFFC000  }
0x558: {  	[spmem:s3] =	stream.indirect.scatter.add.f32 [tilespmem:s15], [sflag:$0x5], $0x80, s30, s12, $0xb8;
	[tilespmem:$0x1E0C0] =	vst v63  }
0x559: {  	_ =	swait.ge [sflag:s18], $0x4000  }
0x55a: {  	[sflag:s18] =	ssyncset.done $0x0  }
0x55b: {  	s1 =	simm.s32 $0x15DC0;
	[sflag:s18] =	ssyncadd.s32 $0xFFFFC000  }
0x55c: {  	[tilespmem:s15], [sflag:$0x2] =	stream.indirect.gather [hbm4b:s2+s12], $0x80, s1, s12, $0xb8;
	[tilespmem:$0x1E0C0] =	vst v63  }
0x55d: {  	_ =	swait.ge [sflag:s16], $0x4000  }
0x55e: {  	[sflag:s16] =	ssyncset.done $0x0  }
0x55f: {  	s6 =	simm.s32 $0x15D40;
	[sflag:s16] =	ssyncadd.s32 $0xFFFFC000  }
0x560: {  	[spmem:s3] =	stream.indirect.scatter.add.f32 [tilespmem:s13], [sflag:$0x5], $0x80, s6, s12, $0xb8;
	[tilespmem:$0x1E0C0] =	vst v63  }
0x561: {  	_ =	swait.ge [sflag:s18], $0x4000  }
0x562: {  	[sflag:s18] =	ssyncset.done $0x0  }
0x563: {  	s9 =	simm.s32 $0x15EC0;
	[sflag:s18] =	ssyncadd.s32 $0xFFFFC000  }
0x564: {  	[tilespmem:s13], [sflag:$0x1] =	stream.indirect.gather [hbm4b:s2+s12], $0x80, s9, s12, $0xb8;
	[tilespmem:$0x1E0C0] =	vst v63  }
0x565: {  	_ =	swait.ge [sflag:s20], $0x4000  }
0x566: {  	[sflag:s20] =	ssyncset.done $0x0  }
0x567: {  	s26 =	simm.s32 $0x15E40;
	[sflag:s20] =	ssyncadd.s32 $0xFFFFC000  }
0x568: {  	[spmem:s3] =	stream.indirect.scatter.add.f32 [tilespmem:s15], [sflag:$0x5], $0x80, s26, s12, $0xb8;
	[tilespmem:$0x1E0C0] =	vst v63  }
0x569: {  	_ =	swait.ge [sflag:s18], $0x4000  }
0x56a: {  	[sflag:s18] =	ssyncset.done $0x0  }
0x56b: {  	s28 =	simm.s32 $0x15FC0;
	[sflag:s18] =	ssyncadd.s32 $0xFFFFC000  }
0x56c: {  	[tilespmem:s15], [sflag:$0x2] =	stream.indirect.gather [hbm4b:s2+s12], $0x80, s28, s12, $0xb8;
	[tilespmem:$0x1E0C0] =	vst v63  }
0x56d: {  	_ =	swait.ge [sflag:s16], $0x4000  }
0x56e: {  	[sflag:s16] =	ssyncset.done $0x0  }
0x56f: {  	s29 =	simm.s32 $0x15F40;
	[sflag:s16] =	ssyncadd.s32 $0xFFFFC000  }
0x570: {  	[spmem:s3] =	stream.indirect.scatter.add.f32 [tilespmem:s13], [sflag:$0x5], $0x80, s29, s12, $0xb8;
	[tilespmem:$0x1E0C0] =	vst v63  }
0x571: {  	_ =	swait.ge [sflag:s18], $0x4000  }
0x572: {  	[sflag:s18] =	ssyncset.done $0x0  }
0x573: {  	[sflag:s18] =	ssyncadd.s32 $0xFFFFC000  }
0x574: {  	_ =	swait.ge [sflag:s20], $0x4000  }
0x575: {  	[sflag:s20] =	ssyncset.done $0x0  }
0x576: {  	s30 =	simm.s32 $0x16040;
	[sflag:s20] =	ssyncadd.s32 $0xFFFFC000  }
0x577: {  	[spmem:s3] =	stream.indirect.scatter.add.f32 [tilespmem:s15], [sflag:$0x5], $0x80, s30, s12, $0xb8;
	[tilespmem:$0x1E0C0] =	vst v63  }
0x578: {  	_ =	swait.ge [sflag:s18], $0x4000  }
0x579: {  	[sflag:s18] =	ssyncset.done $0x0  }
0x57a: {  	[sflag:s18] =	ssyncadd.s32 $0xFFFFC000  }
0x57b: {  	[bflag:$0x0] =	sbarrier.arrive $0xFFFF  }
0x57c: {  	s26 =	rddreg [dreg:$0xe]  }
0x57d: {  	s1 =	simm.s32 @!p1 $0x1FC5;
	s0 =	rddreg [dreg:$0x13]  }
0x57e: {  	[hbm:s26], [sflag:s1] =	dma.local @!p1 [spmem:s0], $0x2080  }
0x57f: {  	s0 =	simm.s32 @!p1 $0x5  }
0x580: {  	_ =	swait.ge @!p1 [sflag:s0], $0x2080  }
0x581: {  	s26 =	rddreg [dreg:$0xd]  }
0x582: {  	[sflag:s0] =	ssyncset.done @!p1 $0x0;
	s1 =	rddreg [dreg:$0x15]  }
0x583: {  	[sflag:s0] =	ssyncadd.s32 @!p1 $0xFFFFDF80;
	s0 =	rddreg [dreg:$0x14]  }
0x584: {  	[hbm:s26], [sflag:s0] =	dma.local @!p2 [spmem:s1], $0x2780  }
0x585: {  	s0 =	simm.s32 @!p2 $0x5  }
0x586: {  	_ =	swait.ge @!p2 [sflag:s0], $0x2780  }
0x587: {  	[sflag:s0] =	ssyncset.done @!p2 $0x0;
	s26 =	rddreg [dreg:$0xc]  }
0x588: {  	s1 =	simm.s32 @!p3 $0x1FC5;
	[sflag:s0] =	ssyncadd.s32 @!p2 $0xFFFFD880;
	s0 =	rddreg [dreg:$0x16]  }
0x589: {  	[hbm:s26], [sflag:s1] =	dma.local @!p3 [spmem:s0], $0x2080  }
0x58a: {  	s0 =	simm.s32 @!p3 $0x5  }
0x58b: {  	s25 =	sadd.s32 $0xFFFFFFFF, s25;
	_ =	swait.ge @!p3 [sflag:s0], $0x2080  }
0x58c: {  	p5 =	sne.s32 s25, $0x0;
	s26 =	rddreg [dreg:$0xb]  }
.Ltmp1:
0x58d: {  	[sflag:s0] =	ssyncset.done @!p3 $0x0;
	s1 =	rddreg [dreg:$0x18];
	(pc) =	sbr.rel @p5 .LBB2_2-.Ltmp1, $4  }
0x58e: {  	[sflag:s0] =	ssyncadd.s32 @!p3 $0xFFFFDF80;
	s0 =	rddreg [dreg:$0x17]  }
0x58f: {  	[hbm:s26], [sflag:s0] =	dma.local @!p4 [spmem:s1], $0x2780  }
0x590: {  	s0 =	simm.s32 @!p4 $0x5  }
0x591: {  	_ =	swait.ge @!p4 [sflag:s0], $0x2780  }
.LBB2_3:
0x592: {  	[sflag:s0] =	ssyncset.done @!p4 $0x0  }
0x593: {  	[sflag:s0] =	ssyncadd.s32 @!p4 $0xFFFFD880  }
0x594: {  	_ =	sfence.sel $0x180000  }
0x595: {  	[bflag:$0x0] =	sbarrier.arrive $0xFFFF  }
0x596: {  	_ =	strace $0x90000047  }
0x597: {  	s31 =	stileid.u32;
	[bflag:$0x2] =	sbarrier.arrive $0xFFFF  }
0x598: {  	p0 =	sne.s32 s31, $0x0;
	s0 =	rddreg [dreg:$0x5]  }
0x599: {  	s0 =	sadd.s32 @!p0 $0x100000, s0  }
0x59a: {  	[sflag:s0] =	ssyncadd.tile.s32 @!p0 $0x1;
	_ =	shalt  }
.Lfunc_end2:
_tile_overlayer_lowered:
.L_overlay_start_2:
0x59b: {  	(tag) =	ssettag $0x2  }
0x59c: {  	s0 =	rddreg [dreg:$0x0];
	s2 =	stileid.u32  }
0x59d: {  	s1 =	rddreg [dreg:$0x1];
	p0 =	sne.s32 s2, $0x0  }
0x59e: {  	s3 =	rddreg [dreg:$0x2];
	[bflag:$0x3] =	sbarrier.arrive $0xFFFF;
	s2 =	simm.s32 @!p0 $0x1C05  }
0x59f: {  	[timem:s3], [sflag:s2] =	dma.local @!p0 [hbm:s0], s1  }
0x5a0: {  	s0 =	simm.s32 @!p0 $0x5  }
0x5a1: {  	_ =	swait.ge @!p0 [sflag:s0], s1  }
0x5a2: {  	s1 =	ssub.s32 @!p0 $0x0, s1;
	[sflag:s0] =	ssyncset.done @!p0 $0x0  }
0x5a3: {  	[sflag:s0] =	ssyncadd.s32 @!p0 s1  }
0x5a4: {  	[bflag:$0x3] =	sbarrier.arrive $0xFFFF  }
0x5a5: {  	_ =	shalt  }

</sc_bundles>
